<compile_context>
chip_gen: v7x
topology: tpu7x:2x2x1
jax: 0.10.2.dev20260603
libtpu: 0.0.44.dev20260713+nightly
codegen_flags: <defaults>
</compile_context>

<pallas_src>
import functools

import jax
import jax.numpy as jnp
from jax import lax
from jax.experimental import pallas as pl
from jax.experimental.pallas import tpu as pltpu
from jax.experimental.pallas import tpu_sc as plsc

_VOCAB = 1000000
_D = 64
_B = 16384
_W = 16
_TOT = _B * _W
_NC = 2
_NS = 16
_NW = _NC * _NS
_PER_W = _TOT // _NW
_CHUNK = 256
_NCH = _PER_W // _CHUNK
assert _NCH % 2 == 0

_mesh = plsc.VectorSubcoreMesh(core_axis_name="c", subcore_axis_name="s")


@functools.partial(
    pl.kernel,
    mesh=_mesh,
    out_type=jax.ShapeDtypeStruct((_TOT, _D), jnp.float32),
    compiler_params=pltpu.CompilerParams(use_tc_tiling_on_sc=True),
    scratch_types=[
        pltpu.VMEM((_NCH, _CHUNK), jnp.int32),
        pltpu.VMEM((2, _CHUNK, _D), jnp.float32),
        [pltpu.SemaphoreType.DMA] * 2,
        [pltpu.SemaphoreType.DMA] * 2,
    ],
)
def _gather_kernel(idx_hbm, table3_hbm, out_hbm, idx_v, rows_v, gsems, ssems):
    table_hbm = table3_hbm.at[0]
    wid = lax.axis_index("s") * _NC + lax.axis_index("c")
    base = wid * _PER_W
    pltpu.sync_copy(idx_hbm.at[wid], idx_v)

    def issue(c, slot):
        def grp_body(g, carry):
            vec = idx_v[c, pl.ds(g * 16, 16)]
            for i in range(16):
                pltpu.make_async_copy(
                    table_hbm.at[pl.ds(vec[i], 1)],
                    rows_v.at[slot, pl.ds(g * 16 + i, 1)],
                    gsems[slot],
                ).start()
            return carry

        lax.fori_loop(0, _CHUNK // 16, grp_body, 0)

    def drain(slot):
        pltpu.make_async_copy(
            table_hbm.at[pl.ds(0, _CHUNK)], rows_v.at[slot], gsems[slot]
        ).wait()

    def store_start(c, slot):
        pltpu.make_async_copy(
            rows_v.at[slot],
            out_hbm.at[pl.ds(base + c * _CHUNK, _CHUNK)],
            ssems[slot],
        ).start()

    def store_wait(slot):
        pltpu.make_async_copy(
            rows_v.at[slot], out_hbm.at[pl.ds(base, _CHUNK)], ssems[slot]
        ).wait()

    issue(0, 0)

    def pair_body(p, carry):
        c0 = 2 * p

        @pl.when(p >= 1)
        def _():
            store_wait(1)
        issue(c0 + 1, 1)
        drain(0)
        store_start(c0, 0)

        @pl.when(c0 + 2 < _NCH)
        def _():
            store_wait(0)
            issue(c0 + 2, 0)
        drain(1)
        store_start(c0 + 1, 1)
        return carry

    lax.fori_loop(0, _NCH // 2, pair_body, 0)
    store_wait(0)
    store_wait(1)


def kernel(sentence, word_embd):
    idx = sentence.astype(jnp.int32).reshape(_NW, _NCH, _CHUNK)
    out = _gather_kernel(idx, word_embd.reshape(1, _VOCAB, _D))
    return out.reshape(_B, _W, _D)

# --- scband reference (transcript-rebuilt; emitter-appended) ---
"""Pipeline reference for scband-text-preprocess-17265768530656 (READ-ONLY COPY).

The authoritative reference and input builder live on the scoring server;
editing this copy changes nothing except your own understanding.
"""

import jax, jax.numpy as jnp
import numpy as np

VOCAB = 1000000
EMBED_DIM = 64
BATCH = 16384
MAX_WORDS = 16

def setup_inputs(seed: int = 0) -> dict:
    key = jax.random.key(seed)
    k1, k2 = jax.random.split(key)
    # Token ids produced by the string->token preprocessing stage; we model the
    # resulting id tensor directly (original module returns [B, max_words] int64).
    sentence = jax.random.randint(k1, (BATCH, MAX_WORDS), 0, VOCAB, dtype=jnp.int64) if jax.config.jax_enable_x64 else jax.random.randint(k1, (BATCH, MAX_WORDS), 0, VOCAB, dtype=jnp.int32)
    # Pretrained word2vec embedding table (Embedding.from_pretrained)
    word_embd = jax.random.normal(k2, (VOCAB, EMBED_DIM), dtype=jnp.float32)
    return {"sentence": sentence, "word_embd": word_embd}

def reference(sentence, word_embd):
    # forward: x = self.word_embd(x)  -> gather rows of the embedding table
    return jnp.take(word_embd, sentence, axis=0)

if __name__ == "__main__":
    import jax
    _d = setup_inputs()
    print(jax.jit(kernel)(*tuple(_d.values())))

</pallas_src>

<mosaic_0001>
#map = affine_map<(d0, d1) -> (0, 0, 0)>
#map1 = affine_map<(d0, d1) -> (0, 0)>
module attributes {stable_mosaic.version = 14 : i64} {
  func.func @_gather_kernel(%arg0: i32, %arg1: i32, %arg2: memref<32x32x256xi32, #tpu.memory_space<hbm>>, %arg3: memref<1x1000000x64xf32, #tpu.memory_space<hbm>>, %arg4: memref<262144x64xf32, #tpu.memory_space<hbm>>, %arg5: memref<32x256xi32, #tpu.memory_space<vmem>>, %arg6: memref<2x256x64xf32, #tpu.memory_space<vmem>>, %arg7: memref<!tpu.dma_semaphore, #tpu.memory_space<semaphore_mem>>, %arg8: memref<!tpu.dma_semaphore, #tpu.memory_space<semaphore_mem>>, %arg9: memref<!tpu.dma_semaphore, #tpu.memory_space<semaphore_mem>>, %arg10: memref<!tpu.dma_semaphore, #tpu.memory_space<semaphore_mem>>) attributes {dimension_semantics = [#tpu.dimension_semantics<core_parallel>, #tpu.dimension_semantics<subcore_parallel>], iteration_bounds = array<i64: 2, 16>, scalar_prefetch = 0 : i64, scratch_operands = 6 : i64, tpu.core_type = #tpu.core_type<sc_vector_subcore>, window_params = [{transform_indices = #map}, {transform_indices = #map}, {transform_indices = #map1}]} {
    %mul3A = arith.constant 2 : i32
    %mul3A_0 = arith.muli %arg1, %mul3A : i32
    %add3A = arith.addi %mul3A_0, %arg0 : i32
    %mul3A_1 = arith.constant 8192 : i32
    %mul3A_2 = arith.muli %add3A, %mul3A_1 : i32
    "tpu.region"() ({
      %run_scoped3A = tpu.sem_alloc : memref<!tpu.dma_semaphore, #tpu.memory_space<semaphore_mem>>
      %dma_start3A = arith.constant 0 : i32
      %dma_start3A_41 = arith.constant 0 : i32
      %dma_start3A_42 = tpu.memref_slice %arg2[%add3A, %dma_start3A, %dma_start3A_41] : memref<32x32x256xi32, #tpu.memory_space<hbm>> -> memref<1x32x256xi32, #tpu.memory_space<hbm>>
      %dma_start3A_43 = tpu.memref_squeeze %dma_start3A_42 : memref<1x32x256xi32, #tpu.memory_space<hbm>> -> memref<32x256xi32, #tpu.memory_space<hbm>>
      %dma_start3A_44 = arith.constant 0 : i32
      %dma_start3A_45 = arith.constant 0 : i32
      %dma_start3A_46 = tpu.memref_slice %arg2[%add3A, %dma_start3A_44, %dma_start3A_45] : memref<32x32x256xi32, #tpu.memory_space<hbm>> -> memref<1x32x256xi32, #tpu.memory_space<hbm>>
      %dma_start3A_47 = tpu.memref_squeeze %dma_start3A_46 : memref<1x32x256xi32, #tpu.memory_space<hbm>> -> memref<32x256xi32, #tpu.memory_space<hbm>>
      tpu.enqueue_dma source(%dma_start3A_47 : memref<32x256xi32, #tpu.memory_space<hbm>>) target(%arg5 : memref<32x256xi32, #tpu.memory_space<vmem>>) target_semaphore(%run_scoped3A : memref<!tpu.dma_semaphore, #tpu.memory_space<semaphore_mem>>)
      %dma_wait3A_48 = arith.constant 0 : i32
      %dma_wait3A_49 = arith.constant 0 : i32
      %dma_wait3A_50 = tpu.memref_slice %arg2[%add3A, %dma_wait3A_48, %dma_wait3A_49] : memref<32x32x256xi32, #tpu.memory_space<hbm>> -> memref<1x32x256xi32, #tpu.memory_space<hbm>>
      %dma_wait3A_51 = tpu.memref_squeeze %dma_wait3A_50 : memref<1x32x256xi32, #tpu.memory_space<hbm>> -> memref<32x256xi32, #tpu.memory_space<hbm>>
      %dma_wait3A_52 = arith.constant 0 : i32
      %dma_wait3A_53 = arith.constant 0 : i32
      %dma_wait3A_54 = tpu.memref_slice %arg2[%add3A, %dma_wait3A_52, %dma_wait3A_53] : memref<32x32x256xi32, #tpu.memory_space<hbm>> -> memref<1x32x256xi32, #tpu.memory_space<hbm>>
      %dma_wait3A_55 = tpu.memref_squeeze %dma_wait3A_54 : memref<1x32x256xi32, #tpu.memory_space<hbm>> -> memref<32x256xi32, #tpu.memory_space<hbm>>
      tpu.wait_dma2 semaphore(%run_scoped3A : memref<!tpu.dma_semaphore, #tpu.memory_space<semaphore_mem>>) src(%dma_wait3A_55 : memref<32x256xi32, #tpu.memory_space<hbm>>) dst(%arg5 : memref<32x256xi32, #tpu.memory_space<vmem>>)
      tpu.yield
    }) : () -> ()
    %scan3A = arith.constant 0 : i32
    %scan3A_3 = arith.constant 0 : i32
    %scan3A_4 = arith.constant 0 : i32
    %scan3A_5 = arith.constant 16 : i32
    %scan3A_6 = arith.addi %scan3A_4, %scan3A_5 : i32
    %scan3A_7 = arith.constant 1 : i32
    scf.for %scan3A_41 = %scan3A_4 to %scan3A_6 step %scan3A_7  : i32 {
      %mul3A_42 = arith.constant 16 : i32
      %mul3A_43 = arith.muli %scan3A_41, %mul3A_42 : i32
      %get3A = arith.constant 0 : i32
      %get3A_44 = arith.index_cast %get3A : i32 to index
      %get3A_45 = arith.index_cast %mul3A_43 : i32 to index
      %get3A_46 = tpu.vector_load %arg5[%get3A_44, %get3A_45] {strides = array<i32>} : memref<32x256xi32, #tpu.memory_space<vmem>>, vector<1x16xi32>,
      %get3A_47 = vector.shape_cast %get3A_46 : vector<1x16xi32> to vector<16xi32>
      %slice3A = vector.extract_strided_slice %get3A_47 {offsets = [0], sizes = [1], strides = [1]} : vector<16xi32> to vector<1xi32>
      %squeeze3A = vector.extract %slice3A[0] : i32 from vector<1xi32>
      %mul3A_48 = arith.constant 16 : i32
      %mul3A_49 = arith.muli %scan3A_41, %mul3A_48 : i32
      %add3A_50 = arith.constant 0 : i32
      %add3A_51 = arith.addi %mul3A_49, %add3A_50 : i32
      %dma_start3A = arith.constant 0 : i32
      %dma_start3A_52 = arith.constant 0 : i32
      %dma_start3A_53 = tpu.memref_slice %arg6[%dma_start3A, %add3A_51, %dma_start3A_52] : memref<2x256x64xf32, #tpu.memory_space<vmem>> -> memref<1x1x64xf32, #tpu.memory_space<vmem>>
      %dma_start3A_54 = tpu.memref_squeeze %dma_start3A_53 : memref<1x1x64xf32, #tpu.memory_space<vmem>> -> memref<1x64xf32, #tpu.memory_space<vmem>>
      %dma_start3A_55 = arith.constant 0 : i32
      %dma_start3A_56 = arith.constant 0 : i32
      %dma_start3A_57 = tpu.memref_slice %arg3[%scan3A_3, %dma_start3A_55, %dma_start3A_56] : memref<1x1000000x64xf32, #tpu.memory_space<hbm>> -> memref<1x1000000x64xf32, #tpu.memory_space<hbm>>
      %dma_start3A_58 = tpu.memref_squeeze %dma_start3A_57 : memref<1x1000000x64xf32, #tpu.memory_space<hbm>> -> memref<1000000x64xf32, #tpu.memory_space<hbm>>
      %dma_start3A_59 = arith.constant 0 : i32
      %dma_start3A_60 = tpu.memref_slice %dma_start3A_58[%squeeze3A, %dma_start3A_59] : memref<1000000x64xf32, #tpu.memory_space<hbm>> -> memref<1x64xf32, #tpu.memory_space<hbm>>
      %dma_start3A_61 = arith.constant 0 : i32
      %dma_start3A_62 = tpu.memref_slice %arg6[%dma_start3A, %add3A_51, %dma_start3A_61] : memref<2x256x64xf32, #tpu.memory_space<vmem>> -> memref<1x1x64xf32, #tpu.memory_space<vmem>>
      %dma_start3A_63 = tpu.memref_squeeze %dma_start3A_62 : memref<1x1x64xf32, #tpu.memory_space<vmem>> -> memref<1x64xf32, #tpu.memory_space<vmem>>
      %dma_start3A_64 = arith.constant 0 : i32
      %dma_start3A_65 = arith.constant 0 : i32
      %dma_start3A_66 = tpu.memref_slice %arg3[%scan3A_3, %dma_start3A_64, %dma_start3A_65] : memref<1x1000000x64xf32, #tpu.memory_space<hbm>> -> memref<1x1000000x64xf32, #tpu.memory_space<hbm>>
      %dma_start3A_67 = tpu.memref_squeeze %dma_start3A_66 : memref<1x1000000x64xf32, #tpu.memory_space<hbm>> -> memref<1000000x64xf32, #tpu.memory_space<hbm>>
      %dma_start3A_68 = arith.constant 0 : i32
      %dma_start3A_69 = tpu.memref_slice %dma_start3A_67[%squeeze3A, %dma_start3A_68] : memref<1000000x64xf32, #tpu.memory_space<hbm>> -> memref<1x64xf32, #tpu.memory_space<hbm>>
      tpu.enqueue_dma source(%dma_start3A_69 : memref<1x64xf32, #tpu.memory_space<hbm>>) target(%dma_start3A_63 : memref<1x64xf32, #tpu.memory_space<vmem>>) target_semaphore(%arg7 : memref<!tpu.dma_semaphore, #tpu.memory_space<semaphore_mem>>)
      %slice3A_70 = vector.extract_strided_slice %get3A_47 {offsets = [1], sizes = [1], strides = [1]} : vector<16xi32> to vector<1xi32>
      %squeeze3A_71 = vector.extract %slice3A_70[0] : i32 from vector<1xi32>
      %mul3A_72 = arith.constant 16 : i32
      %mul3A_73 = arith.muli %scan3A_41, %mul3A_72 : i32
      %add3A_74 = arith.constant 1 : i32
      %add3A_75 = arith.addi %mul3A_73, %add3A_74 : i32
      %dma_start3A_76 = arith.constant 0 : i32
      %dma_start3A_77 = arith.constant 0 : i32
      %dma_start3A_78 = tpu.memref_slice %arg6[%dma_start3A_76, %add3A_75, %dma_start3A_77] : memref<2x256x64xf32, #tpu.memory_space<vmem>> -> memref<1x1x64xf32, #tpu.memory_space<vmem>>
      %dma_start3A_79 = tpu.memref_squeeze %dma_start3A_78 : memref<1x1x64xf32, #tpu.memory_space<vmem>> -> memref<1x64xf32, #tpu.memory_space<vmem>>
      %dma_start3A_80 = arith.constant 0 : i32
      %dma_start3A_81 = arith.constant 0 : i32
      %dma_start3A_82 = tpu.memref_slice %arg3[%scan3A_3, %dma_start3A_80, %dma_start3A_81] : memref<1x1000000x64xf32, #tpu.memory_space<hbm>> -> memref<1x1000000x64xf32, #tpu.memory_space<hbm>>
      %dma_start3A_83 = tpu.memref_squeeze %dma_start3A_82 : memref<1x1000000x64xf32, #tpu.memory_space<hbm>> -> memref<1000000x64xf32, #tpu.memory_space<hbm>>
      %dma_start3A_84 = arith.constant 0 : i32
      %dma_start3A_85 = tpu.memref_slice %dma_start3A_83[%squeeze3A_71, %dma_start3A_84] : memref<1000000x64xf32, #tpu.memory_space<hbm>> -> memref<1x64xf32, #tpu.memory_space<hbm>>
      %dma_start3A_86 = arith.constant 0 : i32
      %dma_start3A_87 = tpu.memref_slice %arg6[%dma_start3A_76, %add3A_75, %dma_start3A_86] : memref<2x256x64xf32, #tpu.memory_space<vmem>> -> memref<1x1x64xf32, #tpu.memory_space<vmem>>
      %dma_start3A_88 = tpu.memref_squeeze %dma_start3A_87 : memref<1x1x64xf32, #tpu.memory_space<vmem>> -> memref<1x64xf32, #tpu.memory_space<vmem>>
      %dma_start3A_89 = arith.constant 0 : i32
      %dma_start3A_90 = arith.constant 0 : i32
      %dma_start3A_91 = tpu.memref_slice %arg3[%scan3A_3, %dma_start3A_89, %dma_start3A_90] : memref<1x1000000x64xf32, #tpu.memory_space<hbm>> -> memref<1x1000000x64xf32, #tpu.memory_space<hbm>>
      %dma_start3A_92 = tpu.memref_squeeze %dma_start3A_91 : memref<1x1000000x64xf32, #tpu.memory_space<hbm>> -> memref<1000000x64xf32, #tpu.memory_space<hbm>>
      %dma_start3A_93 = arith.constant 0 : i32
      %dma_start3A_94 = tpu.memref_slice %dma_start3A_92[%squeeze3A_71, %dma_start3A_93] : memref<1000000x64xf32, #tpu.memory_space<hbm>> -> memref<1x64xf32, #tpu.memory_space<hbm>>
      tpu.enqueue_dma source(%dma_start3A_94 : memref<1x64xf32, #tpu.memory_space<hbm>>) target(%dma_start3A_88 : memref<1x64xf32, #tpu.memory_space<vmem>>) target_semaphore(%arg7 : memref<!tpu.dma_semaphore, #tpu.memory_space<semaphore_mem>>)
      %slice3A_95 = vector.extract_strided_slice %get3A_47 {offsets = [2], sizes = [1], strides = [1]} : vector<16xi32> to vector<1xi32>
      %squeeze3A_96 = vector.extract %slice3A_95[0] : i32 from vector<1xi32>
      %mul3A_97 = arith.constant 16 : i32
      %mul3A_98 = arith.muli %scan3A_41, %mul3A_97 : i32
      %add3A_99 = arith.constant 2 : i32
      %add3A_100 = arith.addi %mul3A_98, %add3A_99 : i32
      %dma_start3A_101 = arith.constant 0 : i32
      %dma_start3A_102 = arith.constant 0 : i32
      %dma_start3A_103 = tpu.memref_slice %arg6[%dma_start3A_101, %add3A_100, %dma_start3A_102] : memref<2x256x64xf32, #tpu.memory_space<vmem>> -> memref<1x1x64xf32, #tpu.memory_space<vmem>>
      %dma_start3A_104 = tpu.memref_squeeze %dma_start3A_103 : memref<1x1x64xf32, #tpu.memory_space<vmem>> -> memref<1x64xf32, #tpu.memory_space<vmem>>
      %dma_start3A_105 = arith.constant 0 : i32
      %dma_start3A_106 = arith.constant 0 : i32
      %dma_start3A_107 = tpu.memref_slice %arg3[%scan3A_3, %dma_start3A_105, %dma_start3A_106] : memref<1x1000000x64xf32, #tpu.memory_space<hbm>> -> memref<1x1000000x64xf32, #tpu.memory_space<hbm>>
      %dma_start3A_108 = tpu.memref_squeeze %dma_start3A_107 : memref<1x1000000x64xf32, #tpu.memory_space<hbm>> -> memref<1000000x64xf32, #tpu.memory_space<hbm>>
      %dma_start3A_109 = arith.constant 0 : i32
      %dma_start3A_110 = tpu.memref_slice %dma_start3A_108[%squeeze3A_96, %dma_start3A_109] : memref<1000000x64xf32, #tpu.memory_space<hbm>> -> memref<1x64xf32, #tpu.memory_space<hbm>>
      %dma_start3A_111 = arith.constant 0 : i32
      %dma_start3A_112 = tpu.memref_slice %arg6[%dma_start3A_101, %add3A_100, %dma_start3A_111] : memref<2x256x64xf32, #tpu.memory_space<vmem>> -> memref<1x1x64xf32, #tpu.memory_space<vmem>>
      %dma_start3A_113 = tpu.memref_squeeze %dma_start3A_112 : memref<1x1x64xf32, #tpu.memory_space<vmem>> -> memref<1x64xf32, #tpu.memory_space<vmem>>
      %dma_start3A_114 = arith.constant 0 : i32
      %dma_start3A_115 = arith.constant 0 : i32
      %dma_start3A_116 = tpu.memref_slice %arg3[%scan3A_3, %dma_start3A_114, %dma_start3A_115] : memref<1x1000000x64xf32, #tpu.memory_space<hbm>> -> memref<1x1000000x64xf32, #tpu.memory_space<hbm>>
      %dma_start3A_117 = tpu.memref_squeeze %dma_start3A_116 : memref<1x1000000x64xf32, #tpu.memory_space<hbm>> -> memref<1000000x64xf32, #tpu.memory_space<hbm>>
      %dma_start3A_118 = arith.constant 0 : i32
      %dma_start3A_119 = tpu.memref_slice %dma_start3A_117[%squeeze3A_96, %dma_start3A_118] : memref<1000000x64xf32, #tpu.memory_space<hbm>> -> memref<1x64xf32, #tpu.memory_space<hbm>>
      tpu.enqueue_dma source(%dma_start3A_119 : memref<1x64xf32, #tpu.memory_space<hbm>>) target(%dma_start3A_113 : memref<1x64xf32, #tpu.memory_space<vmem>>) target_semaphore(%arg7 : memref<!tpu.dma_semaphore, #tpu.memory_space<semaphore_mem>>)
      %slice3A_120 = vector.extract_strided_slice %get3A_47 {offsets = [3], sizes = [1], strides = [1]} : vector<16xi32> to vector<1xi32>
      %squeeze3A_121 = vector.extract %slice3A_120[0] : i32 from vector<1xi32>
      %mul3A_122 = arith.constant 16 : i32
      %mul3A_123 = arith.muli %scan3A_41, %mul3A_122 : i32
      %add3A_124 = arith.constant 3 : i32
      %add3A_125 = arith.addi %mul3A_123, %add3A_124 : i32
      %dma_start3A_126 = arith.constant 0 : i32
      %dma_start3A_127 = arith.constant 0 : i32
      %dma_start3A_128 = tpu.memref_slice %arg6[%dma_start3A_126, %add3A_125, %dma_start3A_127] : memref<2x256x64xf32, #tpu.memory_space<vmem>> -> memref<1x1x64xf32, #tpu.memory_space<vmem>>
      %dma_start3A_129 = tpu.memref_squeeze %dma_start3A_128 : memref<1x1x64xf32, #tpu.memory_space<vmem>> -> memref<1x64xf32, #tpu.memory_space<vmem>>
      %dma_start3A_130 = arith.constant 0 : i32
      %dma_start3A_131 = arith.constant 0 : i32
      %dma_start3A_132 = tpu.memref_slice %arg3[%scan3A_3, %dma_start3A_130, %dma_start3A_131] : memref<1x1000000x64xf32, #tpu.memory_space<hbm>> -> memref<1x1000000x64xf32, #tpu.memory_space<hbm>>
      %dma_start3A_133 = tpu.memref_squeeze %dma_start3A_132 : memref<1x1000000x64xf32, #tpu.memory_space<hbm>> -> memref<1000000x64xf32, #tpu.memory_space<hbm>>
      %dma_start3A_134 = arith.constant 0 : i32
      %dma_start3A_135 = tpu.memref_slice %dma_start3A_133[%squeeze3A_121, %dma_start3A_134] : memref<1000000x64xf32, #tpu.memory_space<hbm>> -> memref<1x64xf32, #tpu.memory_space<hbm>>
      %dma_start3A_136 = arith.constant 0 : i32
      %dma_start3A_137 = tpu.memref_slice %arg6[%dma_start3A_126, %add3A_125, %dma_start3A_136] : memref<2x256x64xf32, #tpu.memory_space<vmem>> -> memref<1x1x64xf32, #tpu.memory_space<vmem>>
      %dma_start3A_138 = tpu.memref_squeeze %dma_start3A_137 : memref<1x1x64xf32, #tpu.memory_space<vmem>> -> memref<1x64xf32, #tpu.memory_space<vmem>>
      %dma_start3A_139 = arith.constant 0 : i32
      %dma_start3A_140 = arith.constant 0 : i32
      %dma_start3A_141 = tpu.memref_slice %arg3[%scan3A_3, %dma_start3A_139, %dma_start3A_140] : memref<1x1000000x64xf32, #tpu.memory_space<hbm>> -> memref<1x1000000x64xf32, #tpu.memory_space<hbm>>
      %dma_start3A_142 = tpu.memref_squeeze %dma_start3A_141 : memref<1x1000000x64xf32, #tpu.memory_space<hbm>> -> memref<1000000x64xf32, #tpu.memory_space<hbm>>
      %dma_start3A_143 = arith.constant 0 : i32
      %dma_start3A_144 = tpu.memref_slice %dma_start3A_142[%squeeze3A_121, %dma_start3A_143] : memref<1000000x64xf32, #tpu.memory_space<hbm>> -> memref<1x64xf32, #tpu.memory_space<hbm>>
      tpu.enqueue_dma source(%dma_start3A_144 : memref<1x64xf32, #tpu.memory_space<hbm>>) target(%dma_start3A_138 : memref<1x64xf32, #tpu.memory_space<vmem>>) target_semaphore(%arg7 : memref<!tpu.dma_semaphore, #tpu.memory_space<semaphore_mem>>)
      %slice3A_145 = vector.extract_strided_slice %get3A_47 {offsets = [4], sizes = [1], strides = [1]} : vector<16xi32> to vector<1xi32>
      %squeeze3A_146 = vector.extract %slice3A_145[0] : i32 from vector<1xi32>
      %mul3A_147 = arith.constant 16 : i32
      %mul3A_148 = arith.muli %scan3A_41, %mul3A_147 : i32
      %add3A_149 = arith.constant 4 : i32
      %add3A_150 = arith.addi %mul3A_148, %add3A_149 : i32
      %dma_start3A_151 = arith.constant 0 : i32
      %dma_start3A_152 = arith.constant 0 : i32
      %dma_start3A_153 = tpu.memref_slice %arg6[%dma_start3A_151, %add3A_150, %dma_start3A_152] : memref<2x256x64xf32, #tpu.memory_space<vmem>> -> memref<1x1x64xf32, #tpu.memory_space<vmem>>
      %dma_start3A_154 = tpu.memref_squeeze %dma_start3A_153 : memref<1x1x64xf32, #tpu.memory_space<vmem>> -> memref<1x64xf32, #tpu.memory_space<vmem>>
      %dma_start3A_155 = arith.constant 0 : i32
      %dma_start3A_156 = arith.constant 0 : i32
      %dma_start3A_157 = tpu.memref_slice %arg3[%scan3A_3, %dma_start3A_155, %dma_start3A_156] : memref<1x1000000x64xf32, #tpu.memory_space<hbm>> -> memref<1x1000000x64xf32, #tpu.memory_space<hbm>>
      %dma_start3A_158 = tpu.memref_squeeze %dma_start3A_157 : memref<1x1000000x64xf32, #tpu.memory_space<hbm>> -> memref<1000000x64xf32, #tpu.memory_space<hbm>>
      %dma_start3A_159 = arith.constant 0 : i32
      %dma_start3A_160 = tpu.memref_slice %dma_start3A_158[%squeeze3A_146, %dma_start3A_159] : memref<1000000x64xf32, #tpu.memory_space<hbm>> -> memref<1x64xf32, #tpu.memory_space<hbm>>
      %dma_start3A_161 = arith.constant 0 : i32
      %dma_start3A_162 = tpu.memref_slice %arg6[%dma_start3A_151, %add3A_150, %dma_start3A_161] : memref<2x256x64xf32, #tpu.memory_space<vmem>> -> memref<1x1x64xf32, #tpu.memory_space<vmem>>
      %dma_start3A_163 = tpu.memref_squeeze %dma_start3A_162 : memref<1x1x64xf32, #tpu.memory_space<vmem>> -> memref<1x64xf32, #tpu.memory_space<vmem>>
      %dma_start3A_164 = arith.constant 0 : i32
      %dma_start3A_165 = arith.constant 0 : i32
      %dma_start3A_166 = tpu.memref_slice %arg3[%scan3A_3, %dma_start3A_164, %dma_start3A_165] : memref<1x1000000x64xf32, #tpu.memory_space<hbm>> -> memref<1x1000000x64xf32, #tpu.memory_space<hbm>>
      %dma_start3A_167 = tpu.memref_squeeze %dma_start3A_166 : memref<1x1000000x64xf32, #tpu.memory_space<hbm>> -> memref<1000000x64xf32, #tpu.memory_space<hbm>>
      %dma_start3A_168 = arith.constant 0 : i32
      %dma_start3A_169 = tpu.memref_slice %dma_start3A_167[%squeeze3A_146, %dma_start3A_168] : memref<1000000x64xf32, #tpu.memory_space<hbm>> -> memref<1x64xf32, #tpu.memory_space<hbm>>
      tpu.enqueue_dma source(%dma_start3A_169 : memref<1x64xf32, #tpu.memory_space<hbm>>) target(%dma_start3A_163 : memref<1x64xf32, #tpu.memory_space<vmem>>) target_semaphore(%arg7 : memref<!tpu.dma_semaphore, #tpu.memory_space<semaphore_mem>>)
      %slice3A_170 = vector.extract_strided_slice %get3A_47 {offsets = [5], sizes = [1], strides = [1]} : vector<16xi32> to vector<1xi32>
      %squeeze3A_171 = vector.extract %slice3A_170[0] : i32 from vector<1xi32>
      %mul3A_172 = arith.constant 16 : i32
      %mul3A_173 = arith.muli %scan3A_41, %mul3A_172 : i32
      %add3A_174 = arith.constant 5 : i32
      %add3A_175 = arith.addi %mul3A_173, %add3A_174 : i32
      %dma_start3A_176 = arith.constant 0 : i32
      %dma_start3A_177 = arith.constant 0 : i32
      %dma_start3A_178 = tpu.memref_slice %arg6[%dma_start3A_176, %add3A_175, %dma_start3A_177] : memref<2x256x64xf32, #tpu.memory_space<vmem>> -> memref<1x1x64xf32, #tpu.memory_space<vmem>>
      %dma_start3A_179 = tpu.memref_squeeze %dma_start3A_178 : memref<1x1x64xf32, #tpu.memory_space<vmem>> -> memref<1x64xf32, #tpu.memory_space<vmem>>
      %dma_start3A_180 = arith.constant 0 : i32
      %dma_start3A_181 = arith.constant 0 : i32
      %dma_start3A_182 = tpu.memref_slice %arg3[%scan3A_3, %dma_start3A_180, %dma_start3A_181] : memref<1x1000000x64xf32, #tpu.memory_space<hbm>> -> memref<1x1000000x64xf32, #tpu.memory_space<hbm>>
      %dma_start3A_183 = tpu.memref_squeeze %dma_start3A_182 : memref<1x1000000x64xf32, #tpu.memory_space<hbm>> -> memref<1000000x64xf32, #tpu.memory_space<hbm>>
      %dma_start3A_184 = arith.constant 0 : i32
      %dma_start3A_185 = tpu.memref_slice %dma_start3A_183[%squeeze3A_171, %dma_start3A_184] : memref<1000000x64xf32, #tpu.memory_space<hbm>> -> memref<1x64xf32, #tpu.memory_space<hbm>>
      %dma_start3A_186 = arith.constant 0 : i32
      %dma_start3A_187 = tpu.memref_slice %arg6[%dma_start3A_176, %add3A_175, %dma_start3A_186] : memref<2x256x64xf32, #tpu.memory_space<vmem>> -> memref<1x1x64xf32, #tpu.memory_space<vmem>>
      %dma_start3A_188 = tpu.memref_squeeze %dma_start3A_187 : memref<1x1x64xf32, #tpu.memory_space<vmem>> -> memref<1x64xf32, #tpu.memory_space<vmem>>
      %dma_start3A_189 = arith.constant 0 : i32
      %dma_start3A_190 = arith.constant 0 : i32
      %dma_start3A_191 = tpu.memref_slice %arg3[%scan3A_3, %dma_start3A_189, %dma_start3A_190] : memref<1x1000000x64xf32, #tpu.memory_space<hbm>> -> memref<1x1000000x64xf32, #tpu.memory_space<hbm>>
      %dma_start3A_192 = tpu.memref_squeeze %dma_start3A_191 : memref<1x1000000x64xf32, #tpu.memory_space<hbm>> -> memref<1000000x64xf32, #tpu.memory_space<hbm>>
      %dma_start3A_193 = arith.constant 0 : i32
      %dma_start3A_194 = tpu.memref_slice %dma_start3A_192[%squeeze3A_171, %dma_start3A_193] : memref<1000000x64xf32, #tpu.memory_space<hbm>> -> memref<1x64xf32, #tpu.memory_space<hbm>>
      tpu.enqueue_dma source(%dma_start3A_194 : memref<1x64xf32, #tpu.memory_space<hbm>>) target(%dma_start3A_188 : memref<1x64xf32, #tpu.memory_space<vmem>>) target_semaphore(%arg7 : memref<!tpu.dma_semaphore, #tpu.memory_space<semaphore_mem>>)
      %slice3A_195 = vector.extract_strided_slice %get3A_47 {offsets = [6], sizes = [1], strides = [1]} : vector<16xi32> to vector<1xi32>
      %squeeze3A_196 = vector.extract %slice3A_195[0] : i32 from vector<1xi32>
      %mul3A_197 = arith.constant 16 : i32
      %mul3A_198 = arith.muli %scan3A_41, %mul3A_197 : i32
      %add3A_199 = arith.constant 6 : i32
      %add3A_200 = arith.addi %mul3A_198, %add3A_199 : i32
      %dma_start3A_201 = arith.constant 0 : i32
      %dma_start3A_202 = arith.constant 0 : i32
      %dma_start3A_203 = tpu.memref_slice %arg6[%dma_start3A_201, %add3A_200, %dma_start3A_202] : memref<2x256x64xf32, #tpu.memory_space<vmem>> -> memref<1x1x64xf32, #tpu.memory_space<vmem>>
      %dma_start3A_204 = tpu.memref_squeeze %dma_start3A_203 : memref<1x1x64xf32, #tpu.memory_space<vmem>> -> memref<1x64xf32, #tpu.memory_space<vmem>>
      %dma_start3A_205 = arith.constant 0 : i32
      %dma_start3A_206 = arith.constant 0 : i32
      %dma_start3A_207 = tpu.memref_slice %arg3[%scan3A_3, %dma_start3A_205, %dma_start3A_206] : memref<1x1000000x64xf32, #tpu.memory_space<hbm>> -> memref<1x1000000x64xf32, #tpu.memory_space<hbm>>
      %dma_start3A_208 = tpu.memref_squeeze %dma_start3A_207 : memref<1x1000000x64xf32, #tpu.memory_space<hbm>> -> memref<1000000x64xf32, #tpu.memory_space<hbm>>
      %dma_start3A_209 = arith.constant 0 : i32
      %dma_start3A_210 = tpu.memref_slice %dma_start3A_208[%squeeze3A_196, %dma_start3A_209] : memref<1000000x64xf32, #tpu.memory_space<hbm>> -> memref<1x64xf32, #tpu.memory_space<hbm>>
      %dma_start3A_211 = arith.constant 0 : i32
      %dma_start3A_212 = tpu.memref_slice %arg6[%dma_start3A_201, %add3A_200, %dma_start3A_211] : memref<2x256x64xf32, #tpu.memory_space<vmem>> -> memref<1x1x64xf32, #tpu.memory_space<vmem>>
      %dma_start3A_213 = tpu.memref_squeeze %dma_start3A_212 : memref<1x1x64xf32, #tpu.memory_space<vmem>> -> memref<1x64xf32, #tpu.memory_space<vmem>>
      %dma_start3A_214 = arith.constant 0 : i32
      %dma_start3A_215 = arith.constant 0 : i32
      %dma_start3A_216 = tpu.memref_slice %arg3[%scan3A_3, %dma_start3A_214, %dma_start3A_215] : memref<1x1000000x64xf32, #tpu.memory_space<hbm>> -> memref<1x1000000x64xf32, #tpu.memory_space<hbm>>
      %dma_start3A_217 = tpu.memref_squeeze %dma_start3A_216 : memref<1x1000000x64xf32, #tpu.memory_space<hbm>> -> memref<1000000x64xf32, #tpu.memory_space<hbm>>
      %dma_start3A_218 = arith.constant 0 : i32
      %dma_start3A_219 = tpu.memref_slice %dma_start3A_217[%squeeze3A_196, %dma_start3A_218] : memref<1000000x64xf32, #tpu.memory_space<hbm>> -> memref<1x64xf32, #tpu.memory_space<hbm>>
      tpu.enqueue_dma source(%dma_start3A_219 : memref<1x64xf32, #tpu.memory_space<hbm>>) target(%dma_start3A_213 : memref<1x64xf32, #tpu.memory_space<vmem>>) target_semaphore(%arg7 : memref<!tpu.dma_semaphore, #tpu.memory_space<semaphore_mem>>)
      %slice3A_220 = vector.extract_strided_slice %get3A_47 {offsets = [7], sizes = [1], strides = [1]} : vector<16xi32> to vector<1xi32>
      %squeeze3A_221 = vector.extract %slice3A_220[0] : i32 from vector<1xi32>
      %mul3A_222 = arith.constant 16 : i32
      %mul3A_223 = arith.muli %scan3A_41, %mul3A_222 : i32
      %add3A_224 = arith.constant 7 : i32
      %add3A_225 = arith.addi %mul3A_223, %add3A_224 : i32
      %dma_start3A_226 = arith.constant 0 : i32
      %dma_start3A_227 = arith.constant 0 : i32
      %dma_start3A_228 = tpu.memref_slice %arg6[%dma_start3A_226, %add3A_225, %dma_start3A_227] : memref<2x256x64xf32, #tpu.memory_space<vmem>> -> memref<1x1x64xf32, #tpu.memory_space<vmem>>
      %dma_start3A_229 = tpu.memref_squeeze %dma_start3A_228 : memref<1x1x64xf32, #tpu.memory_space<vmem>> -> memref<1x64xf32, #tpu.memory_space<vmem>>
      %dma_start3A_230 = arith.constant 0 : i32
      %dma_start3A_231 = arith.constant 0 : i32
      %dma_start3A_232 = tpu.memref_slice %arg3[%scan3A_3, %dma_start3A_230, %dma_start3A_231] : memref<1x1000000x64xf32, #tpu.memory_space<hbm>> -> memref<1x1000000x64xf32, #tpu.memory_space<hbm>>
      %dma_start3A_233 = tpu.memref_squeeze %dma_start3A_232 : memref<1x1000000x64xf32, #tpu.memory_space<hbm>> -> memref<1000000x64xf32, #tpu.memory_space<hbm>>
      %dma_start3A_234 = arith.constant 0 : i32
      %dma_start3A_235 = tpu.memref_slice %dma_start3A_233[%squeeze3A_221, %dma_start3A_234] : memref<1000000x64xf32, #tpu.memory_space<hbm>> -> memref<1x64xf32, #tpu.memory_space<hbm>>
      %dma_start3A_236 = arith.constant 0 : i32
      %dma_start3A_237 = tpu.memref_slice %arg6[%dma_start3A_226, %add3A_225, %dma_start3A_236] : memref<2x256x64xf32, #tpu.memory_space<vmem>> -> memref<1x1x64xf32, #tpu.memory_space<vmem>>
      %dma_start3A_238 = tpu.memref_squeeze %dma_start3A_237 : memref<1x1x64xf32, #tpu.memory_space<vmem>> -> memref<1x64xf32, #tpu.memory_space<vmem>>
      %dma_start3A_239 = arith.constant 0 : i32
      %dma_start3A_240 = arith.constant 0 : i32
      %dma_start3A_241 = tpu.memref_slice %arg3[%scan3A_3, %dma_start3A_239, %dma_start3A_240] : memref<1x1000000x64xf32, #tpu.memory_space<hbm>> -> memref<1x1000000x64xf32, #tpu.memory_space<hbm>>
      %dma_start3A_242 = tpu.memref_squeeze %dma_start3A_241 : memref<1x1000000x64xf32, #tpu.memory_space<hbm>> -> memref<1000000x64xf32, #tpu.memory_space<hbm>>
      %dma_start3A_243 = arith.constant 0 : i32
      %dma_start3A_244 = tpu.memref_slice %dma_start3A_242[%squeeze3A_221, %dma_start3A_243] : memref<1000000x64xf32, #tpu.memory_space<hbm>> -> memref<1x64xf32, #tpu.memory_space<hbm>>
      tpu.enqueue_dma source(%dma_start3A_244 : memref<1x64xf32, #tpu.memory_space<hbm>>) target(%dma_start3A_238 : memref<1x64xf32, #tpu.memory_space<vmem>>) target_semaphore(%arg7 : memref<!tpu.dma_semaphore, #tpu.memory_space<semaphore_mem>>)
      %slice3A_245 = vector.extract_strided_slice %get3A_47 {offsets = [8], sizes = [1], strides = [1]} : vector<16xi32> to vector<1xi32>
      %squeeze3A_246 = vector.extract %slice3A_245[0] : i32 from vector<1xi32>
      %mul3A_247 = arith.constant 16 : i32
      %mul3A_248 = arith.muli %scan3A_41, %mul3A_247 : i32
      %add3A_249 = arith.constant 8 : i32
      %add3A_250 = arith.addi %mul3A_248, %add3A_249 : i32
      %dma_start3A_251 = arith.constant 0 : i32
      %dma_start3A_252 = arith.constant 0 : i32
      %dma_start3A_253 = tpu.memref_slice %arg6[%dma_start3A_251, %add3A_250, %dma_start3A_252] : memref<2x256x64xf32, #tpu.memory_space<vmem>> -> memref<1x1x64xf32, #tpu.memory_space<vmem>>
      %dma_start3A_254 = tpu.memref_squeeze %dma_start3A_253 : memref<1x1x64xf32, #tpu.memory_space<vmem>> -> memref<1x64xf32, #tpu.memory_space<vmem>>
      %dma_start3A_255 = arith.constant 0 : i32
      %dma_start3A_256 = arith.constant 0 : i32
      %dma_start3A_257 = tpu.memref_slice %arg3[%scan3A_3, %dma_start3A_255, %dma_start3A_256] : memref<1x1000000x64xf32, #tpu.memory_space<hbm>> -> memref<1x1000000x64xf32, #tpu.memory_space<hbm>>
      %dma_start3A_258 = tpu.memref_squeeze %dma_start3A_257 : memref<1x1000000x64xf32, #tpu.memory_space<hbm>> -> memref<1000000x64xf32, #tpu.memory_space<hbm>>
      %dma_start3A_259 = arith.constant 0 : i32
      %dma_start3A_260 = tpu.memref_slice %dma_start3A_258[%squeeze3A_246, %dma_start3A_259] : memref<1000000x64xf32, #tpu.memory_space<hbm>> -> memref<1x64xf32, #tpu.memory_space<hbm>>
      %dma_start3A_261 = arith.constant 0 : i32
      %dma_start3A_262 = tpu.memref_slice %arg6[%dma_start3A_251, %add3A_250, %dma_start3A_261] : memref<2x256x64xf32, #tpu.memory_space<vmem>> -> memref<1x1x64xf32, #tpu.memory_space<vmem>>
      %dma_start3A_263 = tpu.memref_squeeze %dma_start3A_262 : memref<1x1x64xf32, #tpu.memory_space<vmem>> -> memref<1x64xf32, #tpu.memory_space<vmem>>
      %dma_start3A_264 = arith.constant 0 : i32
      %dma_start3A_265 = arith.constant 0 : i32
      %dma_start3A_266 = tpu.memref_slice %arg3[%scan3A_3, %dma_start3A_264, %dma_start3A_265] : memref<1x1000000x64xf32, #tpu.memory_space<hbm>> -> memref<1x1000000x64xf32, #tpu.memory_space<hbm>>
      %dma_start3A_267 = tpu.memref_squeeze %dma_start3A_266 : memref<1x1000000x64xf32, #tpu.memory_space<hbm>> -> memref<1000000x64xf32, #tpu.memory_space<hbm>>
      %dma_start3A_268 = arith.constant 0 : i32
      %dma_start3A_269 = tpu.memref_slice %dma_start3A_267[%squeeze3A_246, %dma_start3A_268] : memref<1000000x64xf32, #tpu.memory_space<hbm>> -> memref<1x64xf32, #tpu.memory_space<hbm>>
      tpu.enqueue_dma source(%dma_start3A_269 : memref<1x64xf32, #tpu.memory_space<hbm>>) target(%dma_start3A_263 : memref<1x64xf32, #tpu.memory_space<vmem>>) target_semaphore(%arg7 : memref<!tpu.dma_semaphore, #tpu.memory_space<semaphore_mem>>)
      %slice3A_270 = vector.extract_strided_slice %get3A_47 {offsets = [9], sizes = [1], strides = [1]} : vector<16xi32> to vector<1xi32>
      %squeeze3A_271 = vector.extract %slice3A_270[0] : i32 from vector<1xi32>
      %mul3A_272 = arith.constant 16 : i32
      %mul3A_273 = arith.muli %scan3A_41, %mul3A_272 : i32
      %add3A_274 = arith.constant 9 : i32
      %add3A_275 = arith.addi %mul3A_273, %add3A_274 : i32
      %dma_start3A_276 = arith.constant 0 : i32
      %dma_start3A_277 = arith.constant 0 : i32
      %dma_start3A_278 = tpu.memref_slice %arg6[%dma_start3A_276, %add3A_275, %dma_start3A_277] : memref<2x256x64xf32, #tpu.memory_space<vmem>> -> memref<1x1x64xf32, #tpu.memory_space<vmem>>
      %dma_start3A_279 = tpu.memref_squeeze %dma_start3A_278 : memref<1x1x64xf32, #tpu.memory_space<vmem>> -> memref<1x64xf32, #tpu.memory_space<vmem>>
      %dma_start3A_280 = arith.constant 0 : i32
      %dma_start3A_281 = arith.constant 0 : i32
      %dma_start3A_282 = tpu.memref_slice %arg3[%scan3A_3, %dma_start3A_280, %dma_start3A_281] : memref<1x1000000x64xf32, #tpu.memory_space<hbm>> -> memref<1x1000000x64xf32, #tpu.memory_space<hbm>>
      %dma_start3A_283 = tpu.memref_squeeze %dma_start3A_282 : memref<1x1000000x64xf32, #tpu.memory_space<hbm>> -> memref<1000000x64xf32, #tpu.memory_space<hbm>>
      %dma_start3A_284 = arith.constant 0 : i32
      %dma_start3A_285 = tpu.memref_slice %dma_start3A_283[%squeeze3A_271, %dma_start3A_284] : memref<1000000x64xf32, #tpu.memory_space<hbm>> -> memref<1x64xf32, #tpu.memory_space<hbm>>
      %dma_start3A_286 = arith.constant 0 : i32
      %dma_start3A_287 = tpu.memref_slice %arg6[%dma_start3A_276, %add3A_275, %dma_start3A_286] : memref<2x256x64xf32, #tpu.memory_space<vmem>> -> memref<1x1x64xf32, #tpu.memory_space<vmem>>
      %dma_start3A_288 = tpu.memref_squeeze %dma_start3A_287 : memref<1x1x64xf32, #tpu.memory_space<vmem>> -> memref<1x64xf32, #tpu.memory_space<vmem>>
      %dma_start3A_289 = arith.constant 0 : i32
      %dma_start3A_290 = arith.constant 0 : i32
      %dma_start3A_291 = tpu.memref_slice %arg3[%scan3A_3, %dma_start3A_289, %dma_start3A_290] : memref<1x1000000x64xf32, #tpu.memory_space<hbm>> -> memref<1x1000000x64xf32, #tpu.memory_space<hbm>>
      %dma_start3A_292 = tpu.memref_squeeze %dma_start3A_291 : memref<1x1000000x64xf32, #tpu.memory_space<hbm>> -> memref<1000000x64xf32, #tpu.memory_space<hbm>>
      %dma_start3A_293 = arith.constant 0 : i32
      %dma_start3A_294 = tpu.memref_slice %dma_start3A_292[%squeeze3A_271, %dma_start3A_293] : memref<1000000x64xf32, #tpu.memory_space<hbm>> -> memref<1x64xf32, #tpu.memory_space<hbm>>
      tpu.enqueue_dma source(%dma_start3A_294 : memref<1x64xf32, #tpu.memory_space<hbm>>) target(%dma_start3A_288 : memref<1x64xf32, #tpu.memory_space<vmem>>) target_semaphore(%arg7 : memref<!tpu.dma_semaphore, #tpu.memory_space<semaphore_mem>>)
      %slice3A_295 = vector.extract_strided_slice %get3A_47 {offsets = [10], sizes = [1], strides = [1]} : vector<16xi32> to vector<1xi32>
      %squeeze3A_296 = vector.extract %slice3A_295[0] : i32 from vector<1xi32>
      %mul3A_297 = arith.constant 16 : i32
      %mul3A_298 = arith.muli %scan3A_41, %mul3A_297 : i32
      %add3A_299 = arith.constant 10 : i32
      %add3A_300 = arith.addi %mul3A_298, %add3A_299 : i32
      %dma_start3A_301 = arith.constant 0 : i32
      %dma_start3A_302 = arith.constant 0 : i32
      %dma_start3A_303 = tpu.memref_slice %arg6[%dma_start3A_301, %add3A_300, %dma_start3A_302] : memref<2x256x64xf32, #tpu.memory_space<vmem>> -> memref<1x1x64xf32, #tpu.memory_space<vmem>>
      %dma_start3A_304 = tpu.memref_squeeze %dma_start3A_303 : memref<1x1x64xf32, #tpu.memory_space<vmem>> -> memref<1x64xf32, #tpu.memory_space<vmem>>
      %dma_start3A_305 = arith.constant 0 : i32
      %dma_start3A_306 = arith.constant 0 : i32
      %dma_start3A_307 = tpu.memref_slice %arg3[%scan3A_3, %dma_start3A_305, %dma_start3A_306] : memref<1x1000000x64xf32, #tpu.memory_space<hbm>> -> memref<1x1000000x64xf32, #tpu.memory_space<hbm>>
      %dma_start3A_308 = tpu.memref_squeeze %dma_start3A_307 : memref<1x1000000x64xf32, #tpu.memory_space<hbm>> -> memref<1000000x64xf32, #tpu.memory_space<hbm>>
      %dma_start3A_309 = arith.constant 0 : i32
      %dma_start3A_310 = tpu.memref_slice %dma_start3A_308[%squeeze3A_296, %dma_start3A_309] : memref<1000000x64xf32, #tpu.memory_space<hbm>> -> memref<1x64xf32, #tpu.memory_space<hbm>>
      %dma_start3A_311 = arith.constant 0 : i32
      %dma_start3A_312 = tpu.memref_slice %arg6[%dma_start3A_301, %add3A_300, %dma_start3A_311] : memref<2x256x64xf32, #tpu.memory_space<vmem>> -> memref<1x1x64xf32, #tpu.memory_space<vmem>>
      %dma_start3A_313 = tpu.memref_squeeze %dma_start3A_312 : memref<1x1x64xf32, #tpu.memory_space<vmem>> -> memref<1x64xf32, #tpu.memory_space<vmem>>
      %dma_start3A_314 = arith.constant 0 : i32
      %dma_start3A_315 = arith.constant 0 : i32
      %dma_start3A_316 = tpu.memref_slice %arg3[%scan3A_3, %dma_start3A_314, %dma_start3A_315] : memref<1x1000000x64xf32, #tpu.memory_space<hbm>> -> memref<1x1000000x64xf32, #tpu.memory_space<hbm>>
      %dma_start3A_317 = tpu.memref_squeeze %dma_start3A_316 : memref<1x1000000x64xf32, #tpu.memory_space<hbm>> -> memref<1000000x64xf32, #tpu.memory_space<hbm>>
      %dma_start3A_318 = arith.constant 0 : i32
      %dma_start3A_319 = tpu.memref_slice %dma_start3A_317[%squeeze3A_296, %dma_start3A_318] : memref<1000000x64xf32, #tpu.memory_space<hbm>> -> memref<1x64xf32, #tpu.memory_space<hbm>>
      tpu.enqueue_dma source(%dma_start3A_319 : memref<1x64xf32, #tpu.memory_space<hbm>>) target(%dma_start3A_313 : memref<1x64xf32, #tpu.memory_space<vmem>>) target_semaphore(%arg7 : memref<!tpu.dma_semaphore, #tpu.memory_space<semaphore_mem>>)
      %slice3A_320 = vector.extract_strided_slice %get3A_47 {offsets = [11], sizes = [1], strides = [1]} : vector<16xi32> to vector<1xi32>
      %squeeze3A_321 = vector.extract %slice3A_320[0] : i32 from vector<1xi32>
      %mul3A_322 = arith.constant 16 : i32
      %mul3A_323 = arith.muli %scan3A_41, %mul3A_322 : i32
      %add3A_324 = arith.constant 11 : i32
      %add3A_325 = arith.addi %mul3A_323, %add3A_324 : i32
      %dma_start3A_326 = arith.constant 0 : i32
      %dma_start3A_327 = arith.constant 0 : i32
      %dma_start3A_328 = tpu.memref_slice %arg6[%dma_start3A_326, %add3A_325, %dma_start3A_327] : memref<2x256x64xf32, #tpu.memory_space<vmem>> -> memref<1x1x64xf32, #tpu.memory_space<vmem>>
      %dma_start3A_329 = tpu.memref_squeeze %dma_start3A_328 : memref<1x1x64xf32, #tpu.memory_space<vmem>> -> memref<1x64xf32, #tpu.memory_space<vmem>>
      %dma_start3A_330 = arith.constant 0 : i32
      %dma_start3A_331 = arith.constant 0 : i32
      %dma_start3A_332 = tpu.memref_slice %arg3[%scan3A_3, %dma_start3A_330, %dma_start3A_331] : memref<1x1000000x64xf32, #tpu.memory_space<hbm>> -> memref<1x1000000x64xf32, #tpu.memory_space<hbm>>
      %dma_start3A_333 = tpu.memref_squeeze %dma_start3A_332 : memref<1x1000000x64xf32, #tpu.memory_space<hbm>> -> memref<1000000x64xf32, #tpu.memory_space<hbm>>
      %dma_start3A_334 = arith.constant 0 : i32
      %dma_start3A_335 = tpu.memref_slice %dma_start3A_333[%squeeze3A_321, %dma_start3A_334] : memref<1000000x64xf32, #tpu.memory_space<hbm>> -> memref<1x64xf32, #tpu.memory_space<hbm>>
      %dma_start3A_336 = arith.constant 0 : i32
      %dma_start3A_337 = tpu.memref_slice %arg6[%dma_start3A_326, %add3A_325, %dma_start3A_336] : memref<2x256x64xf32, #tpu.memory_space<vmem>> -> memref<1x1x64xf32, #tpu.memory_space<vmem>>
      %dma_start3A_338 = tpu.memref_squeeze %dma_start3A_337 : memref<1x1x64xf32, #tpu.memory_space<vmem>> -> memref<1x64xf32, #tpu.memory_space<vmem>>
      %dma_start3A_339 = arith.constant 0 : i32
      %dma_start3A_340 = arith.constant 0 : i32
      %dma_start3A_341 = tpu.memref_slice %arg3[%scan3A_3, %dma_start3A_339, %dma_start3A_340] : memref<1x1000000x64xf32, #tpu.memory_space<hbm>> -> memref<1x1000000x64xf32, #tpu.memory_space<hbm>>
      %dma_start3A_342 = tpu.memref_squeeze %dma_start3A_341 : memref<1x1000000x64xf32, #tpu.memory_space<hbm>> -> memref<1000000x64xf32, #tpu.memory_space<hbm>>
      %dma_start3A_343 = arith.constant 0 : i32
      %dma_start3A_344 = tpu.memref_slice %dma_start3A_342[%squeeze3A_321, %dma_start3A_343] : memref<1000000x64xf32, #tpu.memory_space<hbm>> -> memref<1x64xf32, #tpu.memory_space<hbm>>
      tpu.enqueue_dma source(%dma_start3A_344 : memref<1x64xf32, #tpu.memory_space<hbm>>) target(%dma_start3A_338 : memref<1x64xf32, #tpu.memory_space<vmem>>) target_semaphore(%arg7 : memref<!tpu.dma_semaphore, #tpu.memory_space<semaphore_mem>>)
      %slice3A_345 = vector.extract_strided_slice %get3A_47 {offsets = [12], sizes = [1], strides = [1]} : vector<16xi32> to vector<1xi32>
      %squeeze3A_346 = vector.extract %slice3A_345[0] : i32 from vector<1xi32>
      %mul3A_347 = arith.constant 16 : i32
      %mul3A_348 = arith.muli %scan3A_41, %mul3A_347 : i32
      %add3A_349 = arith.constant 12 : i32
      %add3A_350 = arith.addi %mul3A_348, %add3A_349 : i32
      %dma_start3A_351 = arith.constant 0 : i32
      %dma_start3A_352 = arith.constant 0 : i32
      %dma_start3A_353 = tpu.memref_slice %arg6[%dma_start3A_351, %add3A_350, %dma_start3A_352] : memref<2x256x64xf32, #tpu.memory_space<vmem>> -> memref<1x1x64xf32, #tpu.memory_space<vmem>>
      %dma_start3A_354 = tpu.memref_squeeze %dma_start3A_353 : memref<1x1x64xf32, #tpu.memory_space<vmem>> -> memref<1x64xf32, #tpu.memory_space<vmem>>
      %dma_start3A_355 = arith.constant 0 : i32
      %dma_start3A_356 = arith.constant 0 : i32
      %dma_start3A_357 = tpu.memref_slice %arg3[%scan3A_3, %dma_start3A_355, %dma_start3A_356] : memref<1x1000000x64xf32, #tpu.memory_space<hbm>> -> memref<1x1000000x64xf32, #tpu.memory_space<hbm>>
      %dma_start3A_358 = tpu.memref_squeeze %dma_start3A_357 : memref<1x1000000x64xf32, #tpu.memory_space<hbm>> -> memref<1000000x64xf32, #tpu.memory_space<hbm>>
      %dma_start3A_359 = arith.constant 0 : i32
      %dma_start3A_360 = tpu.memref_slice %dma_start3A_358[%squeeze3A_346, %dma_start3A_359] : memref<1000000x64xf32, #tpu.memory_space<hbm>> -> memref<1x64xf32, #tpu.memory_space<hbm>>
      %dma_start3A_361 = arith.constant 0 : i32
      %dma_start3A_362 = tpu.memref_slice %arg6[%dma_start3A_351, %add3A_350, %dma_start3A_361] : memref<2x256x64xf32, #tpu.memory_space<vmem>> -> memref<1x1x64xf32, #tpu.memory_space<vmem>>
      %dma_start3A_363 = tpu.memref_squeeze %dma_start3A_362 : memref<1x1x64xf32, #tpu.memory_space<vmem>> -> memref<1x64xf32, #tpu.memory_space<vmem>>
      %dma_start3A_364 = arith.constant 0 : i32
      %dma_start3A_365 = arith.constant 0 : i32
      %dma_start3A_366 = tpu.memref_slice %arg3[%scan3A_3, %dma_start3A_364, %dma_start3A_365] : memref<1x1000000x64xf32, #tpu.memory_space<hbm>> -> memref<1x1000000x64xf32, #tpu.memory_space<hbm>>
      %dma_start3A_367 = tpu.memref_squeeze %dma_start3A_366 : memref<1x1000000x64xf32, #tpu.memory_space<hbm>> -> memref<1000000x64xf32, #tpu.memory_space<hbm>>
      %dma_start3A_368 = arith.constant 0 : i32
      %dma_start3A_369 = tpu.memref_slice %dma_start3A_367[%squeeze3A_346, %dma_start3A_368] : memref<1000000x64xf32, #tpu.memory_space<hbm>> -> memref<1x64xf32, #tpu.memory_space<hbm>>
      tpu.enqueue_dma source(%dma_start3A_369 : memref<1x64xf32, #tpu.memory_space<hbm>>) target(%dma_start3A_363 : memref<1x64xf32, #tpu.memory_space<vmem>>) target_semaphore(%arg7 : memref<!tpu.dma_semaphore, #tpu.memory_space<semaphore_mem>>)
      %slice3A_370 = vector.extract_strided_slice %get3A_47 {offsets = [13], sizes = [1], strides = [1]} : vector<16xi32> to vector<1xi32>
      %squeeze3A_371 = vector.extract %slice3A_370[0] : i32 from vector<1xi32>
      %mul3A_372 = arith.constant 16 : i32
      %mul3A_373 = arith.muli %scan3A_41, %mul3A_372 : i32
      %add3A_374 = arith.constant 13 : i32
      %add3A_375 = arith.addi %mul3A_373, %add3A_374 : i32
      %dma_start3A_376 = arith.constant 0 : i32
      %dma_start3A_377 = arith.constant 0 : i32
      %dma_start3A_378 = tpu.memref_slice %arg6[%dma_start3A_376, %add3A_375, %dma_start3A_377] : memref<2x256x64xf32, #tpu.memory_space<vmem>> -> memref<1x1x64xf32, #tpu.memory_space<vmem>>
      %dma_start3A_379 = tpu.memref_squeeze %dma_start3A_378 : memref<1x1x64xf32, #tpu.memory_space<vmem>> -> memref<1x64xf32, #tpu.memory_space<vmem>>
      %dma_start3A_380 = arith.constant 0 : i32
      %dma_start3A_381 = arith.constant 0 : i32
      %dma_start3A_382 = tpu.memref_slice %arg3[%scan3A_3, %dma_start3A_380, %dma_start3A_381] : memref<1x1000000x64xf32, #tpu.memory_space<hbm>> -> memref<1x1000000x64xf32, #tpu.memory_space<hbm>>
      %dma_start3A_383 = tpu.memref_squeeze %dma_start3A_382 : memref<1x1000000x64xf32, #tpu.memory_space<hbm>> -> memref<1000000x64xf32, #tpu.memory_space<hbm>>
      %dma_start3A_384 = arith.constant 0 : i32
      %dma_start3A_385 = tpu.memref_slice %dma_start3A_383[%squeeze3A_371, %dma_start3A_384] : memref<1000000x64xf32, #tpu.memory_space<hbm>> -> memref<1x64xf32, #tpu.memory_space<hbm>>
      %dma_start3A_386 = arith.constant 0 : i32
      %dma_start3A_387 = tpu.memref_slice %arg6[%dma_start3A_376, %add3A_375, %dma_start3A_386] : memref<2x256x64xf32, #tpu.memory_space<vmem>> -> memref<1x1x64xf32, #tpu.memory_space<vmem>>
      %dma_start3A_388 = tpu.memref_squeeze %dma_start3A_387 : memref<1x1x64xf32, #tpu.memory_space<vmem>> -> memref<1x64xf32, #tpu.memory_space<vmem>>
      %dma_start3A_389 = arith.constant 0 : i32
      %dma_start3A_390 = arith.constant 0 : i32
      %dma_start3A_391 = tpu.memref_slice %arg3[%scan3A_3, %dma_start3A_389, %dma_start3A_390] : memref<1x1000000x64xf32, #tpu.memory_space<hbm>> -> memref<1x1000000x64xf32, #tpu.memory_space<hbm>>
      %dma_start3A_392 = tpu.memref_squeeze %dma_start3A_391 : memref<1x1000000x64xf32, #tpu.memory_space<hbm>> -> memref<1000000x64xf32, #tpu.memory_space<hbm>>
      %dma_start3A_393 = arith.constant 0 : i32
      %dma_start3A_394 = tpu.memref_slice %dma_start3A_392[%squeeze3A_371, %dma_start3A_393] : memref<1000000x64xf32, #tpu.memory_space<hbm>> -> memref<1x64xf32, #tpu.memory_space<hbm>>
      tpu.enqueue_dma source(%dma_start3A_394 : memref<1x64xf32, #tpu.memory_space<hbm>>) target(%dma_start3A_388 : memref<1x64xf32, #tpu.memory_space<vmem>>) target_semaphore(%arg7 : memref<!tpu.dma_semaphore, #tpu.memory_space<semaphore_mem>>)
      %slice3A_395 = vector.extract_strided_slice %get3A_47 {offsets = [14], sizes = [1], strides = [1]} : vector<16xi32> to vector<1xi32>
      %squeeze3A_396 = vector.extract %slice3A_395[0] : i32 from vector<1xi32>
      %mul3A_397 = arith.constant 16 : i32
      %mul3A_398 = arith.muli %scan3A_41, %mul3A_397 : i32
      %add3A_399 = arith.constant 14 : i32
      %add3A_400 = arith.addi %mul3A_398, %add3A_399 : i32
      %dma_start3A_401 = arith.constant 0 : i32
      %dma_start3A_402 = arith.constant 0 : i32
      %dma_start3A_403 = tpu.memref_slice %arg6[%dma_start3A_401, %add3A_400, %dma_start3A_402] : memref<2x256x64xf32, #tpu.memory_space<vmem>> -> memref<1x1x64xf32, #tpu.memory_space<vmem>>
      %dma_start3A_404 = tpu.memref_squeeze %dma_start3A_403 : memref<1x1x64xf32, #tpu.memory_space<vmem>> -> memref<1x64xf32, #tpu.memory_space<vmem>>
      %dma_start3A_405 = arith.constant 0 : i32
      %dma_start3A_406 = arith.constant 0 : i32
      %dma_start3A_407 = tpu.memref_slice %arg3[%scan3A_3, %dma_start3A_405, %dma_start3A_406] : memref<1x1000000x64xf32, #tpu.memory_space<hbm>> -> memref<1x1000000x64xf32, #tpu.memory_space<hbm>>
      %dma_start3A_408 = tpu.memref_squeeze %dma_start3A_407 : memref<1x1000000x64xf32, #tpu.memory_space<hbm>> -> memref<1000000x64xf32, #tpu.memory_space<hbm>>
      %dma_start3A_409 = arith.constant 0 : i32
      %dma_start3A_410 = tpu.memref_slice %dma_start3A_408[%squeeze3A_396, %dma_start3A_409] : memref<1000000x64xf32, #tpu.memory_space<hbm>> -> memref<1x64xf32, #tpu.memory_space<hbm>>
      %dma_start3A_411 = arith.constant 0 : i32
      %dma_start3A_412 = tpu.memref_slice %arg6[%dma_start3A_401, %add3A_400, %dma_start3A_411] : memref<2x256x64xf32, #tpu.memory_space<vmem>> -> memref<1x1x64xf32, #tpu.memory_space<vmem>>
      %dma_start3A_413 = tpu.memref_squeeze %dma_start3A_412 : memref<1x1x64xf32, #tpu.memory_space<vmem>> -> memref<1x64xf32, #tpu.memory_space<vmem>>
      %dma_start3A_414 = arith.constant 0 : i32
      %dma_start3A_415 = arith.constant 0 : i32
      %dma_start3A_416 = tpu.memref_slice %arg3[%scan3A_3, %dma_start3A_414, %dma_start3A_415] : memref<1x1000000x64xf32, #tpu.memory_space<hbm>> -> memref<1x1000000x64xf32, #tpu.memory_space<hbm>>
      %dma_start3A_417 = tpu.memref_squeeze %dma_start3A_416 : memref<1x1000000x64xf32, #tpu.memory_space<hbm>> -> memref<1000000x64xf32, #tpu.memory_space<hbm>>
      %dma_start3A_418 = arith.constant 0 : i32
      %dma_start3A_419 = tpu.memref_slice %dma_start3A_417[%squeeze3A_396, %dma_start3A_418] : memref<1000000x64xf32, #tpu.memory_space<hbm>> -> memref<1x64xf32, #tpu.memory_space<hbm>>
      tpu.enqueue_dma source(%dma_start3A_419 : memref<1x64xf32, #tpu.memory_space<hbm>>) target(%dma_start3A_413 : memref<1x64xf32, #tpu.memory_space<vmem>>) target_semaphore(%arg7 : memref<!tpu.dma_semaphore, #tpu.memory_space<semaphore_mem>>)
      %slice3A_420 = vector.extract_strided_slice %get3A_47 {offsets = [15], sizes = [1], strides = [1]} : vector<16xi32> to vector<1xi32>
      %squeeze3A_421 = vector.extract %slice3A_420[0] : i32 from vector<1xi32>
      %mul3A_422 = arith.constant 16 : i32
      %mul3A_423 = arith.muli %scan3A_41, %mul3A_422 : i32
      %add3A_424 = arith.constant 15 : i32
      %add3A_425 = arith.addi %mul3A_423, %add3A_424 : i32
      %dma_start3A_426 = arith.constant 0 : i32
      %dma_start3A_427 = arith.constant 0 : i32
      %dma_start3A_428 = tpu.memref_slice %arg6[%dma_start3A_426, %add3A_425, %dma_start3A_427] : memref<2x256x64xf32, #tpu.memory_space<vmem>> -> memref<1x1x64xf32, #tpu.memory_space<vmem>>
      %dma_start3A_429 = tpu.memref_squeeze %dma_start3A_428 : memref<1x1x64xf32, #tpu.memory_space<vmem>> -> memref<1x64xf32, #tpu.memory_space<vmem>>
      %dma_start3A_430 = arith.constant 0 : i32
      %dma_start3A_431 = arith.constant 0 : i32
      %dma_start3A_432 = tpu.memref_slice %arg3[%scan3A_3, %dma_start3A_430, %dma_start3A_431] : memref<1x1000000x64xf32, #tpu.memory_space<hbm>> -> memref<1x1000000x64xf32, #tpu.memory_space<hbm>>
      %dma_start3A_433 = tpu.memref_squeeze %dma_start3A_432 : memref<1x1000000x64xf32, #tpu.memory_space<hbm>> -> memref<1000000x64xf32, #tpu.memory_space<hbm>>
      %dma_start3A_434 = arith.constant 0 : i32
      %dma_start3A_435 = tpu.memref_slice %dma_start3A_433[%squeeze3A_421, %dma_start3A_434] : memref<1000000x64xf32, #tpu.memory_space<hbm>> -> memref<1x64xf32, #tpu.memory_space<hbm>>
      %dma_start3A_436 = arith.constant 0 : i32
      %dma_start3A_437 = tpu.memref_slice %arg6[%dma_start3A_426, %add3A_425, %dma_start3A_436] : memref<2x256x64xf32, #tpu.memory_space<vmem>> -> memref<1x1x64xf32, #tpu.memory_space<vmem>>
      %dma_start3A_438 = tpu.memref_squeeze %dma_start3A_437 : memref<1x1x64xf32, #tpu.memory_space<vmem>> -> memref<1x64xf32, #tpu.memory_space<vmem>>
      %dma_start3A_439 = arith.constant 0 : i32
      %dma_start3A_440 = arith.constant 0 : i32
      %dma_start3A_441 = tpu.memref_slice %arg3[%scan3A_3, %dma_start3A_439, %dma_start3A_440] : memref<1x1000000x64xf32, #tpu.memory_space<hbm>> -> memref<1x1000000x64xf32, #tpu.memory_space<hbm>>
      %dma_start3A_442 = tpu.memref_squeeze %dma_start3A_441 : memref<1x1000000x64xf32, #tpu.memory_space<hbm>> -> memref<1000000x64xf32, #tpu.memory_space<hbm>>
      %dma_start3A_443 = arith.constant 0 : i32
      %dma_start3A_444 = tpu.memref_slice %dma_start3A_442[%squeeze3A_421, %dma_start3A_443] : memref<1000000x64xf32, #tpu.memory_space<hbm>> -> memref<1x64xf32, #tpu.memory_space<hbm>>
      tpu.enqueue_dma source(%dma_start3A_444 : memref<1x64xf32, #tpu.memory_space<hbm>>) target(%dma_start3A_438 : memref<1x64xf32, #tpu.memory_space<vmem>>) target_semaphore(%arg7 : memref<!tpu.dma_semaphore, #tpu.memory_space<semaphore_mem>>)
    }
    %scan3A_8 = arith.constant 16 : i32
    %scan3A_9 = arith.constant 0 : i32
    %scan3A_10 = arith.constant 0 : i32
    %scan3A_11 = arith.constant 0 : i32
    %scan3A_12 = arith.constant 16 : i32
    %scan3A_13 = arith.addi %scan3A_11, %scan3A_12 : i32
    %scan3A_14 = arith.constant 1 : i32
    scf.for %scan3A_41 = %scan3A_11 to %scan3A_13 step %scan3A_14  : i32 {
      %mul3A_42 = arith.constant 2 : i32
      %mul3A_43 = arith.muli %mul3A_42, %scan3A_41 : i32
      %ge3A = arith.constant 1 : i32
      %ge3A_44 = arith.cmpi sge, %scan3A_41, %ge3A : i32
      %convert_element_type3A = arith.extui %ge3A_44 : i1 to i32
      %cond3A = arith.constant 0 : i32
      %cond3A_45 = arith.cmpi ne, %convert_element_type3A, %cond3A : i32
      scf.if %cond3A_45 {
        %dma_wait3A_139 = arith.constant 1 : i32
        %dma_wait3A_140 = arith.constant 0 : i32
        %dma_wait3A_141 = arith.constant 0 : i32
        %dma_wait3A_142 = tpu.memref_slice %arg6[%dma_wait3A_139, %dma_wait3A_140, %dma_wait3A_141] : memref<2x256x64xf32, #tpu.memory_space<vmem>> -> memref<1x256x64xf32, #tpu.memory_space<vmem>>
        %dma_wait3A_143 = tpu.memref_squeeze %dma_wait3A_142 : memref<1x256x64xf32, #tpu.memory_space<vmem>> -> memref<256x64xf32, #tpu.memory_space<vmem>>
        %dma_wait3A_144 = arith.constant 0 : i32
        %dma_wait3A_145 = tpu.memref_slice %arg4[%mul3A_2, %dma_wait3A_144] : memref<262144x64xf32, #tpu.memory_space<hbm>> -> memref<256x64xf32, #tpu.memory_space<hbm>>
        %dma_wait3A_146 = arith.constant 0 : i32
        %dma_wait3A_147 = tpu.memref_slice %arg4[%mul3A_2, %dma_wait3A_146] : memref<262144x64xf32, #tpu.memory_space<hbm>> -> memref<256x64xf32, #tpu.memory_space<hbm>>
        %dma_wait3A_148 = arith.constant 0 : i32
        %dma_wait3A_149 = arith.constant 0 : i32
        %dma_wait3A_150 = tpu.memref_slice %arg6[%dma_wait3A_139, %dma_wait3A_148, %dma_wait3A_149] : memref<2x256x64xf32, #tpu.memory_space<vmem>> -> memref<1x256x64xf32, #tpu.memory_space<vmem>>
        %dma_wait3A_151 = tpu.memref_squeeze %dma_wait3A_150 : memref<1x256x64xf32, #tpu.memory_space<vmem>> -> memref<256x64xf32, #tpu.memory_space<vmem>>
        tpu.wait_dma2 semaphore(%arg10 : memref<!tpu.dma_semaphore, #tpu.memory_space<semaphore_mem>>) src(%dma_wait3A_151 : memref<256x64xf32, #tpu.memory_space<vmem>>) dst(%dma_wait3A_147 : memref<256x64xf32, #tpu.memory_space<hbm>>)
      } else {
      }
      %add3A_46 = arith.constant 1 : i32
      %add3A_47 = arith.addi %mul3A_43, %add3A_46 : i32
      %scan3A_48 = arith.constant 0 : i32
      %scan3A_49 = arith.constant 0 : i32
      %scan3A_50 = arith.constant 16 : i32
      %scan3A_51 = arith.addi %scan3A_49, %scan3A_50 : i32
      %scan3A_52 = arith.constant 1 : i32
      scf.for %scan3A_139 = %scan3A_49 to %scan3A_51 step %scan3A_52  : i32 {
        %mul3A_140 = arith.constant 16 : i32
        %mul3A_141 = arith.muli %scan3A_139, %mul3A_140 : i32
        %get3A = arith.index_cast %add3A_47 : i32 to index
        %get3A_142 = arith.index_cast %mul3A_141 : i32 to index
        %get3A_143 = tpu.vector_load %arg5[%get3A, %get3A_142] {strides = array<i32>} : memref<32x256xi32, #tpu.memory_space<vmem>>, vector<1x16xi32>,
        %get3A_144 = vector.shape_cast %get3A_143 : vector<1x16xi32> to vector<16xi32>
        %slice3A = vector.extract_strided_slice %get3A_144 {offsets = [0], sizes = [1], strides = [1]} : vector<16xi32> to vector<1xi32>
        %squeeze3A = vector.extract %slice3A[0] : i32 from vector<1xi32>
        %mul3A_145 = arith.constant 16 : i32
        %mul3A_146 = arith.muli %scan3A_139, %mul3A_145 : i32
        %add3A_147 = arith.constant 0 : i32
        %add3A_148 = arith.addi %mul3A_146, %add3A_147 : i32
        %dma_start3A_149 = arith.constant 1 : i32
        %dma_start3A_150 = arith.constant 0 : i32
        %dma_start3A_151 = tpu.memref_slice %arg6[%dma_start3A_149, %add3A_148, %dma_start3A_150] : memref<2x256x64xf32, #tpu.memory_space<vmem>> -> memref<1x1x64xf32, #tpu.memory_space<vmem>>
        %dma_start3A_152 = tpu.memref_squeeze %dma_start3A_151 : memref<1x1x64xf32, #tpu.memory_space<vmem>> -> memref<1x64xf32, #tpu.memory_space<vmem>>
        %dma_start3A_153 = arith.constant 0 : i32
        %dma_start3A_154 = arith.constant 0 : i32
        %dma_start3A_155 = tpu.memref_slice %arg3[%scan3A_10, %dma_start3A_153, %dma_start3A_154] : memref<1x1000000x64xf32, #tpu.memory_space<hbm>> -> memref<1x1000000x64xf32, #tpu.memory_space<hbm>>
        %dma_start3A_156 = tpu.memref_squeeze %dma_start3A_155 : memref<1x1000000x64xf32, #tpu.memory_space<hbm>> -> memref<1000000x64xf32, #tpu.memory_space<hbm>>
        %dma_start3A_157 = arith.constant 0 : i32
        %dma_start3A_158 = tpu.memref_slice %dma_start3A_156[%squeeze3A, %dma_start3A_157] : memref<1000000x64xf32, #tpu.memory_space<hbm>> -> memref<1x64xf32, #tpu.memory_space<hbm>>
        %dma_start3A_159 = arith.constant 0 : i32
        %dma_start3A_160 = tpu.memref_slice %arg6[%dma_start3A_149, %add3A_148, %dma_start3A_159] : memref<2x256x64xf32, #tpu.memory_space<vmem>> -> memref<1x1x64xf32, #tpu.memory_space<vmem>>
        %dma_start3A_161 = tpu.memref_squeeze %dma_start3A_160 : memref<1x1x64xf32, #tpu.memory_space<vmem>> -> memref<1x64xf32, #tpu.memory_space<vmem>>
        %dma_start3A_162 = arith.constant 0 : i32
        %dma_start3A_163 = arith.constant 0 : i32
        %dma_start3A_164 = tpu.memref_slice %arg3[%scan3A_10, %dma_start3A_162, %dma_start3A_163] : memref<1x1000000x64xf32, #tpu.memory_space<hbm>> -> memref<1x1000000x64xf32, #tpu.memory_space<hbm>>
        %dma_start3A_165 = tpu.memref_squeeze %dma_start3A_164 : memref<1x1000000x64xf32, #tpu.memory_space<hbm>> -> memref<1000000x64xf32, #tpu.memory_space<hbm>>
        %dma_start3A_166 = arith.constant 0 : i32
        %dma_start3A_167 = tpu.memref_slice %dma_start3A_165[%squeeze3A, %dma_start3A_166] : memref<1000000x64xf32, #tpu.memory_space<hbm>> -> memref<1x64xf32, #tpu.memory_space<hbm>>
        tpu.enqueue_dma source(%dma_start3A_167 : memref<1x64xf32, #tpu.memory_space<hbm>>) target(%dma_start3A_161 : memref<1x64xf32, #tpu.memory_space<vmem>>) target_semaphore(%arg8 : memref<!tpu.dma_semaphore, #tpu.memory_space<semaphore_mem>>)
        %slice3A_168 = vector.extract_strided_slice %get3A_144 {offsets = [1], sizes = [1], strides = [1]} : vector<16xi32> to vector<1xi32>
        %squeeze3A_169 = vector.extract %slice3A_168[0] : i32 from vector<1xi32>
        %mul3A_170 = arith.constant 16 : i32
        %mul3A_171 = arith.muli %scan3A_139, %mul3A_170 : i32
        %add3A_172 = arith.constant 1 : i32
        %add3A_173 = arith.addi %mul3A_171, %add3A_172 : i32
        %dma_start3A_174 = arith.constant 1 : i32
        %dma_start3A_175 = arith.constant 0 : i32
        %dma_start3A_176 = tpu.memref_slice %arg6[%dma_start3A_174, %add3A_173, %dma_start3A_175] : memref<2x256x64xf32, #tpu.memory_space<vmem>> -> memref<1x1x64xf32, #tpu.memory_space<vmem>>
        %dma_start3A_177 = tpu.memref_squeeze %dma_start3A_176 : memref<1x1x64xf32, #tpu.memory_space<vmem>> -> memref<1x64xf32, #tpu.memory_space<vmem>>
        %dma_start3A_178 = arith.constant 0 : i32
        %dma_start3A_179 = arith.constant 0 : i32
        %dma_start3A_180 = tpu.memref_slice %arg3[%scan3A_10, %dma_start3A_178, %dma_start3A_179] : memref<1x1000000x64xf32, #tpu.memory_space<hbm>> -> memref<1x1000000x64xf32, #tpu.memory_space<hbm>>
        %dma_start3A_181 = tpu.memref_squeeze %dma_start3A_180 : memref<1x1000000x64xf32, #tpu.memory_space<hbm>> -> memref<1000000x64xf32, #tpu.memory_space<hbm>>
        %dma_start3A_182 = arith.constant 0 : i32
        %dma_start3A_183 = tpu.memref_slice %dma_start3A_181[%squeeze3A_169, %dma_start3A_182] : memref<1000000x64xf32, #tpu.memory_space<hbm>> -> memref<1x64xf32, #tpu.memory_space<hbm>>
        %dma_start3A_184 = arith.constant 0 : i32
        %dma_start3A_185 = tpu.memref_slice %arg6[%dma_start3A_174, %add3A_173, %dma_start3A_184] : memref<2x256x64xf32, #tpu.memory_space<vmem>> -> memref<1x1x64xf32, #tpu.memory_space<vmem>>
        %dma_start3A_186 = tpu.memref_squeeze %dma_start3A_185 : memref<1x1x64xf32, #tpu.memory_space<vmem>> -> memref<1x64xf32, #tpu.memory_space<vmem>>
        %dma_start3A_187 = arith.constant 0 : i32
        %dma_start3A_188 = arith.constant 0 : i32
        %dma_start3A_189 = tpu.memref_slice %arg3[%scan3A_10, %dma_start3A_187, %dma_start3A_188] : memref<1x1000000x64xf32, #tpu.memory_space<hbm>> -> memref<1x1000000x64xf32, #tpu.memory_space<hbm>>
        %dma_start3A_190 = tpu.memref_squeeze %dma_start3A_189 : memref<1x1000000x64xf32, #tpu.memory_space<hbm>> -> memref<1000000x64xf32, #tpu.memory_space<hbm>>
        %dma_start3A_191 = arith.constant 0 : i32
        %dma_start3A_192 = tpu.memref_slice %dma_start3A_190[%squeeze3A_169, %dma_start3A_191] : memref<1000000x64xf32, #tpu.memory_space<hbm>> -> memref<1x64xf32, #tpu.memory_space<hbm>>
        tpu.enqueue_dma source(%dma_start3A_192 : memref<1x64xf32, #tpu.memory_space<hbm>>) target(%dma_start3A_186 : memref<1x64xf32, #tpu.memory_space<vmem>>) target_semaphore(%arg8 : memref<!tpu.dma_semaphore, #tpu.memory_space<semaphore_mem>>)
        %slice3A_193 = vector.extract_strided_slice %get3A_144 {offsets = [2], sizes = [1], strides = [1]} : vector<16xi32> to vector<1xi32>
        %squeeze3A_194 = vector.extract %slice3A_193[0] : i32 from vector<1xi32>
        %mul3A_195 = arith.constant 16 : i32
        %mul3A_196 = arith.muli %scan3A_139, %mul3A_195 : i32
        %add3A_197 = arith.constant 2 : i32
        %add3A_198 = arith.addi %mul3A_196, %add3A_197 : i32
        %dma_start3A_199 = arith.constant 1 : i32
        %dma_start3A_200 = arith.constant 0 : i32
        %dma_start3A_201 = tpu.memref_slice %arg6[%dma_start3A_199, %add3A_198, %dma_start3A_200] : memref<2x256x64xf32, #tpu.memory_space<vmem>> -> memref<1x1x64xf32, #tpu.memory_space<vmem>>
        %dma_start3A_202 = tpu.memref_squeeze %dma_start3A_201 : memref<1x1x64xf32, #tpu.memory_space<vmem>> -> memref<1x64xf32, #tpu.memory_space<vmem>>
        %dma_start3A_203 = arith.constant 0 : i32
        %dma_start3A_204 = arith.constant 0 : i32
        %dma_start3A_205 = tpu.memref_slice %arg3[%scan3A_10, %dma_start3A_203, %dma_start3A_204] : memref<1x1000000x64xf32, #tpu.memory_space<hbm>> -> memref<1x1000000x64xf32, #tpu.memory_space<hbm>>
        %dma_start3A_206 = tpu.memref_squeeze %dma_start3A_205 : memref<1x1000000x64xf32, #tpu.memory_space<hbm>> -> memref<1000000x64xf32, #tpu.memory_space<hbm>>
        %dma_start3A_207 = arith.constant 0 : i32
        %dma_start3A_208 = tpu.memref_slice %dma_start3A_206[%squeeze3A_194, %dma_start3A_207] : memref<1000000x64xf32, #tpu.memory_space<hbm>> -> memref<1x64xf32, #tpu.memory_space<hbm>>
        %dma_start3A_209 = arith.constant 0 : i32
        %dma_start3A_210 = tpu.memref_slice %arg6[%dma_start3A_199, %add3A_198, %dma_start3A_209] : memref<2x256x64xf32, #tpu.memory_space<vmem>> -> memref<1x1x64xf32, #tpu.memory_space<vmem>>
        %dma_start3A_211 = tpu.memref_squeeze %dma_start3A_210 : memref<1x1x64xf32, #tpu.memory_space<vmem>> -> memref<1x64xf32, #tpu.memory_space<vmem>>
        %dma_start3A_212 = arith.constant 0 : i32
        %dma_start3A_213 = arith.constant 0 : i32
        %dma_start3A_214 = tpu.memref_slice %arg3[%scan3A_10, %dma_start3A_212, %dma_start3A_213] : memref<1x1000000x64xf32, #tpu.memory_space<hbm>> -> memref<1x1000000x64xf32, #tpu.memory_space<hbm>>
        %dma_start3A_215 = tpu.memref_squeeze %dma_start3A_214 : memref<1x1000000x64xf32, #tpu.memory_space<hbm>> -> memref<1000000x64xf32, #tpu.memory_space<hbm>>
        %dma_start3A_216 = arith.constant 0 : i32
        %dma_start3A_217 = tpu.memref_slice %dma_start3A_215[%squeeze3A_194, %dma_start3A_216] : memref<1000000x64xf32, #tpu.memory_space<hbm>> -> memref<1x64xf32, #tpu.memory_space<hbm>>
        tpu.enqueue_dma source(%dma_start3A_217 : memref<1x64xf32, #tpu.memory_space<hbm>>) target(%dma_start3A_211 : memref<1x64xf32, #tpu.memory_space<vmem>>) target_semaphore(%arg8 : memref<!tpu.dma_semaphore, #tpu.memory_space<semaphore_mem>>)
        %slice3A_218 = vector.extract_strided_slice %get3A_144 {offsets = [3], sizes = [1], strides = [1]} : vector<16xi32> to vector<1xi32>
        %squeeze3A_219 = vector.extract %slice3A_218[0] : i32 from vector<1xi32>
        %mul3A_220 = arith.constant 16 : i32
        %mul3A_221 = arith.muli %scan3A_139, %mul3A_220 : i32
        %add3A_222 = arith.constant 3 : i32
        %add3A_223 = arith.addi %mul3A_221, %add3A_222 : i32
        %dma_start3A_224 = arith.constant 1 : i32
        %dma_start3A_225 = arith.constant 0 : i32
        %dma_start3A_226 = tpu.memref_slice %arg6[%dma_start3A_224, %add3A_223, %dma_start3A_225] : memref<2x256x64xf32, #tpu.memory_space<vmem>> -> memref<1x1x64xf32, #tpu.memory_space<vmem>>
        %dma_start3A_227 = tpu.memref_squeeze %dma_start3A_226 : memref<1x1x64xf32, #tpu.memory_space<vmem>> -> memref<1x64xf32, #tpu.memory_space<vmem>>
        %dma_start3A_228 = arith.constant 0 : i32
        %dma_start3A_229 = arith.constant 0 : i32
        %dma_start3A_230 = tpu.memref_slice %arg3[%scan3A_10, %dma_start3A_228, %dma_start3A_229] : memref<1x1000000x64xf32, #tpu.memory_space<hbm>> -> memref<1x1000000x64xf32, #tpu.memory_space<hbm>>
        %dma_start3A_231 = tpu.memref_squeeze %dma_start3A_230 : memref<1x1000000x64xf32, #tpu.memory_space<hbm>> -> memref<1000000x64xf32, #tpu.memory_space<hbm>>
        %dma_start3A_232 = arith.constant 0 : i32
        %dma_start3A_233 = tpu.memref_slice %dma_start3A_231[%squeeze3A_219, %dma_start3A_232] : memref<1000000x64xf32, #tpu.memory_space<hbm>> -> memref<1x64xf32, #tpu.memory_space<hbm>>
        %dma_start3A_234 = arith.constant 0 : i32
        %dma_start3A_235 = tpu.memref_slice %arg6[%dma_start3A_224, %add3A_223, %dma_start3A_234] : memref<2x256x64xf32, #tpu.memory_space<vmem>> -> memref<1x1x64xf32, #tpu.memory_space<vmem>>
        %dma_start3A_236 = tpu.memref_squeeze %dma_start3A_235 : memref<1x1x64xf32, #tpu.memory_space<vmem>> -> memref<1x64xf32, #tpu.memory_space<vmem>>
        %dma_start3A_237 = arith.constant 0 : i32
        %dma_start3A_238 = arith.constant 0 : i32
        %dma_start3A_239 = tpu.memref_slice %arg3[%scan3A_10, %dma_start3A_237, %dma_start3A_238] : memref<1x1000000x64xf32, #tpu.memory_space<hbm>> -> memref<1x1000000x64xf32, #tpu.memory_space<hbm>>
        %dma_start3A_240 = tpu.memref_squeeze %dma_start3A_239 : memref<1x1000000x64xf32, #tpu.memory_space<hbm>> -> memref<1000000x64xf32, #tpu.memory_space<hbm>>
        %dma_start3A_241 = arith.constant 0 : i32
        %dma_start3A_242 = tpu.memref_slice %dma_start3A_240[%squeeze3A_219, %dma_start3A_241] : memref<1000000x64xf32, #tpu.memory_space<hbm>> -> memref<1x64xf32, #tpu.memory_space<hbm>>
        tpu.enqueue_dma source(%dma_start3A_242 : memref<1x64xf32, #tpu.memory_space<hbm>>) target(%dma_start3A_236 : memref<1x64xf32, #tpu.memory_space<vmem>>) target_semaphore(%arg8 : memref<!tpu.dma_semaphore, #tpu.memory_space<semaphore_mem>>)
        %slice3A_243 = vector.extract_strided_slice %get3A_144 {offsets = [4], sizes = [1], strides = [1]} : vector<16xi32> to vector<1xi32>
        %squeeze3A_244 = vector.extract %slice3A_243[0] : i32 from vector<1xi32>
        %mul3A_245 = arith.constant 16 : i32
        %mul3A_246 = arith.muli %scan3A_139, %mul3A_245 : i32
        %add3A_247 = arith.constant 4 : i32
        %add3A_248 = arith.addi %mul3A_246, %add3A_247 : i32
        %dma_start3A_249 = arith.constant 1 : i32
        %dma_start3A_250 = arith.constant 0 : i32
        %dma_start3A_251 = tpu.memref_slice %arg6[%dma_start3A_249, %add3A_248, %dma_start3A_250] : memref<2x256x64xf32, #tpu.memory_space<vmem>> -> memref<1x1x64xf32, #tpu.memory_space<vmem>>
        %dma_start3A_252 = tpu.memref_squeeze %dma_start3A_251 : memref<1x1x64xf32, #tpu.memory_space<vmem>> -> memref<1x64xf32, #tpu.memory_space<vmem>>
        %dma_start3A_253 = arith.constant 0 : i32
        %dma_start3A_254 = arith.constant 0 : i32
        %dma_start3A_255 = tpu.memref_slice %arg3[%scan3A_10, %dma_start3A_253, %dma_start3A_254] : memref<1x1000000x64xf32, #tpu.memory_space<hbm>> -> memref<1x1000000x64xf32, #tpu.memory_space<hbm>>
        %dma_start3A_256 = tpu.memref_squeeze %dma_start3A_255 : memref<1x1000000x64xf32, #tpu.memory_space<hbm>> -> memref<1000000x64xf32, #tpu.memory_space<hbm>>
        %dma_start3A_257 = arith.constant 0 : i32
        %dma_start3A_258 = tpu.memref_slice %dma_start3A_256[%squeeze3A_244, %dma_start3A_257] : memref<1000000x64xf32, #tpu.memory_space<hbm>> -> memref<1x64xf32, #tpu.memory_space<hbm>>
        %dma_start3A_259 = arith.constant 0 : i32
        %dma_start3A_260 = tpu.memref_slice %arg6[%dma_start3A_249, %add3A_248, %dma_start3A_259] : memref<2x256x64xf32, #tpu.memory_space<vmem>> -> memref<1x1x64xf32, #tpu.memory_space<vmem>>
        %dma_start3A_261 = tpu.memref_squeeze %dma_start3A_260 : memref<1x1x64xf32, #tpu.memory_space<vmem>> -> memref<1x64xf32, #tpu.memory_space<vmem>>
        %dma_start3A_262 = arith.constant 0 : i32
        %dma_start3A_263 = arith.constant 0 : i32
        %dma_start3A_264 = tpu.memref_slice %arg3[%scan3A_10, %dma_start3A_262, %dma_start3A_263] : memref<1x1000000x64xf32, #tpu.memory_space<hbm>> -> memref<1x1000000x64xf32, #tpu.memory_space<hbm>>
        %dma_start3A_265 = tpu.memref_squeeze %dma_start3A_264 : memref<1x1000000x64xf32, #tpu.memory_space<hbm>> -> memref<1000000x64xf32, #tpu.memory_space<hbm>>
        %dma_start3A_266 = arith.constant 0 : i32
        %dma_start3A_267 = tpu.memref_slice %dma_start3A_265[%squeeze3A_244, %dma_start3A_266] : memref<1000000x64xf32, #tpu.memory_space<hbm>> -> memref<1x64xf32, #tpu.memory_space<hbm>>
        tpu.enqueue_dma source(%dma_start3A_267 : memref<1x64xf32, #tpu.memory_space<hbm>>) target(%dma_start3A_261 : memref<1x64xf32, #tpu.memory_space<vmem>>) target_semaphore(%arg8 : memref<!tpu.dma_semaphore, #tpu.memory_space<semaphore_mem>>)
        %slice3A_268 = vector.extract_strided_slice %get3A_144 {offsets = [5], sizes = [1], strides = [1]} : vector<16xi32> to vector<1xi32>
        %squeeze3A_269 = vector.extract %slice3A_268[0] : i32 from vector<1xi32>
        %mul3A_270 = arith.constant 16 : i32
        %mul3A_271 = arith.muli %scan3A_139, %mul3A_270 : i32
        %add3A_272 = arith.constant 5 : i32
        %add3A_273 = arith.addi %mul3A_271, %add3A_272 : i32
        %dma_start3A_274 = arith.constant 1 : i32
        %dma_start3A_275 = arith.constant 0 : i32
        %dma_start3A_276 = tpu.memref_slice %arg6[%dma_start3A_274, %add3A_273, %dma_start3A_275] : memref<2x256x64xf32, #tpu.memory_space<vmem>> -> memref<1x1x64xf32, #tpu.memory_space<vmem>>
        %dma_start3A_277 = tpu.memref_squeeze %dma_start3A_276 : memref<1x1x64xf32, #tpu.memory_space<vmem>> -> memref<1x64xf32, #tpu.memory_space<vmem>>
        %dma_start3A_278 = arith.constant 0 : i32
        %dma_start3A_279 = arith.constant 0 : i32
        %dma_start3A_280 = tpu.memref_slice %arg3[%scan3A_10, %dma_start3A_278, %dma_start3A_279] : memref<1x1000000x64xf32, #tpu.memory_space<hbm>> -> memref<1x1000000x64xf32, #tpu.memory_space<hbm>>
        %dma_start3A_281 = tpu.memref_squeeze %dma_start3A_280 : memref<1x1000000x64xf32, #tpu.memory_space<hbm>> -> memref<1000000x64xf32, #tpu.memory_space<hbm>>
        %dma_start3A_282 = arith.constant 0 : i32
        %dma_start3A_283 = tpu.memref_slice %dma_start3A_281[%squeeze3A_269, %dma_start3A_282] : memref<1000000x64xf32, #tpu.memory_space<hbm>> -> memref<1x64xf32, #tpu.memory_space<hbm>>
        %dma_start3A_284 = arith.constant 0 : i32
        %dma_start3A_285 = tpu.memref_slice %arg6[%dma_start3A_274, %add3A_273, %dma_start3A_284] : memref<2x256x64xf32, #tpu.memory_space<vmem>> -> memref<1x1x64xf32, #tpu.memory_space<vmem>>
        %dma_start3A_286 = tpu.memref_squeeze %dma_start3A_285 : memref<1x1x64xf32, #tpu.memory_space<vmem>> -> memref<1x64xf32, #tpu.memory_space<vmem>>
        %dma_start3A_287 = arith.constant 0 : i32
        %dma_start3A_288 = arith.constant 0 : i32
        %dma_start3A_289 = tpu.memref_slice %arg3[%scan3A_10, %dma_start3A_287, %dma_start3A_288] : memref<1x1000000x64xf32, #tpu.memory_space<hbm>> -> memref<1x1000000x64xf32, #tpu.memory_space<hbm>>
        %dma_start3A_290 = tpu.memref_squeeze %dma_start3A_289 : memref<1x1000000x64xf32, #tpu.memory_space<hbm>> -> memref<1000000x64xf32, #tpu.memory_space<hbm>>
        %dma_start3A_291 = arith.constant 0 : i32
        %dma_start3A_292 = tpu.memref_slice %dma_start3A_290[%squeeze3A_269, %dma_start3A_291] : memref<1000000x64xf32, #tpu.memory_space<hbm>> -> memref<1x64xf32, #tpu.memory_space<hbm>>
        tpu.enqueue_dma source(%dma_start3A_292 : memref<1x64xf32, #tpu.memory_space<hbm>>) target(%dma_start3A_286 : memref<1x64xf32, #tpu.memory_space<vmem>>) target_semaphore(%arg8 : memref<!tpu.dma_semaphore, #tpu.memory_space<semaphore_mem>>)
        %slice3A_293 = vector.extract_strided_slice %get3A_144 {offsets = [6], sizes = [1], strides = [1]} : vector<16xi32> to vector<1xi32>
        %squeeze3A_294 = vector.extract %slice3A_293[0] : i32 from vector<1xi32>
        %mul3A_295 = arith.constant 16 : i32
        %mul3A_296 = arith.muli %scan3A_139, %mul3A_295 : i32
        %add3A_297 = arith.constant 6 : i32
        %add3A_298 = arith.addi %mul3A_296, %add3A_297 : i32
        %dma_start3A_299 = arith.constant 1 : i32
        %dma_start3A_300 = arith.constant 0 : i32
        %dma_start3A_301 = tpu.memref_slice %arg6[%dma_start3A_299, %add3A_298, %dma_start3A_300] : memref<2x256x64xf32, #tpu.memory_space<vmem>> -> memref<1x1x64xf32, #tpu.memory_space<vmem>>
        %dma_start3A_302 = tpu.memref_squeeze %dma_start3A_301 : memref<1x1x64xf32, #tpu.memory_space<vmem>> -> memref<1x64xf32, #tpu.memory_space<vmem>>
        %dma_start3A_303 = arith.constant 0 : i32
        %dma_start3A_304 = arith.constant 0 : i32
        %dma_start3A_305 = tpu.memref_slice %arg3[%scan3A_10, %dma_start3A_303, %dma_start3A_304] : memref<1x1000000x64xf32, #tpu.memory_space<hbm>> -> memref<1x1000000x64xf32, #tpu.memory_space<hbm>>
        %dma_start3A_306 = tpu.memref_squeeze %dma_start3A_305 : memref<1x1000000x64xf32, #tpu.memory_space<hbm>> -> memref<1000000x64xf32, #tpu.memory_space<hbm>>
        %dma_start3A_307 = arith.constant 0 : i32
        %dma_start3A_308 = tpu.memref_slice %dma_start3A_306[%squeeze3A_294, %dma_start3A_307] : memref<1000000x64xf32, #tpu.memory_space<hbm>> -> memref<1x64xf32, #tpu.memory_space<hbm>>
        %dma_start3A_309 = arith.constant 0 : i32
        %dma_start3A_310 = tpu.memref_slice %arg6[%dma_start3A_299, %add3A_298, %dma_start3A_309] : memref<2x256x64xf32, #tpu.memory_space<vmem>> -> memref<1x1x64xf32, #tpu.memory_space<vmem>>
        %dma_start3A_311 = tpu.memref_squeeze %dma_start3A_310 : memref<1x1x64xf32, #tpu.memory_space<vmem>> -> memref<1x64xf32, #tpu.memory_space<vmem>>
        %dma_start3A_312 = arith.constant 0 : i32
        %dma_start3A_313 = arith.constant 0 : i32
        %dma_start3A_314 = tpu.memref_slice %arg3[%scan3A_10, %dma_start3A_312, %dma_start3A_313] : memref<1x1000000x64xf32, #tpu.memory_space<hbm>> -> memref<1x1000000x64xf32, #tpu.memory_space<hbm>>
        %dma_start3A_315 = tpu.memref_squeeze %dma_start3A_314 : memref<1x1000000x64xf32, #tpu.memory_space<hbm>> -> memref<1000000x64xf32, #tpu.memory_space<hbm>>
        %dma_start3A_316 = arith.constant 0 : i32
        %dma_start3A_317 = tpu.memref_slice %dma_start3A_315[%squeeze3A_294, %dma_start3A_316] : memref<1000000x64xf32, #tpu.memory_space<hbm>> -> memref<1x64xf32, #tpu.memory_space<hbm>>
        tpu.enqueue_dma source(%dma_start3A_317 : memref<1x64xf32, #tpu.memory_space<hbm>>) target(%dma_start3A_311 : memref<1x64xf32, #tpu.memory_space<vmem>>) target_semaphore(%arg8 : memref<!tpu.dma_semaphore, #tpu.memory_space<semaphore_mem>>)
        %slice3A_318 = vector.extract_strided_slice %get3A_144 {offsets = [7], sizes = [1], strides = [1]} : vector<16xi32> to vector<1xi32>
        %squeeze3A_319 = vector.extract %slice3A_318[0] : i32 from vector<1xi32>
        %mul3A_320 = arith.constant 16 : i32
        %mul3A_321 = arith.muli %scan3A_139, %mul3A_320 : i32
        %add3A_322 = arith.constant 7 : i32
        %add3A_323 = arith.addi %mul3A_321, %add3A_322 : i32
        %dma_start3A_324 = arith.constant 1 : i32
        %dma_start3A_325 = arith.constant 0 : i32
        %dma_start3A_326 = tpu.memref_slice %arg6[%dma_start3A_324, %add3A_323, %dma_start3A_325] : memref<2x256x64xf32, #tpu.memory_space<vmem>> -> memref<1x1x64xf32, #tpu.memory_space<vmem>>
        %dma_start3A_327 = tpu.memref_squeeze %dma_start3A_326 : memref<1x1x64xf32, #tpu.memory_space<vmem>> -> memref<1x64xf32, #tpu.memory_space<vmem>>
        %dma_start3A_328 = arith.constant 0 : i32
        %dma_start3A_329 = arith.constant 0 : i32
        %dma_start3A_330 = tpu.memref_slice %arg3[%scan3A_10, %dma_start3A_328, %dma_start3A_329] : memref<1x1000000x64xf32, #tpu.memory_space<hbm>> -> memref<1x1000000x64xf32, #tpu.memory_space<hbm>>
        %dma_start3A_331 = tpu.memref_squeeze %dma_start3A_330 : memref<1x1000000x64xf32, #tpu.memory_space<hbm>> -> memref<1000000x64xf32, #tpu.memory_space<hbm>>
        %dma_start3A_332 = arith.constant 0 : i32
        %dma_start3A_333 = tpu.memref_slice %dma_start3A_331[%squeeze3A_319, %dma_start3A_332] : memref<1000000x64xf32, #tpu.memory_space<hbm>> -> memref<1x64xf32, #tpu.memory_space<hbm>>
        %dma_start3A_334 = arith.constant 0 : i32
        %dma_start3A_335 = tpu.memref_slice %arg6[%dma_start3A_324, %add3A_323, %dma_start3A_334] : memref<2x256x64xf32, #tpu.memory_space<vmem>> -> memref<1x1x64xf32, #tpu.memory_space<vmem>>
        %dma_start3A_336 = tpu.memref_squeeze %dma_start3A_335 : memref<1x1x64xf32, #tpu.memory_space<vmem>> -> memref<1x64xf32, #tpu.memory_space<vmem>>
        %dma_start3A_337 = arith.constant 0 : i32
        %dma_start3A_338 = arith.constant 0 : i32
        %dma_start3A_339 = tpu.memref_slice %arg3[%scan3A_10, %dma_start3A_337, %dma_start3A_338] : memref<1x1000000x64xf32, #tpu.memory_space<hbm>> -> memref<1x1000000x64xf32, #tpu.memory_space<hbm>>
        %dma_start3A_340 = tpu.memref_squeeze %dma_start3A_339 : memref<1x1000000x64xf32, #tpu.memory_space<hbm>> -> memref<1000000x64xf32, #tpu.memory_space<hbm>>
        %dma_start3A_341 = arith.constant 0 : i32
        %dma_start3A_342 = tpu.memref_slice %dma_start3A_340[%squeeze3A_319, %dma_start3A_341] : memref<1000000x64xf32, #tpu.memory_space<hbm>> -> memref<1x64xf32, #tpu.memory_space<hbm>>
        tpu.enqueue_dma source(%dma_start3A_342 : memref<1x64xf32, #tpu.memory_space<hbm>>) target(%dma_start3A_336 : memref<1x64xf32, #tpu.memory_space<vmem>>) target_semaphore(%arg8 : memref<!tpu.dma_semaphore, #tpu.memory_space<semaphore_mem>>)
        %slice3A_343 = vector.extract_strided_slice %get3A_144 {offsets = [8], sizes = [1], strides = [1]} : vector<16xi32> to vector<1xi32>
        %squeeze3A_344 = vector.extract %slice3A_343[0] : i32 from vector<1xi32>
        %mul3A_345 = arith.constant 16 : i32
        %mul3A_346 = arith.muli %scan3A_139, %mul3A_345 : i32
        %add3A_347 = arith.constant 8 : i32
        %add3A_348 = arith.addi %mul3A_346, %add3A_347 : i32
        %dma_start3A_349 = arith.constant 1 : i32
        %dma_start3A_350 = arith.constant 0 : i32
        %dma_start3A_351 = tpu.memref_slice %arg6[%dma_start3A_349, %add3A_348, %dma_start3A_350] : memref<2x256x64xf32, #tpu.memory_space<vmem>> -> memref<1x1x64xf32, #tpu.memory_space<vmem>>
        %dma_start3A_352 = tpu.memref_squeeze %dma_start3A_351 : memref<1x1x64xf32, #tpu.memory_space<vmem>> -> memref<1x64xf32, #tpu.memory_space<vmem>>
        %dma_start3A_353 = arith.constant 0 : i32
        %dma_start3A_354 = arith.constant 0 : i32
        %dma_start3A_355 = tpu.memref_slice %arg3[%scan3A_10, %dma_start3A_353, %dma_start3A_354] : memref<1x1000000x64xf32, #tpu.memory_space<hbm>> -> memref<1x1000000x64xf32, #tpu.memory_space<hbm>>
        %dma_start3A_356 = tpu.memref_squeeze %dma_start3A_355 : memref<1x1000000x64xf32, #tpu.memory_space<hbm>> -> memref<1000000x64xf32, #tpu.memory_space<hbm>>
        %dma_start3A_357 = arith.constant 0 : i32
        %dma_start3A_358 = tpu.memref_slice %dma_start3A_356[%squeeze3A_344, %dma_start3A_357] : memref<1000000x64xf32, #tpu.memory_space<hbm>> -> memref<1x64xf32, #tpu.memory_space<hbm>>
        %dma_start3A_359 = arith.constant 0 : i32
        %dma_start3A_360 = tpu.memref_slice %arg6[%dma_start3A_349, %add3A_348, %dma_start3A_359] : memref<2x256x64xf32, #tpu.memory_space<vmem>> -> memref<1x1x64xf32, #tpu.memory_space<vmem>>
        %dma_start3A_361 = tpu.memref_squeeze %dma_start3A_360 : memref<1x1x64xf32, #tpu.memory_space<vmem>> -> memref<1x64xf32, #tpu.memory_space<vmem>>
        %dma_start3A_362 = arith.constant 0 : i32
        %dma_start3A_363 = arith.constant 0 : i32
        %dma_start3A_364 = tpu.memref_slice %arg3[%scan3A_10, %dma_start3A_362, %dma_start3A_363] : memref<1x1000000x64xf32, #tpu.memory_space<hbm>> -> memref<1x1000000x64xf32, #tpu.memory_space<hbm>>
        %dma_start3A_365 = tpu.memref_squeeze %dma_start3A_364 : memref<1x1000000x64xf32, #tpu.memory_space<hbm>> -> memref<1000000x64xf32, #tpu.memory_space<hbm>>
        %dma_start3A_366 = arith.constant 0 : i32
        %dma_start3A_367 = tpu.memref_slice %dma_start3A_365[%squeeze3A_344, %dma_start3A_366] : memref<1000000x64xf32, #tpu.memory_space<hbm>> -> memref<1x64xf32, #tpu.memory_space<hbm>>
        tpu.enqueue_dma source(%dma_start3A_367 : memref<1x64xf32, #tpu.memory_space<hbm>>) target(%dma_start3A_361 : memref<1x64xf32, #tpu.memory_space<vmem>>) target_semaphore(%arg8 : memref<!tpu.dma_semaphore, #tpu.memory_space<semaphore_mem>>)
        %slice3A_368 = vector.extract_strided_slice %get3A_144 {offsets = [9], sizes = [1], strides = [1]} : vector<16xi32> to vector<1xi32>
        %squeeze3A_369 = vector.extract %slice3A_368[0] : i32 from vector<1xi32>
        %mul3A_370 = arith.constant 16 : i32
        %mul3A_371 = arith.muli %scan3A_139, %mul3A_370 : i32
        %add3A_372 = arith.constant 9 : i32
        %add3A_373 = arith.addi %mul3A_371, %add3A_372 : i32
        %dma_start3A_374 = arith.constant 1 : i32
        %dma_start3A_375 = arith.constant 0 : i32
        %dma_start3A_376 = tpu.memref_slice %arg6[%dma_start3A_374, %add3A_373, %dma_start3A_375] : memref<2x256x64xf32, #tpu.memory_space<vmem>> -> memref<1x1x64xf32, #tpu.memory_space<vmem>>
        %dma_start3A_377 = tpu.memref_squeeze %dma_start3A_376 : memref<1x1x64xf32, #tpu.memory_space<vmem>> -> memref<1x64xf32, #tpu.memory_space<vmem>>
        %dma_start3A_378 = arith.constant 0 : i32
        %dma_start3A_379 = arith.constant 0 : i32
        %dma_start3A_380 = tpu.memref_slice %arg3[%scan3A_10, %dma_start3A_378, %dma_start3A_379] : memref<1x1000000x64xf32, #tpu.memory_space<hbm>> -> memref<1x1000000x64xf32, #tpu.memory_space<hbm>>
        %dma_start3A_381 = tpu.memref_squeeze %dma_start3A_380 : memref<1x1000000x64xf32, #tpu.memory_space<hbm>> -> memref<1000000x64xf32, #tpu.memory_space<hbm>>
        %dma_start3A_382 = arith.constant 0 : i32
        %dma_start3A_383 = tpu.memref_slice %dma_start3A_381[%squeeze3A_369, %dma_start3A_382] : memref<1000000x64xf32, #tpu.memory_space<hbm>> -> memref<1x64xf32, #tpu.memory_space<hbm>>
        %dma_start3A_384 = arith.constant 0 : i32
        %dma_start3A_385 = tpu.memref_slice %arg6[%dma_start3A_374, %add3A_373, %dma_start3A_384] : memref<2x256x64xf32, #tpu.memory_space<vmem>> -> memref<1x1x64xf32, #tpu.memory_space<vmem>>
        %dma_start3A_386 = tpu.memref_squeeze %dma_start3A_385 : memref<1x1x64xf32, #tpu.memory_space<vmem>> -> memref<1x64xf32, #tpu.memory_space<vmem>>
        %dma_start3A_387 = arith.constant 0 : i32
        %dma_start3A_388 = arith.constant 0 : i32
        %dma_start3A_389 = tpu.memref_slice %arg3[%scan3A_10, %dma_start3A_387, %dma_start3A_388] : memref<1x1000000x64xf32, #tpu.memory_space<hbm>> -> memref<1x1000000x64xf32, #tpu.memory_space<hbm>>
        %dma_start3A_390 = tpu.memref_squeeze %dma_start3A_389 : memref<1x1000000x64xf32, #tpu.memory_space<hbm>> -> memref<1000000x64xf32, #tpu.memory_space<hbm>>
        %dma_start3A_391 = arith.constant 0 : i32
        %dma_start3A_392 = tpu.memref_slice %dma_start3A_390[%squeeze3A_369, %dma_start3A_391] : memref<1000000x64xf32, #tpu.memory_space<hbm>> -> memref<1x64xf32, #tpu.memory_space<hbm>>
        tpu.enqueue_dma source(%dma_start3A_392 : memref<1x64xf32, #tpu.memory_space<hbm>>) target(%dma_start3A_386 : memref<1x64xf32, #tpu.memory_space<vmem>>) target_semaphore(%arg8 : memref<!tpu.dma_semaphore, #tpu.memory_space<semaphore_mem>>)
        %slice3A_393 = vector.extract_strided_slice %get3A_144 {offsets = [10], sizes = [1], strides = [1]} : vector<16xi32> to vector<1xi32>
        %squeeze3A_394 = vector.extract %slice3A_393[0] : i32 from vector<1xi32>
        %mul3A_395 = arith.constant 16 : i32
        %mul3A_396 = arith.muli %scan3A_139, %mul3A_395 : i32
        %add3A_397 = arith.constant 10 : i32
        %add3A_398 = arith.addi %mul3A_396, %add3A_397 : i32
        %dma_start3A_399 = arith.constant 1 : i32
        %dma_start3A_400 = arith.constant 0 : i32
        %dma_start3A_401 = tpu.memref_slice %arg6[%dma_start3A_399, %add3A_398, %dma_start3A_400] : memref<2x256x64xf32, #tpu.memory_space<vmem>> -> memref<1x1x64xf32, #tpu.memory_space<vmem>>
        %dma_start3A_402 = tpu.memref_squeeze %dma_start3A_401 : memref<1x1x64xf32, #tpu.memory_space<vmem>> -> memref<1x64xf32, #tpu.memory_space<vmem>>
        %dma_start3A_403 = arith.constant 0 : i32
        %dma_start3A_404 = arith.constant 0 : i32
        %dma_start3A_405 = tpu.memref_slice %arg3[%scan3A_10, %dma_start3A_403, %dma_start3A_404] : memref<1x1000000x64xf32, #tpu.memory_space<hbm>> -> memref<1x1000000x64xf32, #tpu.memory_space<hbm>>
        %dma_start3A_406 = tpu.memref_squeeze %dma_start3A_405 : memref<1x1000000x64xf32, #tpu.memory_space<hbm>> -> memref<1000000x64xf32, #tpu.memory_space<hbm>>
        %dma_start3A_407 = arith.constant 0 : i32
        %dma_start3A_408 = tpu.memref_slice %dma_start3A_406[%squeeze3A_394, %dma_start3A_407] : memref<1000000x64xf32, #tpu.memory_space<hbm>> -> memref<1x64xf32, #tpu.memory_space<hbm>>
        %dma_start3A_409 = arith.constant 0 : i32
        %dma_start3A_410 = tpu.memref_slice %arg6[%dma_start3A_399, %add3A_398, %dma_start3A_409] : memref<2x256x64xf32, #tpu.memory_space<vmem>> -> memref<1x1x64xf32, #tpu.memory_space<vmem>>
        %dma_start3A_411 = tpu.memref_squeeze %dma_start3A_410 : memref<1x1x64xf32, #tpu.memory_space<vmem>> -> memref<1x64xf32, #tpu.memory_space<vmem>>
        %dma_start3A_412 = arith.constant 0 : i32
        %dma_start3A_413 = arith.constant 0 : i32
        %dma_start3A_414 = tpu.memref_slice %arg3[%scan3A_10, %dma_start3A_412, %dma_start3A_413] : memref<1x1000000x64xf32, #tpu.memory_space<hbm>> -> memref<1x1000000x64xf32, #tpu.memory_space<hbm>>
        %dma_start3A_415 = tpu.memref_squeeze %dma_start3A_414 : memref<1x1000000x64xf32, #tpu.memory_space<hbm>> -> memref<1000000x64xf32, #tpu.memory_space<hbm>>
        %dma_start3A_416 = arith.constant 0 : i32
        %dma_start3A_417 = tpu.memref_slice %dma_start3A_415[%squeeze3A_394, %dma_start3A_416] : memref<1000000x64xf32, #tpu.memory_space<hbm>> -> memref<1x64xf32, #tpu.memory_space<hbm>>
        tpu.enqueue_dma source(%dma_start3A_417 : memref<1x64xf32, #tpu.memory_space<hbm>>) target(%dma_start3A_411 : memref<1x64xf32, #tpu.memory_space<vmem>>) target_semaphore(%arg8 : memref<!tpu.dma_semaphore, #tpu.memory_space<semaphore_mem>>)
        %slice3A_418 = vector.extract_strided_slice %get3A_144 {offsets = [11], sizes = [1], strides = [1]} : vector<16xi32> to vector<1xi32>
        %squeeze3A_419 = vector.extract %slice3A_418[0] : i32 from vector<1xi32>
        %mul3A_420 = arith.constant 16 : i32
        %mul3A_421 = arith.muli %scan3A_139, %mul3A_420 : i32
        %add3A_422 = arith.constant 11 : i32
        %add3A_423 = arith.addi %mul3A_421, %add3A_422 : i32
        %dma_start3A_424 = arith.constant 1 : i32
        %dma_start3A_425 = arith.constant 0 : i32
        %dma_start3A_426 = tpu.memref_slice %arg6[%dma_start3A_424, %add3A_423, %dma_start3A_425] : memref<2x256x64xf32, #tpu.memory_space<vmem>> -> memref<1x1x64xf32, #tpu.memory_space<vmem>>
        %dma_start3A_427 = tpu.memref_squeeze %dma_start3A_426 : memref<1x1x64xf32, #tpu.memory_space<vmem>> -> memref<1x64xf32, #tpu.memory_space<vmem>>
        %dma_start3A_428 = arith.constant 0 : i32
        %dma_start3A_429 = arith.constant 0 : i32
        %dma_start3A_430 = tpu.memref_slice %arg3[%scan3A_10, %dma_start3A_428, %dma_start3A_429] : memref<1x1000000x64xf32, #tpu.memory_space<hbm>> -> memref<1x1000000x64xf32, #tpu.memory_space<hbm>>
        %dma_start3A_431 = tpu.memref_squeeze %dma_start3A_430 : memref<1x1000000x64xf32, #tpu.memory_space<hbm>> -> memref<1000000x64xf32, #tpu.memory_space<hbm>>
        %dma_start3A_432 = arith.constant 0 : i32
        %dma_start3A_433 = tpu.memref_slice %dma_start3A_431[%squeeze3A_419, %dma_start3A_432] : memref<1000000x64xf32, #tpu.memory_space<hbm>> -> memref<1x64xf32, #tpu.memory_space<hbm>>
        %dma_start3A_434 = arith.constant 0 : i32
        %dma_start3A_435 = tpu.memref_slice %arg6[%dma_start3A_424, %add3A_423, %dma_start3A_434] : memref<2x256x64xf32, #tpu.memory_space<vmem>> -> memref<1x1x64xf32, #tpu.memory_space<vmem>>
        %dma_start3A_436 = tpu.memref_squeeze %dma_start3A_435 : memref<1x1x64xf32, #tpu.memory_space<vmem>> -> memref<1x64xf32, #tpu.memory_space<vmem>>
        %dma_start3A_437 = arith.constant 0 : i32
        %dma_start3A_438 = arith.constant 0 : i32
        %dma_start3A_439 = tpu.memref_slice %arg3[%scan3A_10, %dma_start3A_437, %dma_start3A_438] : memref<1x1000000x64xf32, #tpu.memory_space<hbm>> -> memref<1x1000000x64xf32, #tpu.memory_space<hbm>>
        %dma_start3A_440 = tpu.memref_squeeze %dma_start3A_439 : memref<1x1000000x64xf32, #tpu.memory_space<hbm>> -> memref<1000000x64xf32, #tpu.memory_space<hbm>>
        %dma_start3A_441 = arith.constant 0 : i32
        %dma_start3A_442 = tpu.memref_slice %dma_start3A_440[%squeeze3A_419, %dma_start3A_441] : memref<1000000x64xf32, #tpu.memory_space<hbm>> -> memref<1x64xf32, #tpu.memory_space<hbm>>
        tpu.enqueue_dma source(%dma_start3A_442 : memref<1x64xf32, #tpu.memory_space<hbm>>) target(%dma_start3A_436 : memref<1x64xf32, #tpu.memory_space<vmem>>) target_semaphore(%arg8 : memref<!tpu.dma_semaphore, #tpu.memory_space<semaphore_mem>>)
        %slice3A_443 = vector.extract_strided_slice %get3A_144 {offsets = [12], sizes = [1], strides = [1]} : vector<16xi32> to vector<1xi32>
        %squeeze3A_444 = vector.extract %slice3A_443[0] : i32 from vector<1xi32>
        %mul3A_445 = arith.constant 16 : i32
        %mul3A_446 = arith.muli %scan3A_139, %mul3A_445 : i32
        %add3A_447 = arith.constant 12 : i32
        %add3A_448 = arith.addi %mul3A_446, %add3A_447 : i32
        %dma_start3A_449 = arith.constant 1 : i32
        %dma_start3A_450 = arith.constant 0 : i32
        %dma_start3A_451 = tpu.memref_slice %arg6[%dma_start3A_449, %add3A_448, %dma_start3A_450] : memref<2x256x64xf32, #tpu.memory_space<vmem>> -> memref<1x1x64xf32, #tpu.memory_space<vmem>>
        %dma_start3A_452 = tpu.memref_squeeze %dma_start3A_451 : memref<1x1x64xf32, #tpu.memory_space<vmem>> -> memref<1x64xf32, #tpu.memory_space<vmem>>
        %dma_start3A_453 = arith.constant 0 : i32
        %dma_start3A_454 = arith.constant 0 : i32
        %dma_start3A_455 = tpu.memref_slice %arg3[%scan3A_10, %dma_start3A_453, %dma_start3A_454] : memref<1x1000000x64xf32, #tpu.memory_space<hbm>> -> memref<1x1000000x64xf32, #tpu.memory_space<hbm>>
        %dma_start3A_456 = tpu.memref_squeeze %dma_start3A_455 : memref<1x1000000x64xf32, #tpu.memory_space<hbm>> -> memref<1000000x64xf32, #tpu.memory_space<hbm>>
        %dma_start3A_457 = arith.constant 0 : i32
        %dma_start3A_458 = tpu.memref_slice %dma_start3A_456[%squeeze3A_444, %dma_start3A_457] : memref<1000000x64xf32, #tpu.memory_space<hbm>> -> memref<1x64xf32, #tpu.memory_space<hbm>>
        %dma_start3A_459 = arith.constant 0 : i32
        %dma_start3A_460 = tpu.memref_slice %arg6[%dma_start3A_449, %add3A_448, %dma_start3A_459] : memref<2x256x64xf32, #tpu.memory_space<vmem>> -> memref<1x1x64xf32, #tpu.memory_space<vmem>>
        %dma_start3A_461 = tpu.memref_squeeze %dma_start3A_460 : memref<1x1x64xf32, #tpu.memory_space<vmem>> -> memref<1x64xf32, #tpu.memory_space<vmem>>
        %dma_start3A_462 = arith.constant 0 : i32
        %dma_start3A_463 = arith.constant 0 : i32
        %dma_start3A_464 = tpu.memref_slice %arg3[%scan3A_10, %dma_start3A_462, %dma_start3A_463] : memref<1x1000000x64xf32, #tpu.memory_space<hbm>> -> memref<1x1000000x64xf32, #tpu.memory_space<hbm>>
        %dma_start3A_465 = tpu.memref_squeeze %dma_start3A_464 : memref<1x1000000x64xf32, #tpu.memory_space<hbm>> -> memref<1000000x64xf32, #tpu.memory_space<hbm>>
        %dma_start3A_466 = arith.constant 0 : i32
        %dma_start3A_467 = tpu.memref_slice %dma_start3A_465[%squeeze3A_444, %dma_start3A_466] : memref<1000000x64xf32, #tpu.memory_space<hbm>> -> memref<1x64xf32, #tpu.memory_space<hbm>>
        tpu.enqueue_dma source(%dma_start3A_467 : memref<1x64xf32, #tpu.memory_space<hbm>>) target(%dma_start3A_461 : memref<1x64xf32, #tpu.memory_space<vmem>>) target_semaphore(%arg8 : memref<!tpu.dma_semaphore, #tpu.memory_space<semaphore_mem>>)
        %slice3A_468 = vector.extract_strided_slice %get3A_144 {offsets = [13], sizes = [1], strides = [1]} : vector<16xi32> to vector<1xi32>
        %squeeze3A_469 = vector.extract %slice3A_468[0] : i32 from vector<1xi32>
        %mul3A_470 = arith.constant 16 : i32
        %mul3A_471 = arith.muli %scan3A_139, %mul3A_470 : i32
        %add3A_472 = arith.constant 13 : i32
        %add3A_473 = arith.addi %mul3A_471, %add3A_472 : i32
        %dma_start3A_474 = arith.constant 1 : i32
        %dma_start3A_475 = arith.constant 0 : i32
        %dma_start3A_476 = tpu.memref_slice %arg6[%dma_start3A_474, %add3A_473, %dma_start3A_475] : memref<2x256x64xf32, #tpu.memory_space<vmem>> -> memref<1x1x64xf32, #tpu.memory_space<vmem>>
        %dma_start3A_477 = tpu.memref_squeeze %dma_start3A_476 : memref<1x1x64xf32, #tpu.memory_space<vmem>> -> memref<1x64xf32, #tpu.memory_space<vmem>>
        %dma_start3A_478 = arith.constant 0 : i32
        %dma_start3A_479 = arith.constant 0 : i32
        %dma_start3A_480 = tpu.memref_slice %arg3[%scan3A_10, %dma_start3A_478, %dma_start3A_479] : memref<1x1000000x64xf32, #tpu.memory_space<hbm>> -> memref<1x1000000x64xf32, #tpu.memory_space<hbm>>
        %dma_start3A_481 = tpu.memref_squeeze %dma_start3A_480 : memref<1x1000000x64xf32, #tpu.memory_space<hbm>> -> memref<1000000x64xf32, #tpu.memory_space<hbm>>
        %dma_start3A_482 = arith.constant 0 : i32
        %dma_start3A_483 = tpu.memref_slice %dma_start3A_481[%squeeze3A_469, %dma_start3A_482] : memref<1000000x64xf32, #tpu.memory_space<hbm>> -> memref<1x64xf32, #tpu.memory_space<hbm>>
        %dma_start3A_484 = arith.constant 0 : i32
        %dma_start3A_485 = tpu.memref_slice %arg6[%dma_start3A_474, %add3A_473, %dma_start3A_484] : memref<2x256x64xf32, #tpu.memory_space<vmem>> -> memref<1x1x64xf32, #tpu.memory_space<vmem>>
        %dma_start3A_486 = tpu.memref_squeeze %dma_start3A_485 : memref<1x1x64xf32, #tpu.memory_space<vmem>> -> memref<1x64xf32, #tpu.memory_space<vmem>>
        %dma_start3A_487 = arith.constant 0 : i32
        %dma_start3A_488 = arith.constant 0 : i32
        %dma_start3A_489 = tpu.memref_slice %arg3[%scan3A_10, %dma_start3A_487, %dma_start3A_488] : memref<1x1000000x64xf32, #tpu.memory_space<hbm>> -> memref<1x1000000x64xf32, #tpu.memory_space<hbm>>
        %dma_start3A_490 = tpu.memref_squeeze %dma_start3A_489 : memref<1x1000000x64xf32, #tpu.memory_space<hbm>> -> memref<1000000x64xf32, #tpu.memory_space<hbm>>
        %dma_start3A_491 = arith.constant 0 : i32
        %dma_start3A_492 = tpu.memref_slice %dma_start3A_490[%squeeze3A_469, %dma_start3A_491] : memref<1000000x64xf32, #tpu.memory_space<hbm>> -> memref<1x64xf32, #tpu.memory_space<hbm>>
        tpu.enqueue_dma source(%dma_start3A_492 : memref<1x64xf32, #tpu.memory_space<hbm>>) target(%dma_start3A_486 : memref<1x64xf32, #tpu.memory_space<vmem>>) target_semaphore(%arg8 : memref<!tpu.dma_semaphore, #tpu.memory_space<semaphore_mem>>)
        %slice3A_493 = vector.extract_strided_slice %get3A_144 {offsets = [14], sizes = [1], strides = [1]} : vector<16xi32> to vector<1xi32>
        %squeeze3A_494 = vector.extract %slice3A_493[0] : i32 from vector<1xi32>
        %mul3A_495 = arith.constant 16 : i32
        %mul3A_496 = arith.muli %scan3A_139, %mul3A_495 : i32
        %add3A_497 = arith.constant 14 : i32
        %add3A_498 = arith.addi %mul3A_496, %add3A_497 : i32
        %dma_start3A_499 = arith.constant 1 : i32
        %dma_start3A_500 = arith.constant 0 : i32
        %dma_start3A_501 = tpu.memref_slice %arg6[%dma_start3A_499, %add3A_498, %dma_start3A_500] : memref<2x256x64xf32, #tpu.memory_space<vmem>> -> memref<1x1x64xf32, #tpu.memory_space<vmem>>
        %dma_start3A_502 = tpu.memref_squeeze %dma_start3A_501 : memref<1x1x64xf32, #tpu.memory_space<vmem>> -> memref<1x64xf32, #tpu.memory_space<vmem>>
        %dma_start3A_503 = arith.constant 0 : i32
        %dma_start3A_504 = arith.constant 0 : i32
        %dma_start3A_505 = tpu.memref_slice %arg3[%scan3A_10, %dma_start3A_503, %dma_start3A_504] : memref<1x1000000x64xf32, #tpu.memory_space<hbm>> -> memref<1x1000000x64xf32, #tpu.memory_space<hbm>>
        %dma_start3A_506 = tpu.memref_squeeze %dma_start3A_505 : memref<1x1000000x64xf32, #tpu.memory_space<hbm>> -> memref<1000000x64xf32, #tpu.memory_space<hbm>>
        %dma_start3A_507 = arith.constant 0 : i32
        %dma_start3A_508 = tpu.memref_slice %dma_start3A_506[%squeeze3A_494, %dma_start3A_507] : memref<1000000x64xf32, #tpu.memory_space<hbm>> -> memref<1x64xf32, #tpu.memory_space<hbm>>
        %dma_start3A_509 = arith.constant 0 : i32
        %dma_start3A_510 = tpu.memref_slice %arg6[%dma_start3A_499, %add3A_498, %dma_start3A_509] : memref<2x256x64xf32, #tpu.memory_space<vmem>> -> memref<1x1x64xf32, #tpu.memory_space<vmem>>
        %dma_start3A_511 = tpu.memref_squeeze %dma_start3A_510 : memref<1x1x64xf32, #tpu.memory_space<vmem>> -> memref<1x64xf32, #tpu.memory_space<vmem>>
        %dma_start3A_512 = arith.constant 0 : i32
        %dma_start3A_513 = arith.constant 0 : i32
        %dma_start3A_514 = tpu.memref_slice %arg3[%scan3A_10, %dma_start3A_512, %dma_start3A_513] : memref<1x1000000x64xf32, #tpu.memory_space<hbm>> -> memref<1x1000000x64xf32, #tpu.memory_space<hbm>>
        %dma_start3A_515 = tpu.memref_squeeze %dma_start3A_514 : memref<1x1000000x64xf32, #tpu.memory_space<hbm>> -> memref<1000000x64xf32, #tpu.memory_space<hbm>>
        %dma_start3A_516 = arith.constant 0 : i32
        %dma_start3A_517 = tpu.memref_slice %dma_start3A_515[%squeeze3A_494, %dma_start3A_516] : memref<1000000x64xf32, #tpu.memory_space<hbm>> -> memref<1x64xf32, #tpu.memory_space<hbm>>
        tpu.enqueue_dma source(%dma_start3A_517 : memref<1x64xf32, #tpu.memory_space<hbm>>) target(%dma_start3A_511 : memref<1x64xf32, #tpu.memory_space<vmem>>) target_semaphore(%arg8 : memref<!tpu.dma_semaphore, #tpu.memory_space<semaphore_mem>>)
        %slice3A_518 = vector.extract_strided_slice %get3A_144 {offsets = [15], sizes = [1], strides = [1]} : vector<16xi32> to vector<1xi32>
        %squeeze3A_519 = vector.extract %slice3A_518[0] : i32 from vector<1xi32>
        %mul3A_520 = arith.constant 16 : i32
        %mul3A_521 = arith.muli %scan3A_139, %mul3A_520 : i32
        %add3A_522 = arith.constant 15 : i32
        %add3A_523 = arith.addi %mul3A_521, %add3A_522 : i32
        %dma_start3A_524 = arith.constant 1 : i32
        %dma_start3A_525 = arith.constant 0 : i32
        %dma_start3A_526 = tpu.memref_slice %arg6[%dma_start3A_524, %add3A_523, %dma_start3A_525] : memref<2x256x64xf32, #tpu.memory_space<vmem>> -> memref<1x1x64xf32, #tpu.memory_space<vmem>>
        %dma_start3A_527 = tpu.memref_squeeze %dma_start3A_526 : memref<1x1x64xf32, #tpu.memory_space<vmem>> -> memref<1x64xf32, #tpu.memory_space<vmem>>
        %dma_start3A_528 = arith.constant 0 : i32
        %dma_start3A_529 = arith.constant 0 : i32
        %dma_start3A_530 = tpu.memref_slice %arg3[%scan3A_10, %dma_start3A_528, %dma_start3A_529] : memref<1x1000000x64xf32, #tpu.memory_space<hbm>> -> memref<1x1000000x64xf32, #tpu.memory_space<hbm>>
        %dma_start3A_531 = tpu.memref_squeeze %dma_start3A_530 : memref<1x1000000x64xf32, #tpu.memory_space<hbm>> -> memref<1000000x64xf32, #tpu.memory_space<hbm>>
        %dma_start3A_532 = arith.constant 0 : i32
        %dma_start3A_533 = tpu.memref_slice %dma_start3A_531[%squeeze3A_519, %dma_start3A_532] : memref<1000000x64xf32, #tpu.memory_space<hbm>> -> memref<1x64xf32, #tpu.memory_space<hbm>>
        %dma_start3A_534 = arith.constant 0 : i32
        %dma_start3A_535 = tpu.memref_slice %arg6[%dma_start3A_524, %add3A_523, %dma_start3A_534] : memref<2x256x64xf32, #tpu.memory_space<vmem>> -> memref<1x1x64xf32, #tpu.memory_space<vmem>>
        %dma_start3A_536 = tpu.memref_squeeze %dma_start3A_535 : memref<1x1x64xf32, #tpu.memory_space<vmem>> -> memref<1x64xf32, #tpu.memory_space<vmem>>
        %dma_start3A_537 = arith.constant 0 : i32
        %dma_start3A_538 = arith.constant 0 : i32
        %dma_start3A_539 = tpu.memref_slice %arg3[%scan3A_10, %dma_start3A_537, %dma_start3A_538] : memref<1x1000000x64xf32, #tpu.memory_space<hbm>> -> memref<1x1000000x64xf32, #tpu.memory_space<hbm>>
        %dma_start3A_540 = tpu.memref_squeeze %dma_start3A_539 : memref<1x1000000x64xf32, #tpu.memory_space<hbm>> -> memref<1000000x64xf32, #tpu.memory_space<hbm>>
        %dma_start3A_541 = arith.constant 0 : i32
        %dma_start3A_542 = tpu.memref_slice %dma_start3A_540[%squeeze3A_519, %dma_start3A_541] : memref<1000000x64xf32, #tpu.memory_space<hbm>> -> memref<1x64xf32, #tpu.memory_space<hbm>>
        tpu.enqueue_dma source(%dma_start3A_542 : memref<1x64xf32, #tpu.memory_space<hbm>>) target(%dma_start3A_536 : memref<1x64xf32, #tpu.memory_space<vmem>>) target_semaphore(%arg8 : memref<!tpu.dma_semaphore, #tpu.memory_space<semaphore_mem>>)
      }
      %scan3A_53 = arith.constant 16 : i32
      %dma_wait3A_54 = arith.constant 0 : i32
      %dma_wait3A_55 = arith.constant 0 : i32
      %dma_wait3A_56 = arith.constant 0 : i32
      %dma_wait3A_57 = tpu.memref_slice %arg6[%dma_wait3A_54, %dma_wait3A_55, %dma_wait3A_56] : memref<2x256x64xf32, #tpu.memory_space<vmem>> -> memref<1x256x64xf32, #tpu.memory_space<vmem>>
      %dma_wait3A_58 = tpu.memref_squeeze %dma_wait3A_57 : memref<1x256x64xf32, #tpu.memory_space<vmem>> -> memref<256x64xf32, #tpu.memory_space<vmem>>
      %dma_wait3A_59 = arith.constant 0 : i32
      %dma_wait3A_60 = arith.constant 0 : i32
      %dma_wait3A_61 = tpu.memref_slice %arg3[%scan3A_10, %dma_wait3A_59, %dma_wait3A_60] : memref<1x1000000x64xf32, #tpu.memory_space<hbm>> -> memref<1x1000000x64xf32, #tpu.memory_space<hbm>>
      %dma_wait3A_62 = tpu.memref_squeeze %dma_wait3A_61 : memref<1x1000000x64xf32, #tpu.memory_space<hbm>> -> memref<1000000x64xf32, #tpu.memory_space<hbm>>
      %dma_wait3A_63 = arith.constant 0 : i32
      %dma_wait3A_64 = arith.constant 0 : i32
      %dma_wait3A_65 = tpu.memref_slice %dma_wait3A_62[%dma_wait3A_63, %dma_wait3A_64] : memref<1000000x64xf32, #tpu.memory_space<hbm>> -> memref<256x64xf32, #tpu.memory_space<hbm>>
      %dma_wait3A_66 = arith.constant 0 : i32
      %dma_wait3A_67 = arith.constant 0 : i32
      %dma_wait3A_68 = tpu.memref_slice %arg6[%dma_wait3A_54, %dma_wait3A_66, %dma_wait3A_67] : memref<2x256x64xf32, #tpu.memory_space<vmem>> -> memref<1x256x64xf32, #tpu.memory_space<vmem>>
      %dma_wait3A_69 = tpu.memref_squeeze %dma_wait3A_68 : memref<1x256x64xf32, #tpu.memory_space<vmem>> -> memref<256x64xf32, #tpu.memory_space<vmem>>
      %dma_wait3A_70 = arith.constant 0 : i32
      %dma_wait3A_71 = arith.constant 0 : i32
      %dma_wait3A_72 = tpu.memref_slice %arg3[%scan3A_10, %dma_wait3A_70, %dma_wait3A_71] : memref<1x1000000x64xf32, #tpu.memory_space<hbm>> -> memref<1x1000000x64xf32, #tpu.memory_space<hbm>>
      %dma_wait3A_73 = tpu.memref_squeeze %dma_wait3A_72 : memref<1x1000000x64xf32, #tpu.memory_space<hbm>> -> memref<1000000x64xf32, #tpu.memory_space<hbm>>
      %dma_wait3A_74 = arith.constant 0 : i32
      %dma_wait3A_75 = arith.constant 0 : i32
      %dma_wait3A_76 = tpu.memref_slice %dma_wait3A_73[%dma_wait3A_74, %dma_wait3A_75] : memref<1000000x64xf32, #tpu.memory_space<hbm>> -> memref<256x64xf32, #tpu.memory_space<hbm>>
      tpu.wait_dma2 semaphore(%arg7 : memref<!tpu.dma_semaphore, #tpu.memory_space<semaphore_mem>>) src(%dma_wait3A_76 : memref<256x64xf32, #tpu.memory_space<hbm>>) dst(%dma_wait3A_69 : memref<256x64xf32, #tpu.memory_space<vmem>>)
      %mul3A_77 = arith.constant 256 : i32
      %mul3A_78 = arith.muli %mul3A_43, %mul3A_77 : i32
      %add3A_79 = arith.addi %mul3A_2, %mul3A_78 : i32
      %dma_start3A = arith.constant 0 : i32
      %dma_start3A_80 = arith.constant 0 : i32
      %dma_start3A_81 = arith.constant 0 : i32
      %dma_start3A_82 = tpu.memref_slice %arg6[%dma_start3A, %dma_start3A_80, %dma_start3A_81] : memref<2x256x64xf32, #tpu.memory_space<vmem>> -> memref<1x256x64xf32, #tpu.memory_space<vmem>>
      %dma_start3A_83 = tpu.memref_squeeze %dma_start3A_82 : memref<1x256x64xf32, #tpu.memory_space<vmem>> -> memref<256x64xf32, #tpu.memory_space<vmem>>
      %dma_start3A_84 = arith.constant 0 : i32
      %dma_start3A_85 = tpu.memref_slice %arg4[%add3A_79, %dma_start3A_84] : memref<262144x64xf32, #tpu.memory_space<hbm>> -> memref<256x64xf32, #tpu.memory_space<hbm>>
      %dma_start3A_86 = arith.constant 0 : i32
      %dma_start3A_87 = tpu.memref_slice %arg4[%add3A_79, %dma_start3A_86] : memref<262144x64xf32, #tpu.memory_space<hbm>> -> memref<256x64xf32, #tpu.memory_space<hbm>>
      %dma_start3A_88 = arith.constant 0 : i32
      %dma_start3A_89 = arith.constant 0 : i32
      %dma_start3A_90 = tpu.memref_slice %arg6[%dma_start3A, %dma_start3A_88, %dma_start3A_89] : memref<2x256x64xf32, #tpu.memory_space<vmem>> -> memref<1x256x64xf32, #tpu.memory_space<vmem>>
      %dma_start3A_91 = tpu.memref_squeeze %dma_start3A_90 : memref<1x256x64xf32, #tpu.memory_space<vmem>> -> memref<256x64xf32, #tpu.memory_space<vmem>>
      tpu.enqueue_dma source(%dma_start3A_91 : memref<256x64xf32, #tpu.memory_space<vmem>>) target(%dma_start3A_87 : memref<256x64xf32, #tpu.memory_space<hbm>>) target_semaphore(%arg9 : memref<!tpu.dma_semaphore, #tpu.memory_space<semaphore_mem>>)
      %add3A_92 = arith.constant 2 : i32
      %add3A_93 = arith.addi %mul3A_43, %add3A_92 : i32
      %lt3A = arith.constant 32 : i32
      %lt3A_94 = arith.cmpi slt, %add3A_93, %lt3A : i32
      %convert_element_type3A_95 = arith.extui %lt3A_94 : i1 to i32
      %cond3A_96 = arith.constant 0 : i32
      %cond3A_97 = arith.cmpi ne, %convert_element_type3A_95, %cond3A_96 : i32
      scf.if %cond3A_97 {
        %dma_wait3A_139 = arith.constant 0 : i32
        %dma_wait3A_140 = arith.constant 0 : i32
        %dma_wait3A_141 = arith.constant 0 : i32
        %dma_wait3A_142 = tpu.memref_slice %arg6[%dma_wait3A_139, %dma_wait3A_140, %dma_wait3A_141] : memref<2x256x64xf32, #tpu.memory_space<vmem>> -> memref<1x256x64xf32, #tpu.memory_space<vmem>>
        %dma_wait3A_143 = tpu.memref_squeeze %dma_wait3A_142 : memref<1x256x64xf32, #tpu.memory_space<vmem>> -> memref<256x64xf32, #tpu.memory_space<vmem>>
        %dma_wait3A_144 = arith.constant 0 : i32
        %dma_wait3A_145 = tpu.memref_slice %arg4[%mul3A_2, %dma_wait3A_144] : memref<262144x64xf32, #tpu.memory_space<hbm>> -> memref<256x64xf32, #tpu.memory_space<hbm>>
        %dma_wait3A_146 = arith.constant 0 : i32
        %dma_wait3A_147 = tpu.memref_slice %arg4[%mul3A_2, %dma_wait3A_146] : memref<262144x64xf32, #tpu.memory_space<hbm>> -> memref<256x64xf32, #tpu.memory_space<hbm>>
        %dma_wait3A_148 = arith.constant 0 : i32
        %dma_wait3A_149 = arith.constant 0 : i32
        %dma_wait3A_150 = tpu.memref_slice %arg6[%dma_wait3A_139, %dma_wait3A_148, %dma_wait3A_149] : memref<2x256x64xf32, #tpu.memory_space<vmem>> -> memref<1x256x64xf32, #tpu.memory_space<vmem>>
        %dma_wait3A_151 = tpu.memref_squeeze %dma_wait3A_150 : memref<1x256x64xf32, #tpu.memory_space<vmem>> -> memref<256x64xf32, #tpu.memory_space<vmem>>
        tpu.wait_dma2 semaphore(%arg9 : memref<!tpu.dma_semaphore, #tpu.memory_space<semaphore_mem>>) src(%dma_wait3A_151 : memref<256x64xf32, #tpu.memory_space<vmem>>) dst(%dma_wait3A_147 : memref<256x64xf32, #tpu.memory_space<hbm>>)
        %add3A_152 = arith.constant 2 : i32
        %add3A_153 = arith.addi %mul3A_43, %add3A_152 : i32
        %scan3A_154 = arith.constant 0 : i32
        %scan3A_155 = arith.constant 0 : i32
        %scan3A_156 = arith.constant 16 : i32
        %scan3A_157 = arith.addi %scan3A_155, %scan3A_156 : i32
        %scan3A_158 = arith.constant 1 : i32
        scf.for %scan3A_160 = %scan3A_155 to %scan3A_157 step %scan3A_158  : i32 {
          %mul3A_161 = arith.constant 16 : i32
          %mul3A_162 = arith.muli %scan3A_160, %mul3A_161 : i32
          %get3A = arith.index_cast %add3A_153 : i32 to index
          %get3A_163 = arith.index_cast %mul3A_162 : i32 to index
          %get3A_164 = tpu.vector_load %arg5[%get3A, %get3A_163] {strides = array<i32>} : memref<32x256xi32, #tpu.memory_space<vmem>>, vector<1x16xi32>,
          %get3A_165 = vector.shape_cast %get3A_164 : vector<1x16xi32> to vector<16xi32>
          %slice3A = vector.extract_strided_slice %get3A_165 {offsets = [0], sizes = [1], strides = [1]} : vector<16xi32> to vector<1xi32>
          %squeeze3A = vector.extract %slice3A[0] : i32 from vector<1xi32>
          %mul3A_166 = arith.constant 16 : i32
          %mul3A_167 = arith.muli %scan3A_160, %mul3A_166 : i32
          %add3A_168 = arith.constant 0 : i32
          %add3A_169 = arith.addi %mul3A_167, %add3A_168 : i32
          %dma_start3A_170 = arith.constant 0 : i32
          %dma_start3A_171 = arith.constant 0 : i32
          %dma_start3A_172 = tpu.memref_slice %arg6[%dma_start3A_170, %add3A_169, %dma_start3A_171] : memref<2x256x64xf32, #tpu.memory_space<vmem>> -> memref<1x1x64xf32, #tpu.memory_space<vmem>>
          %dma_start3A_173 = tpu.memref_squeeze %dma_start3A_172 : memref<1x1x64xf32, #tpu.memory_space<vmem>> -> memref<1x64xf32, #tpu.memory_space<vmem>>
          %dma_start3A_174 = arith.constant 0 : i32
          %dma_start3A_175 = arith.constant 0 : i32
          %dma_start3A_176 = tpu.memref_slice %arg3[%scan3A_10, %dma_start3A_174, %dma_start3A_175] : memref<1x1000000x64xf32, #tpu.memory_space<hbm>> -> memref<1x1000000x64xf32, #tpu.memory_space<hbm>>
          %dma_start3A_177 = tpu.memref_squeeze %dma_start3A_176 : memref<1x1000000x64xf32, #tpu.memory_space<hbm>> -> memref<1000000x64xf32, #tpu.memory_space<hbm>>
          %dma_start3A_178 = arith.constant 0 : i32
          %dma_start3A_179 = tpu.memref_slice %dma_start3A_177[%squeeze3A, %dma_start3A_178] : memref<1000000x64xf32, #tpu.memory_space<hbm>> -> memref<1x64xf32, #tpu.memory_space<hbm>>
          %dma_start3A_180 = arith.constant 0 : i32
          %dma_start3A_181 = tpu.memref_slice %arg6[%dma_start3A_170, %add3A_169, %dma_start3A_180] : memref<2x256x64xf32, #tpu.memory_space<vmem>> -> memref<1x1x64xf32, #tpu.memory_space<vmem>>
          %dma_start3A_182 = tpu.memref_squeeze %dma_start3A_181 : memref<1x1x64xf32, #tpu.memory_space<vmem>> -> memref<1x64xf32, #tpu.memory_space<vmem>>
          %dma_start3A_183 = arith.constant 0 : i32
          %dma_start3A_184 = arith.constant 0 : i32
          %dma_start3A_185 = tpu.memref_slice %arg3[%scan3A_10, %dma_start3A_183, %dma_start3A_184] : memref<1x1000000x64xf32, #tpu.memory_space<hbm>> -> memref<1x1000000x64xf32, #tpu.memory_space<hbm>>
          %dma_start3A_186 = tpu.memref_squeeze %dma_start3A_185 : memref<1x1000000x64xf32, #tpu.memory_space<hbm>> -> memref<1000000x64xf32, #tpu.memory_space<hbm>>
          %dma_start3A_187 = arith.constant 0 : i32
          %dma_start3A_188 = tpu.memref_slice %dma_start3A_186[%squeeze3A, %dma_start3A_187] : memref<1000000x64xf32, #tpu.memory_space<hbm>> -> memref<1x64xf32, #tpu.memory_space<hbm>>
          tpu.enqueue_dma source(%dma_start3A_188 : memref<1x64xf32, #tpu.memory_space<hbm>>) target(%dma_start3A_182 : memref<1x64xf32, #tpu.memory_space<vmem>>) target_semaphore(%arg7 : memref<!tpu.dma_semaphore, #tpu.memory_space<semaphore_mem>>)
          %slice3A_189 = vector.extract_strided_slice %get3A_165 {offsets = [1], sizes = [1], strides = [1]} : vector<16xi32> to vector<1xi32>
          %squeeze3A_190 = vector.extract %slice3A_189[0] : i32 from vector<1xi32>
          %mul3A_191 = arith.constant 16 : i32
          %mul3A_192 = arith.muli %scan3A_160, %mul3A_191 : i32
          %add3A_193 = arith.constant 1 : i32
          %add3A_194 = arith.addi %mul3A_192, %add3A_193 : i32
          %dma_start3A_195 = arith.constant 0 : i32
          %dma_start3A_196 = arith.constant 0 : i32
          %dma_start3A_197 = tpu.memref_slice %arg6[%dma_start3A_195, %add3A_194, %dma_start3A_196] : memref<2x256x64xf32, #tpu.memory_space<vmem>> -> memref<1x1x64xf32, #tpu.memory_space<vmem>>
          %dma_start3A_198 = tpu.memref_squeeze %dma_start3A_197 : memref<1x1x64xf32, #tpu.memory_space<vmem>> -> memref<1x64xf32, #tpu.memory_space<vmem>>
          %dma_start3A_199 = arith.constant 0 : i32
          %dma_start3A_200 = arith.constant 0 : i32
          %dma_start3A_201 = tpu.memref_slice %arg3[%scan3A_10, %dma_start3A_199, %dma_start3A_200] : memref<1x1000000x64xf32, #tpu.memory_space<hbm>> -> memref<1x1000000x64xf32, #tpu.memory_space<hbm>>
          %dma_start3A_202 = tpu.memref_squeeze %dma_start3A_201 : memref<1x1000000x64xf32, #tpu.memory_space<hbm>> -> memref<1000000x64xf32, #tpu.memory_space<hbm>>
          %dma_start3A_203 = arith.constant 0 : i32
          %dma_start3A_204 = tpu.memref_slice %dma_start3A_202[%squeeze3A_190, %dma_start3A_203] : memref<1000000x64xf32, #tpu.memory_space<hbm>> -> memref<1x64xf32, #tpu.memory_space<hbm>>
          %dma_start3A_205 = arith.constant 0 : i32
          %dma_start3A_206 = tpu.memref_slice %arg6[%dma_start3A_195, %add3A_194, %dma_start3A_205] : memref<2x256x64xf32, #tpu.memory_space<vmem>> -> memref<1x1x64xf32, #tpu.memory_space<vmem>>
          %dma_start3A_207 = tpu.memref_squeeze %dma_start3A_206 : memref<1x1x64xf32, #tpu.memory_space<vmem>> -> memref<1x64xf32, #tpu.memory_space<vmem>>
          %dma_start3A_208 = arith.constant 0 : i32
          %dma_start3A_209 = arith.constant 0 : i32
          %dma_start3A_210 = tpu.memref_slice %arg3[%scan3A_10, %dma_start3A_208, %dma_start3A_209] : memref<1x1000000x64xf32, #tpu.memory_space<hbm>> -> memref<1x1000000x64xf32, #tpu.memory_space<hbm>>
          %dma_start3A_211 = tpu.memref_squeeze %dma_start3A_210 : memref<1x1000000x64xf32, #tpu.memory_space<hbm>> -> memref<1000000x64xf32, #tpu.memory_space<hbm>>
          %dma_start3A_212 = arith.constant 0 : i32
          %dma_start3A_213 = tpu.memref_slice %dma_start3A_211[%squeeze3A_190, %dma_start3A_212] : memref<1000000x64xf32, #tpu.memory_space<hbm>> -> memref<1x64xf32, #tpu.memory_space<hbm>>
          tpu.enqueue_dma source(%dma_start3A_213 : memref<1x64xf32, #tpu.memory_space<hbm>>) target(%dma_start3A_207 : memref<1x64xf32, #tpu.memory_space<vmem>>) target_semaphore(%arg7 : memref<!tpu.dma_semaphore, #tpu.memory_space<semaphore_mem>>)
          %slice3A_214 = vector.extract_strided_slice %get3A_165 {offsets = [2], sizes = [1], strides = [1]} : vector<16xi32> to vector<1xi32>
          %squeeze3A_215 = vector.extract %slice3A_214[0] : i32 from vector<1xi32>
          %mul3A_216 = arith.constant 16 : i32
          %mul3A_217 = arith.muli %scan3A_160, %mul3A_216 : i32
          %add3A_218 = arith.constant 2 : i32
          %add3A_219 = arith.addi %mul3A_217, %add3A_218 : i32
          %dma_start3A_220 = arith.constant 0 : i32
          %dma_start3A_221 = arith.constant 0 : i32
          %dma_start3A_222 = tpu.memref_slice %arg6[%dma_start3A_220, %add3A_219, %dma_start3A_221] : memref<2x256x64xf32, #tpu.memory_space<vmem>> -> memref<1x1x64xf32, #tpu.memory_space<vmem>>
          %dma_start3A_223 = tpu.memref_squeeze %dma_start3A_222 : memref<1x1x64xf32, #tpu.memory_space<vmem>> -> memref<1x64xf32, #tpu.memory_space<vmem>>
          %dma_start3A_224 = arith.constant 0 : i32
          %dma_start3A_225 = arith.constant 0 : i32
          %dma_start3A_226 = tpu.memref_slice %arg3[%scan3A_10, %dma_start3A_224, %dma_start3A_225] : memref<1x1000000x64xf32, #tpu.memory_space<hbm>> -> memref<1x1000000x64xf32, #tpu.memory_space<hbm>>
          %dma_start3A_227 = tpu.memref_squeeze %dma_start3A_226 : memref<1x1000000x64xf32, #tpu.memory_space<hbm>> -> memref<1000000x64xf32, #tpu.memory_space<hbm>>
          %dma_start3A_228 = arith.constant 0 : i32
          %dma_start3A_229 = tpu.memref_slice %dma_start3A_227[%squeeze3A_215, %dma_start3A_228] : memref<1000000x64xf32, #tpu.memory_space<hbm>> -> memref<1x64xf32, #tpu.memory_space<hbm>>
          %dma_start3A_230 = arith.constant 0 : i32
          %dma_start3A_231 = tpu.memref_slice %arg6[%dma_start3A_220, %add3A_219, %dma_start3A_230] : memref<2x256x64xf32, #tpu.memory_space<vmem>> -> memref<1x1x64xf32, #tpu.memory_space<vmem>>
          %dma_start3A_232 = tpu.memref_squeeze %dma_start3A_231 : memref<1x1x64xf32, #tpu.memory_space<vmem>> -> memref<1x64xf32, #tpu.memory_space<vmem>>
          %dma_start3A_233 = arith.constant 0 : i32
          %dma_start3A_234 = arith.constant 0 : i32
          %dma_start3A_235 = tpu.memref_slice %arg3[%scan3A_10, %dma_start3A_233, %dma_start3A_234] : memref<1x1000000x64xf32, #tpu.memory_space<hbm>> -> memref<1x1000000x64xf32, #tpu.memory_space<hbm>>
          %dma_start3A_236 = tpu.memref_squeeze %dma_start3A_235 : memref<1x1000000x64xf32, #tpu.memory_space<hbm>> -> memref<1000000x64xf32, #tpu.memory_space<hbm>>
          %dma_start3A_237 = arith.constant 0 : i32
          %dma_start3A_238 = tpu.memref_slice %dma_start3A_236[%squeeze3A_215, %dma_start3A_237] : memref<1000000x64xf32, #tpu.memory_space<hbm>> -> memref<1x64xf32, #tpu.memory_space<hbm>>
          tpu.enqueue_dma source(%dma_start3A_238 : memref<1x64xf32, #tpu.memory_space<hbm>>) target(%dma_start3A_232 : memref<1x64xf32, #tpu.memory_space<vmem>>) target_semaphore(%arg7 : memref<!tpu.dma_semaphore, #tpu.memory_space<semaphore_mem>>)
          %slice3A_239 = vector.extract_strided_slice %get3A_165 {offsets = [3], sizes = [1], strides = [1]} : vector<16xi32> to vector<1xi32>
          %squeeze3A_240 = vector.extract %slice3A_239[0] : i32 from vector<1xi32>
          %mul3A_241 = arith.constant 16 : i32
          %mul3A_242 = arith.muli %scan3A_160, %mul3A_241 : i32
          %add3A_243 = arith.constant 3 : i32
          %add3A_244 = arith.addi %mul3A_242, %add3A_243 : i32
          %dma_start3A_245 = arith.constant 0 : i32
          %dma_start3A_246 = arith.constant 0 : i32
          %dma_start3A_247 = tpu.memref_slice %arg6[%dma_start3A_245, %add3A_244, %dma_start3A_246] : memref<2x256x64xf32, #tpu.memory_space<vmem>> -> memref<1x1x64xf32, #tpu.memory_space<vmem>>
          %dma_start3A_248 = tpu.memref_squeeze %dma_start3A_247 : memref<1x1x64xf32, #tpu.memory_space<vmem>> -> memref<1x64xf32, #tpu.memory_space<vmem>>
          %dma_start3A_249 = arith.constant 0 : i32
          %dma_start3A_250 = arith.constant 0 : i32
          %dma_start3A_251 = tpu.memref_slice %arg3[%scan3A_10, %dma_start3A_249, %dma_start3A_250] : memref<1x1000000x64xf32, #tpu.memory_space<hbm>> -> memref<1x1000000x64xf32, #tpu.memory_space<hbm>>
          %dma_start3A_252 = tpu.memref_squeeze %dma_start3A_251 : memref<1x1000000x64xf32, #tpu.memory_space<hbm>> -> memref<1000000x64xf32, #tpu.memory_space<hbm>>
          %dma_start3A_253 = arith.constant 0 : i32
          %dma_start3A_254 = tpu.memref_slice %dma_start3A_252[%squeeze3A_240, %dma_start3A_253] : memref<1000000x64xf32, #tpu.memory_space<hbm>> -> memref<1x64xf32, #tpu.memory_space<hbm>>
          %dma_start3A_255 = arith.constant 0 : i32
          %dma_start3A_256 = tpu.memref_slice %arg6[%dma_start3A_245, %add3A_244, %dma_start3A_255] : memref<2x256x64xf32, #tpu.memory_space<vmem>> -> memref<1x1x64xf32, #tpu.memory_space<vmem>>
          %dma_start3A_257 = tpu.memref_squeeze %dma_start3A_256 : memref<1x1x64xf32, #tpu.memory_space<vmem>> -> memref<1x64xf32, #tpu.memory_space<vmem>>
          %dma_start3A_258 = arith.constant 0 : i32
          %dma_start3A_259 = arith.constant 0 : i32
          %dma_start3A_260 = tpu.memref_slice %arg3[%scan3A_10, %dma_start3A_258, %dma_start3A_259] : memref<1x1000000x64xf32, #tpu.memory_space<hbm>> -> memref<1x1000000x64xf32, #tpu.memory_space<hbm>>
          %dma_start3A_261 = tpu.memref_squeeze %dma_start3A_260 : memref<1x1000000x64xf32, #tpu.memory_space<hbm>> -> memref<1000000x64xf32, #tpu.memory_space<hbm>>
          %dma_start3A_262 = arith.constant 0 : i32
          %dma_start3A_263 = tpu.memref_slice %dma_start3A_261[%squeeze3A_240, %dma_start3A_262] : memref<1000000x64xf32, #tpu.memory_space<hbm>> -> memref<1x64xf32, #tpu.memory_space<hbm>>
          tpu.enqueue_dma source(%dma_start3A_263 : memref<1x64xf32, #tpu.memory_space<hbm>>) target(%dma_start3A_257 : memref<1x64xf32, #tpu.memory_space<vmem>>) target_semaphore(%arg7 : memref<!tpu.dma_semaphore, #tpu.memory_space<semaphore_mem>>)
          %slice3A_264 = vector.extract_strided_slice %get3A_165 {offsets = [4], sizes = [1], strides = [1]} : vector<16xi32> to vector<1xi32>
          %squeeze3A_265 = vector.extract %slice3A_264[0] : i32 from vector<1xi32>
          %mul3A_266 = arith.constant 16 : i32
          %mul3A_267 = arith.muli %scan3A_160, %mul3A_266 : i32
          %add3A_268 = arith.constant 4 : i32
          %add3A_269 = arith.addi %mul3A_267, %add3A_268 : i32
          %dma_start3A_270 = arith.constant 0 : i32
          %dma_start3A_271 = arith.constant 0 : i32
          %dma_start3A_272 = tpu.memref_slice %arg6[%dma_start3A_270, %add3A_269, %dma_start3A_271] : memref<2x256x64xf32, #tpu.memory_space<vmem>> -> memref<1x1x64xf32, #tpu.memory_space<vmem>>
          %dma_start3A_273 = tpu.memref_squeeze %dma_start3A_272 : memref<1x1x64xf32, #tpu.memory_space<vmem>> -> memref<1x64xf32, #tpu.memory_space<vmem>>
          %dma_start3A_274 = arith.constant 0 : i32
          %dma_start3A_275 = arith.constant 0 : i32
          %dma_start3A_276 = tpu.memref_slice %arg3[%scan3A_10, %dma_start3A_274, %dma_start3A_275] : memref<1x1000000x64xf32, #tpu.memory_space<hbm>> -> memref<1x1000000x64xf32, #tpu.memory_space<hbm>>
          %dma_start3A_277 = tpu.memref_squeeze %dma_start3A_276 : memref<1x1000000x64xf32, #tpu.memory_space<hbm>> -> memref<1000000x64xf32, #tpu.memory_space<hbm>>
          %dma_start3A_278 = arith.constant 0 : i32
          %dma_start3A_279 = tpu.memref_slice %dma_start3A_277[%squeeze3A_265, %dma_start3A_278] : memref<1000000x64xf32, #tpu.memory_space<hbm>> -> memref<1x64xf32, #tpu.memory_space<hbm>>
          %dma_start3A_280 = arith.constant 0 : i32
          %dma_start3A_281 = tpu.memref_slice %arg6[%dma_start3A_270, %add3A_269, %dma_start3A_280] : memref<2x256x64xf32, #tpu.memory_space<vmem>> -> memref<1x1x64xf32, #tpu.memory_space<vmem>>
          %dma_start3A_282 = tpu.memref_squeeze %dma_start3A_281 : memref<1x1x64xf32, #tpu.memory_space<vmem>> -> memref<1x64xf32, #tpu.memory_space<vmem>>
          %dma_start3A_283 = arith.constant 0 : i32
          %dma_start3A_284 = arith.constant 0 : i32
          %dma_start3A_285 = tpu.memref_slice %arg3[%scan3A_10, %dma_start3A_283, %dma_start3A_284] : memref<1x1000000x64xf32, #tpu.memory_space<hbm>> -> memref<1x1000000x64xf32, #tpu.memory_space<hbm>>
          %dma_start3A_286 = tpu.memref_squeeze %dma_start3A_285 : memref<1x1000000x64xf32, #tpu.memory_space<hbm>> -> memref<1000000x64xf32, #tpu.memory_space<hbm>>
          %dma_start3A_287 = arith.constant 0 : i32
          %dma_start3A_288 = tpu.memref_slice %dma_start3A_286[%squeeze3A_265, %dma_start3A_287] : memref<1000000x64xf32, #tpu.memory_space<hbm>> -> memref<1x64xf32, #tpu.memory_space<hbm>>
          tpu.enqueue_dma source(%dma_start3A_288 : memref<1x64xf32, #tpu.memory_space<hbm>>) target(%dma_start3A_282 : memref<1x64xf32, #tpu.memory_space<vmem>>) target_semaphore(%arg7 : memref<!tpu.dma_semaphore, #tpu.memory_space<semaphore_mem>>)
          %slice3A_289 = vector.extract_strided_slice %get3A_165 {offsets = [5], sizes = [1], strides = [1]} : vector<16xi32> to vector<1xi32>
          %squeeze3A_290 = vector.extract %slice3A_289[0] : i32 from vector<1xi32>
          %mul3A_291 = arith.constant 16 : i32
          %mul3A_292 = arith.muli %scan3A_160, %mul3A_291 : i32
          %add3A_293 = arith.constant 5 : i32
          %add3A_294 = arith.addi %mul3A_292, %add3A_293 : i32
          %dma_start3A_295 = arith.constant 0 : i32
          %dma_start3A_296 = arith.constant 0 : i32
          %dma_start3A_297 = tpu.memref_slice %arg6[%dma_start3A_295, %add3A_294, %dma_start3A_296] : memref<2x256x64xf32, #tpu.memory_space<vmem>> -> memref<1x1x64xf32, #tpu.memory_space<vmem>>
          %dma_start3A_298 = tpu.memref_squeeze %dma_start3A_297 : memref<1x1x64xf32, #tpu.memory_space<vmem>> -> memref<1x64xf32, #tpu.memory_space<vmem>>
          %dma_start3A_299 = arith.constant 0 : i32
          %dma_start3A_300 = arith.constant 0 : i32
          %dma_start3A_301 = tpu.memref_slice %arg3[%scan3A_10, %dma_start3A_299, %dma_start3A_300] : memref<1x1000000x64xf32, #tpu.memory_space<hbm>> -> memref<1x1000000x64xf32, #tpu.memory_space<hbm>>
          %dma_start3A_302 = tpu.memref_squeeze %dma_start3A_301 : memref<1x1000000x64xf32, #tpu.memory_space<hbm>> -> memref<1000000x64xf32, #tpu.memory_space<hbm>>
          %dma_start3A_303 = arith.constant 0 : i32
          %dma_start3A_304 = tpu.memref_slice %dma_start3A_302[%squeeze3A_290, %dma_start3A_303] : memref<1000000x64xf32, #tpu.memory_space<hbm>> -> memref<1x64xf32, #tpu.memory_space<hbm>>
          %dma_start3A_305 = arith.constant 0 : i32
          %dma_start3A_306 = tpu.memref_slice %arg6[%dma_start3A_295, %add3A_294, %dma_start3A_305] : memref<2x256x64xf32, #tpu.memory_space<vmem>> -> memref<1x1x64xf32, #tpu.memory_space<vmem>>
          %dma_start3A_307 = tpu.memref_squeeze %dma_start3A_306 : memref<1x1x64xf32, #tpu.memory_space<vmem>> -> memref<1x64xf32, #tpu.memory_space<vmem>>
          %dma_start3A_308 = arith.constant 0 : i32
          %dma_start3A_309 = arith.constant 0 : i32
          %dma_start3A_310 = tpu.memref_slice %arg3[%scan3A_10, %dma_start3A_308, %dma_start3A_309] : memref<1x1000000x64xf32, #tpu.memory_space<hbm>> -> memref<1x1000000x64xf32, #tpu.memory_space<hbm>>
          %dma_start3A_311 = tpu.memref_squeeze %dma_start3A_310 : memref<1x1000000x64xf32, #tpu.memory_space<hbm>> -> memref<1000000x64xf32, #tpu.memory_space<hbm>>
          %dma_start3A_312 = arith.constant 0 : i32
          %dma_start3A_313 = tpu.memref_slice %dma_start3A_311[%squeeze3A_290, %dma_start3A_312] : memref<1000000x64xf32, #tpu.memory_space<hbm>> -> memref<1x64xf32, #tpu.memory_space<hbm>>
          tpu.enqueue_dma source(%dma_start3A_313 : memref<1x64xf32, #tpu.memory_space<hbm>>) target(%dma_start3A_307 : memref<1x64xf32, #tpu.memory_space<vmem>>) target_semaphore(%arg7 : memref<!tpu.dma_semaphore, #tpu.memory_space<semaphore_mem>>)
          %slice3A_314 = vector.extract_strided_slice %get3A_165 {offsets = [6], sizes = [1], strides = [1]} : vector<16xi32> to vector<1xi32>
          %squeeze3A_315 = vector.extract %slice3A_314[0] : i32 from vector<1xi32>
          %mul3A_316 = arith.constant 16 : i32
          %mul3A_317 = arith.muli %scan3A_160, %mul3A_316 : i32
          %add3A_318 = arith.constant 6 : i32
          %add3A_319 = arith.addi %mul3A_317, %add3A_318 : i32
          %dma_start3A_320 = arith.constant 0 : i32
          %dma_start3A_321 = arith.constant 0 : i32
          %dma_start3A_322 = tpu.memref_slice %arg6[%dma_start3A_320, %add3A_319, %dma_start3A_321] : memref<2x256x64xf32, #tpu.memory_space<vmem>> -> memref<1x1x64xf32, #tpu.memory_space<vmem>>
          %dma_start3A_323 = tpu.memref_squeeze %dma_start3A_322 : memref<1x1x64xf32, #tpu.memory_space<vmem>> -> memref<1x64xf32, #tpu.memory_space<vmem>>
          %dma_start3A_324 = arith.constant 0 : i32
          %dma_start3A_325 = arith.constant 0 : i32
          %dma_start3A_326 = tpu.memref_slice %arg3[%scan3A_10, %dma_start3A_324, %dma_start3A_325] : memref<1x1000000x64xf32, #tpu.memory_space<hbm>> -> memref<1x1000000x64xf32, #tpu.memory_space<hbm>>
          %dma_start3A_327 = tpu.memref_squeeze %dma_start3A_326 : memref<1x1000000x64xf32, #tpu.memory_space<hbm>> -> memref<1000000x64xf32, #tpu.memory_space<hbm>>
          %dma_start3A_328 = arith.constant 0 : i32
          %dma_start3A_329 = tpu.memref_slice %dma_start3A_327[%squeeze3A_315, %dma_start3A_328] : memref<1000000x64xf32, #tpu.memory_space<hbm>> -> memref<1x64xf32, #tpu.memory_space<hbm>>
          %dma_start3A_330 = arith.constant 0 : i32
          %dma_start3A_331 = tpu.memref_slice %arg6[%dma_start3A_320, %add3A_319, %dma_start3A_330] : memref<2x256x64xf32, #tpu.memory_space<vmem>> -> memref<1x1x64xf32, #tpu.memory_space<vmem>>
          %dma_start3A_332 = tpu.memref_squeeze %dma_start3A_331 : memref<1x1x64xf32, #tpu.memory_space<vmem>> -> memref<1x64xf32, #tpu.memory_space<vmem>>
          %dma_start3A_333 = arith.constant 0 : i32
          %dma_start3A_334 = arith.constant 0 : i32
          %dma_start3A_335 = tpu.memref_slice %arg3[%scan3A_10, %dma_start3A_333, %dma_start3A_334] : memref<1x1000000x64xf32, #tpu.memory_space<hbm>> -> memref<1x1000000x64xf32, #tpu.memory_space<hbm>>
          %dma_start3A_336 = tpu.memref_squeeze %dma_start3A_335 : memref<1x1000000x64xf32, #tpu.memory_space<hbm>> -> memref<1000000x64xf32, #tpu.memory_space<hbm>>
          %dma_start3A_337 = arith.constant 0 : i32
          %dma_start3A_338 = tpu.memref_slice %dma_start3A_336[%squeeze3A_315, %dma_start3A_337] : memref<1000000x64xf32, #tpu.memory_space<hbm>> -> memref<1x64xf32, #tpu.memory_space<hbm>>
          tpu.enqueue_dma source(%dma_start3A_338 : memref<1x64xf32, #tpu.memory_space<hbm>>) target(%dma_start3A_332 : memref<1x64xf32, #tpu.memory_space<vmem>>) target_semaphore(%arg7 : memref<!tpu.dma_semaphore, #tpu.memory_space<semaphore_mem>>)
          %slice3A_339 = vector.extract_strided_slice %get3A_165 {offsets = [7], sizes = [1], strides = [1]} : vector<16xi32> to vector<1xi32>
          %squeeze3A_340 = vector.extract %slice3A_339[0] : i32 from vector<1xi32>
          %mul3A_341 = arith.constant 16 : i32
          %mul3A_342 = arith.muli %scan3A_160, %mul3A_341 : i32
          %add3A_343 = arith.constant 7 : i32
          %add3A_344 = arith.addi %mul3A_342, %add3A_343 : i32
          %dma_start3A_345 = arith.constant 0 : i32
          %dma_start3A_346 = arith.constant 0 : i32
          %dma_start3A_347 = tpu.memref_slice %arg6[%dma_start3A_345, %add3A_344, %dma_start3A_346] : memref<2x256x64xf32, #tpu.memory_space<vmem>> -> memref<1x1x64xf32, #tpu.memory_space<vmem>>
          %dma_start3A_348 = tpu.memref_squeeze %dma_start3A_347 : memref<1x1x64xf32, #tpu.memory_space<vmem>> -> memref<1x64xf32, #tpu.memory_space<vmem>>
          %dma_start3A_349 = arith.constant 0 : i32
          %dma_start3A_350 = arith.constant 0 : i32
          %dma_start3A_351 = tpu.memref_slice %arg3[%scan3A_10, %dma_start3A_349, %dma_start3A_350] : memref<1x1000000x64xf32, #tpu.memory_space<hbm>> -> memref<1x1000000x64xf32, #tpu.memory_space<hbm>>
          %dma_start3A_352 = tpu.memref_squeeze %dma_start3A_351 : memref<1x1000000x64xf32, #tpu.memory_space<hbm>> -> memref<1000000x64xf32, #tpu.memory_space<hbm>>
          %dma_start3A_353 = arith.constant 0 : i32
          %dma_start3A_354 = tpu.memref_slice %dma_start3A_352[%squeeze3A_340, %dma_start3A_353] : memref<1000000x64xf32, #tpu.memory_space<hbm>> -> memref<1x64xf32, #tpu.memory_space<hbm>>
          %dma_start3A_355 = arith.constant 0 : i32
          %dma_start3A_356 = tpu.memref_slice %arg6[%dma_start3A_345, %add3A_344, %dma_start3A_355] : memref<2x256x64xf32, #tpu.memory_space<vmem>> -> memref<1x1x64xf32, #tpu.memory_space<vmem>>
          %dma_start3A_357 = tpu.memref_squeeze %dma_start3A_356 : memref<1x1x64xf32, #tpu.memory_space<vmem>> -> memref<1x64xf32, #tpu.memory_space<vmem>>
          %dma_start3A_358 = arith.constant 0 : i32
          %dma_start3A_359 = arith.constant 0 : i32
          %dma_start3A_360 = tpu.memref_slice %arg3[%scan3A_10, %dma_start3A_358, %dma_start3A_359] : memref<1x1000000x64xf32, #tpu.memory_space<hbm>> -> memref<1x1000000x64xf32, #tpu.memory_space<hbm>>
          %dma_start3A_361 = tpu.memref_squeeze %dma_start3A_360 : memref<1x1000000x64xf32, #tpu.memory_space<hbm>> -> memref<1000000x64xf32, #tpu.memory_space<hbm>>
          %dma_start3A_362 = arith.constant 0 : i32
          %dma_start3A_363 = tpu.memref_slice %dma_start3A_361[%squeeze3A_340, %dma_start3A_362] : memref<1000000x64xf32, #tpu.memory_space<hbm>> -> memref<1x64xf32, #tpu.memory_space<hbm>>
          tpu.enqueue_dma source(%dma_start3A_363 : memref<1x64xf32, #tpu.memory_space<hbm>>) target(%dma_start3A_357 : memref<1x64xf32, #tpu.memory_space<vmem>>) target_semaphore(%arg7 : memref<!tpu.dma_semaphore, #tpu.memory_space<semaphore_mem>>)
          %slice3A_364 = vector.extract_strided_slice %get3A_165 {offsets = [8], sizes = [1], strides = [1]} : vector<16xi32> to vector<1xi32>
          %squeeze3A_365 = vector.extract %slice3A_364[0] : i32 from vector<1xi32>
          %mul3A_366 = arith.constant 16 : i32
          %mul3A_367 = arith.muli %scan3A_160, %mul3A_366 : i32
          %add3A_368 = arith.constant 8 : i32
          %add3A_369 = arith.addi %mul3A_367, %add3A_368 : i32
          %dma_start3A_370 = arith.constant 0 : i32
          %dma_start3A_371 = arith.constant 0 : i32
          %dma_start3A_372 = tpu.memref_slice %arg6[%dma_start3A_370, %add3A_369, %dma_start3A_371] : memref<2x256x64xf32, #tpu.memory_space<vmem>> -> memref<1x1x64xf32, #tpu.memory_space<vmem>>
          %dma_start3A_373 = tpu.memref_squeeze %dma_start3A_372 : memref<1x1x64xf32, #tpu.memory_space<vmem>> -> memref<1x64xf32, #tpu.memory_space<vmem>>
          %dma_start3A_374 = arith.constant 0 : i32
          %dma_start3A_375 = arith.constant 0 : i32
          %dma_start3A_376 = tpu.memref_slice %arg3[%scan3A_10, %dma_start3A_374, %dma_start3A_375] : memref<1x1000000x64xf32, #tpu.memory_space<hbm>> -> memref<1x1000000x64xf32, #tpu.memory_space<hbm>>
          %dma_start3A_377 = tpu.memref_squeeze %dma_start3A_376 : memref<1x1000000x64xf32, #tpu.memory_space<hbm>> -> memref<1000000x64xf32, #tpu.memory_space<hbm>>
          %dma_start3A_378 = arith.constant 0 : i32
          %dma_start3A_379 = tpu.memref_slice %dma_start3A_377[%squeeze3A_365, %dma_start3A_378] : memref<1000000x64xf32, #tpu.memory_space<hbm>> -> memref<1x64xf32, #tpu.memory_space<hbm>>
          %dma_start3A_380 = arith.constant 0 : i32
          %dma_start3A_381 = tpu.memref_slice %arg6[%dma_start3A_370, %add3A_369, %dma_start3A_380] : memref<2x256x64xf32, #tpu.memory_space<vmem>> -> memref<1x1x64xf32, #tpu.memory_space<vmem>>
          %dma_start3A_382 = tpu.memref_squeeze %dma_start3A_381 : memref<1x1x64xf32, #tpu.memory_space<vmem>> -> memref<1x64xf32, #tpu.memory_space<vmem>>
          %dma_start3A_383 = arith.constant 0 : i32
          %dma_start3A_384 = arith.constant 0 : i32
          %dma_start3A_385 = tpu.memref_slice %arg3[%scan3A_10, %dma_start3A_383, %dma_start3A_384] : memref<1x1000000x64xf32, #tpu.memory_space<hbm>> -> memref<1x1000000x64xf32, #tpu.memory_space<hbm>>
          %dma_start3A_386 = tpu.memref_squeeze %dma_start3A_385 : memref<1x1000000x64xf32, #tpu.memory_space<hbm>> -> memref<1000000x64xf32, #tpu.memory_space<hbm>>
          %dma_start3A_387 = arith.constant 0 : i32
          %dma_start3A_388 = tpu.memref_slice %dma_start3A_386[%squeeze3A_365, %dma_start3A_387] : memref<1000000x64xf32, #tpu.memory_space<hbm>> -> memref<1x64xf32, #tpu.memory_space<hbm>>
          tpu.enqueue_dma source(%dma_start3A_388 : memref<1x64xf32, #tpu.memory_space<hbm>>) target(%dma_start3A_382 : memref<1x64xf32, #tpu.memory_space<vmem>>) target_semaphore(%arg7 : memref<!tpu.dma_semaphore, #tpu.memory_space<semaphore_mem>>)
          %slice3A_389 = vector.extract_strided_slice %get3A_165 {offsets = [9], sizes = [1], strides = [1]} : vector<16xi32> to vector<1xi32>
          %squeeze3A_390 = vector.extract %slice3A_389[0] : i32 from vector<1xi32>
          %mul3A_391 = arith.constant 16 : i32
          %mul3A_392 = arith.muli %scan3A_160, %mul3A_391 : i32
          %add3A_393 = arith.constant 9 : i32
          %add3A_394 = arith.addi %mul3A_392, %add3A_393 : i32
          %dma_start3A_395 = arith.constant 0 : i32
          %dma_start3A_396 = arith.constant 0 : i32
          %dma_start3A_397 = tpu.memref_slice %arg6[%dma_start3A_395, %add3A_394, %dma_start3A_396] : memref<2x256x64xf32, #tpu.memory_space<vmem>> -> memref<1x1x64xf32, #tpu.memory_space<vmem>>
          %dma_start3A_398 = tpu.memref_squeeze %dma_start3A_397 : memref<1x1x64xf32, #tpu.memory_space<vmem>> -> memref<1x64xf32, #tpu.memory_space<vmem>>
          %dma_start3A_399 = arith.constant 0 : i32
          %dma_start3A_400 = arith.constant 0 : i32
          %dma_start3A_401 = tpu.memref_slice %arg3[%scan3A_10, %dma_start3A_399, %dma_start3A_400] : memref<1x1000000x64xf32, #tpu.memory_space<hbm>> -> memref<1x1000000x64xf32, #tpu.memory_space<hbm>>
          %dma_start3A_402 = tpu.memref_squeeze %dma_start3A_401 : memref<1x1000000x64xf32, #tpu.memory_space<hbm>> -> memref<1000000x64xf32, #tpu.memory_space<hbm>>
          %dma_start3A_403 = arith.constant 0 : i32
          %dma_start3A_404 = tpu.memref_slice %dma_start3A_402[%squeeze3A_390, %dma_start3A_403] : memref<1000000x64xf32, #tpu.memory_space<hbm>> -> memref<1x64xf32, #tpu.memory_space<hbm>>
          %dma_start3A_405 = arith.constant 0 : i32
          %dma_start3A_406 = tpu.memref_slice %arg6[%dma_start3A_395, %add3A_394, %dma_start3A_405] : memref<2x256x64xf32, #tpu.memory_space<vmem>> -> memref<1x1x64xf32, #tpu.memory_space<vmem>>
          %dma_start3A_407 = tpu.memref_squeeze %dma_start3A_406 : memref<1x1x64xf32, #tpu.memory_space<vmem>> -> memref<1x64xf32, #tpu.memory_space<vmem>>
          %dma_start3A_408 = arith.constant 0 : i32
          %dma_start3A_409 = arith.constant 0 : i32
          %dma_start3A_410 = tpu.memref_slice %arg3[%scan3A_10, %dma_start3A_408, %dma_start3A_409] : memref<1x1000000x64xf32, #tpu.memory_space<hbm>> -> memref<1x1000000x64xf32, #tpu.memory_space<hbm>>
          %dma_start3A_411 = tpu.memref_squeeze %dma_start3A_410 : memref<1x1000000x64xf32, #tpu.memory_space<hbm>> -> memref<1000000x64xf32, #tpu.memory_space<hbm>>
          %dma_start3A_412 = arith.constant 0 : i32
          %dma_start3A_413 = tpu.memref_slice %dma_start3A_411[%squeeze3A_390, %dma_start3A_412] : memref<1000000x64xf32, #tpu.memory_space<hbm>> -> memref<1x64xf32, #tpu.memory_space<hbm>>
          tpu.enqueue_dma source(%dma_start3A_413 : memref<1x64xf32, #tpu.memory_space<hbm>>) target(%dma_start3A_407 : memref<1x64xf32, #tpu.memory_space<vmem>>) target_semaphore(%arg7 : memref<!tpu.dma_semaphore, #tpu.memory_space<semaphore_mem>>)
          %slice3A_414 = vector.extract_strided_slice %get3A_165 {offsets = [10], sizes = [1], strides = [1]} : vector<16xi32> to vector<1xi32>
          %squeeze3A_415 = vector.extract %slice3A_414[0] : i32 from vector<1xi32>
          %mul3A_416 = arith.constant 16 : i32
          %mul3A_417 = arith.muli %scan3A_160, %mul3A_416 : i32
          %add3A_418 = arith.constant 10 : i32
          %add3A_419 = arith.addi %mul3A_417, %add3A_418 : i32
          %dma_start3A_420 = arith.constant 0 : i32
          %dma_start3A_421 = arith.constant 0 : i32
          %dma_start3A_422 = tpu.memref_slice %arg6[%dma_start3A_420, %add3A_419, %dma_start3A_421] : memref<2x256x64xf32, #tpu.memory_space<vmem>> -> memref<1x1x64xf32, #tpu.memory_space<vmem>>
          %dma_start3A_423 = tpu.memref_squeeze %dma_start3A_422 : memref<1x1x64xf32, #tpu.memory_space<vmem>> -> memref<1x64xf32, #tpu.memory_space<vmem>>
          %dma_start3A_424 = arith.constant 0 : i32
          %dma_start3A_425 = arith.constant 0 : i32
          %dma_start3A_426 = tpu.memref_slice %arg3[%scan3A_10, %dma_start3A_424, %dma_start3A_425] : memref<1x1000000x64xf32, #tpu.memory_space<hbm>> -> memref<1x1000000x64xf32, #tpu.memory_space<hbm>>
          %dma_start3A_427 = tpu.memref_squeeze %dma_start3A_426 : memref<1x1000000x64xf32, #tpu.memory_space<hbm>> -> memref<1000000x64xf32, #tpu.memory_space<hbm>>
          %dma_start3A_428 = arith.constant 0 : i32
          %dma_start3A_429 = tpu.memref_slice %dma_start3A_427[%squeeze3A_415, %dma_start3A_428] : memref<1000000x64xf32, #tpu.memory_space<hbm>> -> memref<1x64xf32, #tpu.memory_space<hbm>>
          %dma_start3A_430 = arith.constant 0 : i32
          %dma_start3A_431 = tpu.memref_slice %arg6[%dma_start3A_420, %add3A_419, %dma_start3A_430] : memref<2x256x64xf32, #tpu.memory_space<vmem>> -> memref<1x1x64xf32, #tpu.memory_space<vmem>>
          %dma_start3A_432 = tpu.memref_squeeze %dma_start3A_431 : memref<1x1x64xf32, #tpu.memory_space<vmem>> -> memref<1x64xf32, #tpu.memory_space<vmem>>
          %dma_start3A_433 = arith.constant 0 : i32
          %dma_start3A_434 = arith.constant 0 : i32
          %dma_start3A_435 = tpu.memref_slice %arg3[%scan3A_10, %dma_start3A_433, %dma_start3A_434] : memref<1x1000000x64xf32, #tpu.memory_space<hbm>> -> memref<1x1000000x64xf32, #tpu.memory_space<hbm>>
          %dma_start3A_436 = tpu.memref_squeeze %dma_start3A_435 : memref<1x1000000x64xf32, #tpu.memory_space<hbm>> -> memref<1000000x64xf32, #tpu.memory_space<hbm>>
          %dma_start3A_437 = arith.constant 0 : i32
          %dma_start3A_438 = tpu.memref_slice %dma_start3A_436[%squeeze3A_415, %dma_start3A_437] : memref<1000000x64xf32, #tpu.memory_space<hbm>> -> memref<1x64xf32, #tpu.memory_space<hbm>>
          tpu.enqueue_dma source(%dma_start3A_438 : memref<1x64xf32, #tpu.memory_space<hbm>>) target(%dma_start3A_432 : memref<1x64xf32, #tpu.memory_space<vmem>>) target_semaphore(%arg7 : memref<!tpu.dma_semaphore, #tpu.memory_space<semaphore_mem>>)
          %slice3A_439 = vector.extract_strided_slice %get3A_165 {offsets = [11], sizes = [1], strides = [1]} : vector<16xi32> to vector<1xi32>
          %squeeze3A_440 = vector.extract %slice3A_439[0] : i32 from vector<1xi32>
          %mul3A_441 = arith.constant 16 : i32
          %mul3A_442 = arith.muli %scan3A_160, %mul3A_441 : i32
          %add3A_443 = arith.constant 11 : i32
          %add3A_444 = arith.addi %mul3A_442, %add3A_443 : i32
          %dma_start3A_445 = arith.constant 0 : i32
          %dma_start3A_446 = arith.constant 0 : i32
          %dma_start3A_447 = tpu.memref_slice %arg6[%dma_start3A_445, %add3A_444, %dma_start3A_446] : memref<2x256x64xf32, #tpu.memory_space<vmem>> -> memref<1x1x64xf32, #tpu.memory_space<vmem>>
          %dma_start3A_448 = tpu.memref_squeeze %dma_start3A_447 : memref<1x1x64xf32, #tpu.memory_space<vmem>> -> memref<1x64xf32, #tpu.memory_space<vmem>>
          %dma_start3A_449 = arith.constant 0 : i32
          %dma_start3A_450 = arith.constant 0 : i32
          %dma_start3A_451 = tpu.memref_slice %arg3[%scan3A_10, %dma_start3A_449, %dma_start3A_450] : memref<1x1000000x64xf32, #tpu.memory_space<hbm>> -> memref<1x1000000x64xf32, #tpu.memory_space<hbm>>
          %dma_start3A_452 = tpu.memref_squeeze %dma_start3A_451 : memref<1x1000000x64xf32, #tpu.memory_space<hbm>> -> memref<1000000x64xf32, #tpu.memory_space<hbm>>
          %dma_start3A_453 = arith.constant 0 : i32
          %dma_start3A_454 = tpu.memref_slice %dma_start3A_452[%squeeze3A_440, %dma_start3A_453] : memref<1000000x64xf32, #tpu.memory_space<hbm>> -> memref<1x64xf32, #tpu.memory_space<hbm>>
          %dma_start3A_455 = arith.constant 0 : i32
          %dma_start3A_456 = tpu.memref_slice %arg6[%dma_start3A_445, %add3A_444, %dma_start3A_455] : memref<2x256x64xf32, #tpu.memory_space<vmem>> -> memref<1x1x64xf32, #tpu.memory_space<vmem>>
          %dma_start3A_457 = tpu.memref_squeeze %dma_start3A_456 : memref<1x1x64xf32, #tpu.memory_space<vmem>> -> memref<1x64xf32, #tpu.memory_space<vmem>>
          %dma_start3A_458 = arith.constant 0 : i32
          %dma_start3A_459 = arith.constant 0 : i32
          %dma_start3A_460 = tpu.memref_slice %arg3[%scan3A_10, %dma_start3A_458, %dma_start3A_459] : memref<1x1000000x64xf32, #tpu.memory_space<hbm>> -> memref<1x1000000x64xf32, #tpu.memory_space<hbm>>
          %dma_start3A_461 = tpu.memref_squeeze %dma_start3A_460 : memref<1x1000000x64xf32, #tpu.memory_space<hbm>> -> memref<1000000x64xf32, #tpu.memory_space<hbm>>
          %dma_start3A_462 = arith.constant 0 : i32
          %dma_start3A_463 = tpu.memref_slice %dma_start3A_461[%squeeze3A_440, %dma_start3A_462] : memref<1000000x64xf32, #tpu.memory_space<hbm>> -> memref<1x64xf32, #tpu.memory_space<hbm>>
          tpu.enqueue_dma source(%dma_start3A_463 : memref<1x64xf32, #tpu.memory_space<hbm>>) target(%dma_start3A_457 : memref<1x64xf32, #tpu.memory_space<vmem>>) target_semaphore(%arg7 : memref<!tpu.dma_semaphore, #tpu.memory_space<semaphore_mem>>)
          %slice3A_464 = vector.extract_strided_slice %get3A_165 {offsets = [12], sizes = [1], strides = [1]} : vector<16xi32> to vector<1xi32>
          %squeeze3A_465 = vector.extract %slice3A_464[0] : i32 from vector<1xi32>
          %mul3A_466 = arith.constant 16 : i32
          %mul3A_467 = arith.muli %scan3A_160, %mul3A_466 : i32
          %add3A_468 = arith.constant 12 : i32
          %add3A_469 = arith.addi %mul3A_467, %add3A_468 : i32
          %dma_start3A_470 = arith.constant 0 : i32
          %dma_start3A_471 = arith.constant 0 : i32
          %dma_start3A_472 = tpu.memref_slice %arg6[%dma_start3A_470, %add3A_469, %dma_start3A_471] : memref<2x256x64xf32, #tpu.memory_space<vmem>> -> memref<1x1x64xf32, #tpu.memory_space<vmem>>
          %dma_start3A_473 = tpu.memref_squeeze %dma_start3A_472 : memref<1x1x64xf32, #tpu.memory_space<vmem>> -> memref<1x64xf32, #tpu.memory_space<vmem>>
          %dma_start3A_474 = arith.constant 0 : i32
          %dma_start3A_475 = arith.constant 0 : i32
          %dma_start3A_476 = tpu.memref_slice %arg3[%scan3A_10, %dma_start3A_474, %dma_start3A_475] : memref<1x1000000x64xf32, #tpu.memory_space<hbm>> -> memref<1x1000000x64xf32, #tpu.memory_space<hbm>>
          %dma_start3A_477 = tpu.memref_squeeze %dma_start3A_476 : memref<1x1000000x64xf32, #tpu.memory_space<hbm>> -> memref<1000000x64xf32, #tpu.memory_space<hbm>>
          %dma_start3A_478 = arith.constant 0 : i32
          %dma_start3A_479 = tpu.memref_slice %dma_start3A_477[%squeeze3A_465, %dma_start3A_478] : memref<1000000x64xf32, #tpu.memory_space<hbm>> -> memref<1x64xf32, #tpu.memory_space<hbm>>
          %dma_start3A_480 = arith.constant 0 : i32
          %dma_start3A_481 = tpu.memref_slice %arg6[%dma_start3A_470, %add3A_469, %dma_start3A_480] : memref<2x256x64xf32, #tpu.memory_space<vmem>> -> memref<1x1x64xf32, #tpu.memory_space<vmem>>
          %dma_start3A_482 = tpu.memref_squeeze %dma_start3A_481 : memref<1x1x64xf32, #tpu.memory_space<vmem>> -> memref<1x64xf32, #tpu.memory_space<vmem>>
          %dma_start3A_483 = arith.constant 0 : i32
          %dma_start3A_484 = arith.constant 0 : i32
          %dma_start3A_485 = tpu.memref_slice %arg3[%scan3A_10, %dma_start3A_483, %dma_start3A_484] : memref<1x1000000x64xf32, #tpu.memory_space<hbm>> -> memref<1x1000000x64xf32, #tpu.memory_space<hbm>>
          %dma_start3A_486 = tpu.memref_squeeze %dma_start3A_485 : memref<1x1000000x64xf32, #tpu.memory_space<hbm>> -> memref<1000000x64xf32, #tpu.memory_space<hbm>>
          %dma_start3A_487 = arith.constant 0 : i32
          %dma_start3A_488 = tpu.memref_slice %dma_start3A_486[%squeeze3A_465, %dma_start3A_487] : memref<1000000x64xf32, #tpu.memory_space<hbm>> -> memref<1x64xf32, #tpu.memory_space<hbm>>
          tpu.enqueue_dma source(%dma_start3A_488 : memref<1x64xf32, #tpu.memory_space<hbm>>) target(%dma_start3A_482 : memref<1x64xf32, #tpu.memory_space<vmem>>) target_semaphore(%arg7 : memref<!tpu.dma_semaphore, #tpu.memory_space<semaphore_mem>>)
          %slice3A_489 = vector.extract_strided_slice %get3A_165 {offsets = [13], sizes = [1], strides = [1]} : vector<16xi32> to vector<1xi32>
          %squeeze3A_490 = vector.extract %slice3A_489[0] : i32 from vector<1xi32>
          %mul3A_491 = arith.constant 16 : i32
          %mul3A_492 = arith.muli %scan3A_160, %mul3A_491 : i32
          %add3A_493 = arith.constant 13 : i32
          %add3A_494 = arith.addi %mul3A_492, %add3A_493 : i32
          %dma_start3A_495 = arith.constant 0 : i32
          %dma_start3A_496 = arith.constant 0 : i32
          %dma_start3A_497 = tpu.memref_slice %arg6[%dma_start3A_495, %add3A_494, %dma_start3A_496] : memref<2x256x64xf32, #tpu.memory_space<vmem>> -> memref<1x1x64xf32, #tpu.memory_space<vmem>>
          %dma_start3A_498 = tpu.memref_squeeze %dma_start3A_497 : memref<1x1x64xf32, #tpu.memory_space<vmem>> -> memref<1x64xf32, #tpu.memory_space<vmem>>
          %dma_start3A_499 = arith.constant 0 : i32
          %dma_start3A_500 = arith.constant 0 : i32
          %dma_start3A_501 = tpu.memref_slice %arg3[%scan3A_10, %dma_start3A_499, %dma_start3A_500] : memref<1x1000000x64xf32, #tpu.memory_space<hbm>> -> memref<1x1000000x64xf32, #tpu.memory_space<hbm>>
          %dma_start3A_502 = tpu.memref_squeeze %dma_start3A_501 : memref<1x1000000x64xf32, #tpu.memory_space<hbm>> -> memref<1000000x64xf32, #tpu.memory_space<hbm>>
          %dma_start3A_503 = arith.constant 0 : i32
          %dma_start3A_504 = tpu.memref_slice %dma_start3A_502[%squeeze3A_490, %dma_start3A_503] : memref<1000000x64xf32, #tpu.memory_space<hbm>> -> memref<1x64xf32, #tpu.memory_space<hbm>>
          %dma_start3A_505 = arith.constant 0 : i32
          %dma_start3A_506 = tpu.memref_slice %arg6[%dma_start3A_495, %add3A_494, %dma_start3A_505] : memref<2x256x64xf32, #tpu.memory_space<vmem>> -> memref<1x1x64xf32, #tpu.memory_space<vmem>>
          %dma_start3A_507 = tpu.memref_squeeze %dma_start3A_506 : memref<1x1x64xf32, #tpu.memory_space<vmem>> -> memref<1x64xf32, #tpu.memory_space<vmem>>
          %dma_start3A_508 = arith.constant 0 : i32
          %dma_start3A_509 = arith.constant 0 : i32
          %dma_start3A_510 = tpu.memref_slice %arg3[%scan3A_10, %dma_start3A_508, %dma_start3A_509] : memref<1x1000000x64xf32, #tpu.memory_space<hbm>> -> memref<1x1000000x64xf32, #tpu.memory_space<hbm>>
          %dma_start3A_511 = tpu.memref_squeeze %dma_start3A_510 : memref<1x1000000x64xf32, #tpu.memory_space<hbm>> -> memref<1000000x64xf32, #tpu.memory_space<hbm>>
          %dma_start3A_512 = arith.constant 0 : i32
          %dma_start3A_513 = tpu.memref_slice %dma_start3A_511[%squeeze3A_490, %dma_start3A_512] : memref<1000000x64xf32, #tpu.memory_space<hbm>> -> memref<1x64xf32, #tpu.memory_space<hbm>>
          tpu.enqueue_dma source(%dma_start3A_513 : memref<1x64xf32, #tpu.memory_space<hbm>>) target(%dma_start3A_507 : memref<1x64xf32, #tpu.memory_space<vmem>>) target_semaphore(%arg7 : memref<!tpu.dma_semaphore, #tpu.memory_space<semaphore_mem>>)
          %slice3A_514 = vector.extract_strided_slice %get3A_165 {offsets = [14], sizes = [1], strides = [1]} : vector<16xi32> to vector<1xi32>
          %squeeze3A_515 = vector.extract %slice3A_514[0] : i32 from vector<1xi32>
          %mul3A_516 = arith.constant 16 : i32
          %mul3A_517 = arith.muli %scan3A_160, %mul3A_516 : i32
          %add3A_518 = arith.constant 14 : i32
          %add3A_519 = arith.addi %mul3A_517, %add3A_518 : i32
          %dma_start3A_520 = arith.constant 0 : i32
          %dma_start3A_521 = arith.constant 0 : i32
          %dma_start3A_522 = tpu.memref_slice %arg6[%dma_start3A_520, %add3A_519, %dma_start3A_521] : memref<2x256x64xf32, #tpu.memory_space<vmem>> -> memref<1x1x64xf32, #tpu.memory_space<vmem>>
          %dma_start3A_523 = tpu.memref_squeeze %dma_start3A_522 : memref<1x1x64xf32, #tpu.memory_space<vmem>> -> memref<1x64xf32, #tpu.memory_space<vmem>>
          %dma_start3A_524 = arith.constant 0 : i32
          %dma_start3A_525 = arith.constant 0 : i32
          %dma_start3A_526 = tpu.memref_slice %arg3[%scan3A_10, %dma_start3A_524, %dma_start3A_525] : memref<1x1000000x64xf32, #tpu.memory_space<hbm>> -> memref<1x1000000x64xf32, #tpu.memory_space<hbm>>
          %dma_start3A_527 = tpu.memref_squeeze %dma_start3A_526 : memref<1x1000000x64xf32, #tpu.memory_space<hbm>> -> memref<1000000x64xf32, #tpu.memory_space<hbm>>
          %dma_start3A_528 = arith.constant 0 : i32
          %dma_start3A_529 = tpu.memref_slice %dma_start3A_527[%squeeze3A_515, %dma_start3A_528] : memref<1000000x64xf32, #tpu.memory_space<hbm>> -> memref<1x64xf32, #tpu.memory_space<hbm>>
          %dma_start3A_530 = arith.constant 0 : i32
          %dma_start3A_531 = tpu.memref_slice %arg6[%dma_start3A_520, %add3A_519, %dma_start3A_530] : memref<2x256x64xf32, #tpu.memory_space<vmem>> -> memref<1x1x64xf32, #tpu.memory_space<vmem>>
          %dma_start3A_532 = tpu.memref_squeeze %dma_start3A_531 : memref<1x1x64xf32, #tpu.memory_space<vmem>> -> memref<1x64xf32, #tpu.memory_space<vmem>>
          %dma_start3A_533 = arith.constant 0 : i32
          %dma_start3A_534 = arith.constant 0 : i32
          %dma_start3A_535 = tpu.memref_slice %arg3[%scan3A_10, %dma_start3A_533, %dma_start3A_534] : memref<1x1000000x64xf32, #tpu.memory_space<hbm>> -> memref<1x1000000x64xf32, #tpu.memory_space<hbm>>
          %dma_start3A_536 = tpu.memref_squeeze %dma_start3A_535 : memref<1x1000000x64xf32, #tpu.memory_space<hbm>> -> memref<1000000x64xf32, #tpu.memory_space<hbm>>
          %dma_start3A_537 = arith.constant 0 : i32
          %dma_start3A_538 = tpu.memref_slice %dma_start3A_536[%squeeze3A_515, %dma_start3A_537] : memref<1000000x64xf32, #tpu.memory_space<hbm>> -> memref<1x64xf32, #tpu.memory_space<hbm>>
          tpu.enqueue_dma source(%dma_start3A_538 : memref<1x64xf32, #tpu.memory_space<hbm>>) target(%dma_start3A_532 : memref<1x64xf32, #tpu.memory_space<vmem>>) target_semaphore(%arg7 : memref<!tpu.dma_semaphore, #tpu.memory_space<semaphore_mem>>)
          %slice3A_539 = vector.extract_strided_slice %get3A_165 {offsets = [15], sizes = [1], strides = [1]} : vector<16xi32> to vector<1xi32>
          %squeeze3A_540 = vector.extract %slice3A_539[0] : i32 from vector<1xi32>
          %mul3A_541 = arith.constant 16 : i32
          %mul3A_542 = arith.muli %scan3A_160, %mul3A_541 : i32
          %add3A_543 = arith.constant 15 : i32
          %add3A_544 = arith.addi %mul3A_542, %add3A_543 : i32
          %dma_start3A_545 = arith.constant 0 : i32
          %dma_start3A_546 = arith.constant 0 : i32
          %dma_start3A_547 = tpu.memref_slice %arg6[%dma_start3A_545, %add3A_544, %dma_start3A_546] : memref<2x256x64xf32, #tpu.memory_space<vmem>> -> memref<1x1x64xf32, #tpu.memory_space<vmem>>
          %dma_start3A_548 = tpu.memref_squeeze %dma_start3A_547 : memref<1x1x64xf32, #tpu.memory_space<vmem>> -> memref<1x64xf32, #tpu.memory_space<vmem>>
          %dma_start3A_549 = arith.constant 0 : i32
          %dma_start3A_550 = arith.constant 0 : i32
          %dma_start3A_551 = tpu.memref_slice %arg3[%scan3A_10, %dma_start3A_549, %dma_start3A_550] : memref<1x1000000x64xf32, #tpu.memory_space<hbm>> -> memref<1x1000000x64xf32, #tpu.memory_space<hbm>>
          %dma_start3A_552 = tpu.memref_squeeze %dma_start3A_551 : memref<1x1000000x64xf32, #tpu.memory_space<hbm>> -> memref<1000000x64xf32, #tpu.memory_space<hbm>>
          %dma_start3A_553 = arith.constant 0 : i32
          %dma_start3A_554 = tpu.memref_slice %dma_start3A_552[%squeeze3A_540, %dma_start3A_553] : memref<1000000x64xf32, #tpu.memory_space<hbm>> -> memref<1x64xf32, #tpu.memory_space<hbm>>
          %dma_start3A_555 = arith.constant 0 : i32
          %dma_start3A_556 = tpu.memref_slice %arg6[%dma_start3A_545, %add3A_544, %dma_start3A_555] : memref<2x256x64xf32, #tpu.memory_space<vmem>> -> memref<1x1x64xf32, #tpu.memory_space<vmem>>
          %dma_start3A_557 = tpu.memref_squeeze %dma_start3A_556 : memref<1x1x64xf32, #tpu.memory_space<vmem>> -> memref<1x64xf32, #tpu.memory_space<vmem>>
          %dma_start3A_558 = arith.constant 0 : i32
          %dma_start3A_559 = arith.constant 0 : i32
          %dma_start3A_560 = tpu.memref_slice %arg3[%scan3A_10, %dma_start3A_558, %dma_start3A_559] : memref<1x1000000x64xf32, #tpu.memory_space<hbm>> -> memref<1x1000000x64xf32, #tpu.memory_space<hbm>>
          %dma_start3A_561 = tpu.memref_squeeze %dma_start3A_560 : memref<1x1000000x64xf32, #tpu.memory_space<hbm>> -> memref<1000000x64xf32, #tpu.memory_space<hbm>>
          %dma_start3A_562 = arith.constant 0 : i32
          %dma_start3A_563 = tpu.memref_slice %dma_start3A_561[%squeeze3A_540, %dma_start3A_562] : memref<1000000x64xf32, #tpu.memory_space<hbm>> -> memref<1x64xf32, #tpu.memory_space<hbm>>
          tpu.enqueue_dma source(%dma_start3A_563 : memref<1x64xf32, #tpu.memory_space<hbm>>) target(%dma_start3A_557 : memref<1x64xf32, #tpu.memory_space<vmem>>) target_semaphore(%arg7 : memref<!tpu.dma_semaphore, #tpu.memory_space<semaphore_mem>>)
        }
        %scan3A_159 = arith.constant 16 : i32
      } else {
      }
      %dma_wait3A_98 = arith.constant 1 : i32
      %dma_wait3A_99 = arith.constant 0 : i32
      %dma_wait3A_100 = arith.constant 0 : i32
      %dma_wait3A_101 = tpu.memref_slice %arg6[%dma_wait3A_98, %dma_wait3A_99, %dma_wait3A_100] : memref<2x256x64xf32, #tpu.memory_space<vmem>> -> memref<1x256x64xf32, #tpu.memory_space<vmem>>
      %dma_wait3A_102 = tpu.memref_squeeze %dma_wait3A_101 : memref<1x256x64xf32, #tpu.memory_space<vmem>> -> memref<256x64xf32, #tpu.memory_space<vmem>>
      %dma_wait3A_103 = arith.constant 0 : i32
      %dma_wait3A_104 = arith.constant 0 : i32
      %dma_wait3A_105 = tpu.memref_slice %arg3[%scan3A_10, %dma_wait3A_103, %dma_wait3A_104] : memref<1x1000000x64xf32, #tpu.memory_space<hbm>> -> memref<1x1000000x64xf32, #tpu.memory_space<hbm>>
      %dma_wait3A_106 = tpu.memref_squeeze %dma_wait3A_105 : memref<1x1000000x64xf32, #tpu.memory_space<hbm>> -> memref<1000000x64xf32, #tpu.memory_space<hbm>>
      %dma_wait3A_107 = arith.constant 0 : i32
      %dma_wait3A_108 = arith.constant 0 : i32
      %dma_wait3A_109 = tpu.memref_slice %dma_wait3A_106[%dma_wait3A_107, %dma_wait3A_108] : memref<1000000x64xf32, #tpu.memory_space<hbm>> -> memref<256x64xf32, #tpu.memory_space<hbm>>
      %dma_wait3A_110 = arith.constant 0 : i32
      %dma_wait3A_111 = arith.constant 0 : i32
      %dma_wait3A_112 = tpu.memref_slice %arg6[%dma_wait3A_98, %dma_wait3A_110, %dma_wait3A_111] : memref<2x256x64xf32, #tpu.memory_space<vmem>> -> memref<1x256x64xf32, #tpu.memory_space<vmem>>
      %dma_wait3A_113 = tpu.memref_squeeze %dma_wait3A_112 : memref<1x256x64xf32, #tpu.memory_space<vmem>> -> memref<256x64xf32, #tpu.memory_space<vmem>>
      %dma_wait3A_114 = arith.constant 0 : i32
      %dma_wait3A_115 = arith.constant 0 : i32
      %dma_wait3A_116 = tpu.memref_slice %arg3[%scan3A_10, %dma_wait3A_114, %dma_wait3A_115] : memref<1x1000000x64xf32, #tpu.memory_space<hbm>> -> memref<1x1000000x64xf32, #tpu.memory_space<hbm>>
      %dma_wait3A_117 = tpu.memref_squeeze %dma_wait3A_116 : memref<1x1000000x64xf32, #tpu.memory_space<hbm>> -> memref<1000000x64xf32, #tpu.memory_space<hbm>>
      %dma_wait3A_118 = arith.constant 0 : i32
      %dma_wait3A_119 = arith.constant 0 : i32
      %dma_wait3A_120 = tpu.memref_slice %dma_wait3A_117[%dma_wait3A_118, %dma_wait3A_119] : memref<1000000x64xf32, #tpu.memory_space<hbm>> -> memref<256x64xf32, #tpu.memory_space<hbm>>
      tpu.wait_dma2 semaphore(%arg8 : memref<!tpu.dma_semaphore, #tpu.memory_space<semaphore_mem>>) src(%dma_wait3A_120 : memref<256x64xf32, #tpu.memory_space<hbm>>) dst(%dma_wait3A_113 : memref<256x64xf32, #tpu.memory_space<vmem>>)
      %add3A_121 = arith.constant 1 : i32
      %add3A_122 = arith.addi %mul3A_43, %add3A_121 : i32
      %mul3A_123 = arith.constant 256 : i32
      %mul3A_124 = arith.muli %add3A_122, %mul3A_123 : i32
      %add3A_125 = arith.addi %mul3A_2, %mul3A_124 : i32
      %dma_start3A_126 = arith.constant 1 : i32
      %dma_start3A_127 = arith.constant 0 : i32
      %dma_start3A_128 = arith.constant 0 : i32
      %dma_start3A_129 = tpu.memref_slice %arg6[%dma_start3A_126, %dma_start3A_127, %dma_start3A_128] : memref<2x256x64xf32, #tpu.memory_space<vmem>> -> memref<1x256x64xf32, #tpu.memory_space<vmem>>
      %dma_start3A_130 = tpu.memref_squeeze %dma_start3A_129 : memref<1x256x64xf32, #tpu.memory_space<vmem>> -> memref<256x64xf32, #tpu.memory_space<vmem>>
      %dma_start3A_131 = arith.constant 0 : i32
      %dma_start3A_132 = tpu.memref_slice %arg4[%add3A_125, %dma_start3A_131] : memref<262144x64xf32, #tpu.memory_space<hbm>> -> memref<256x64xf32, #tpu.memory_space<hbm>>
      %dma_start3A_133 = arith.constant 0 : i32
      %dma_start3A_134 = tpu.memref_slice %arg4[%add3A_125, %dma_start3A_133] : memref<262144x64xf32, #tpu.memory_space<hbm>> -> memref<256x64xf32, #tpu.memory_space<hbm>>
      %dma_start3A_135 = arith.constant 0 : i32
      %dma_start3A_136 = arith.constant 0 : i32
      %dma_start3A_137 = tpu.memref_slice %arg6[%dma_start3A_126, %dma_start3A_135, %dma_start3A_136] : memref<2x256x64xf32, #tpu.memory_space<vmem>> -> memref<1x256x64xf32, #tpu.memory_space<vmem>>
      %dma_start3A_138 = tpu.memref_squeeze %dma_start3A_137 : memref<1x256x64xf32, #tpu.memory_space<vmem>> -> memref<256x64xf32, #tpu.memory_space<vmem>>
      tpu.enqueue_dma source(%dma_start3A_138 : memref<256x64xf32, #tpu.memory_space<vmem>>) target(%dma_start3A_134 : memref<256x64xf32, #tpu.memory_space<hbm>>) target_semaphore(%arg10 : memref<!tpu.dma_semaphore, #tpu.memory_space<semaphore_mem>>)
    }
    %scan3A_15 = arith.constant 16 : i32
    %dma_wait3A = arith.constant 0 : i32
    %dma_wait3A_16 = arith.constant 0 : i32
    %dma_wait3A_17 = arith.constant 0 : i32
    %dma_wait3A_18 = tpu.memref_slice %arg6[%dma_wait3A, %dma_wait3A_16, %dma_wait3A_17] : memref<2x256x64xf32, #tpu.memory_space<vmem>> -> memref<1x256x64xf32, #tpu.memory_space<vmem>>
    %dma_wait3A_19 = tpu.memref_squeeze %dma_wait3A_18 : memref<1x256x64xf32, #tpu.memory_space<vmem>> -> memref<256x64xf32, #tpu.memory_space<vmem>>
    %dma_wait3A_20 = arith.constant 0 : i32
    %dma_wait3A_21 = tpu.memref_slice %arg4[%mul3A_2, %dma_wait3A_20] : memref<262144x64xf32, #tpu.memory_space<hbm>> -> memref<256x64xf32, #tpu.memory_space<hbm>>
    %dma_wait3A_22 = arith.constant 0 : i32
    %dma_wait3A_23 = tpu.memref_slice %arg4[%mul3A_2, %dma_wait3A_22] : memref<262144x64xf32, #tpu.memory_space<hbm>> -> memref<256x64xf32, #tpu.memory_space<hbm>>
    %dma_wait3A_24 = arith.constant 0 : i32
    %dma_wait3A_25 = arith.constant 0 : i32
    %dma_wait3A_26 = tpu.memref_slice %arg6[%dma_wait3A, %dma_wait3A_24, %dma_wait3A_25] : memref<2x256x64xf32, #tpu.memory_space<vmem>> -> memref<1x256x64xf32, #tpu.memory_space<vmem>>
    %dma_wait3A_27 = tpu.memref_squeeze %dma_wait3A_26 : memref<1x256x64xf32, #tpu.memory_space<vmem>> -> memref<256x64xf32, #tpu.memory_space<vmem>>
    tpu.wait_dma2 semaphore(%arg9 : memref<!tpu.dma_semaphore, #tpu.memory_space<semaphore_mem>>) src(%dma_wait3A_27 : memref<256x64xf32, #tpu.memory_space<vmem>>) dst(%dma_wait3A_23 : memref<256x64xf32, #tpu.memory_space<hbm>>)
    %dma_wait3A_28 = arith.constant 1 : i32
    %dma_wait3A_29 = arith.constant 0 : i32
    %dma_wait3A_30 = arith.constant 0 : i32
    %dma_wait3A_31 = tpu.memref_slice %arg6[%dma_wait3A_28, %dma_wait3A_29, %dma_wait3A_30] : memref<2x256x64xf32, #tpu.memory_space<vmem>> -> memref<1x256x64xf32, #tpu.memory_space<vmem>>
    %dma_wait3A_32 = tpu.memref_squeeze %dma_wait3A_31 : memref<1x256x64xf32, #tpu.memory_space<vmem>> -> memref<256x64xf32, #tpu.memory_space<vmem>>
    %dma_wait3A_33 = arith.constant 0 : i32
    %dma_wait3A_34 = tpu.memref_slice %arg4[%mul3A_2, %dma_wait3A_33] : memref<262144x64xf32, #tpu.memory_space<hbm>> -> memref<256x64xf32, #tpu.memory_space<hbm>>
    %dma_wait3A_35 = arith.constant 0 : i32
    %dma_wait3A_36 = tpu.memref_slice %arg4[%mul3A_2, %dma_wait3A_35] : memref<262144x64xf32, #tpu.memory_space<hbm>> -> memref<256x64xf32, #tpu.memory_space<hbm>>
    %dma_wait3A_37 = arith.constant 0 : i32
    %dma_wait3A_38 = arith.constant 0 : i32
    %dma_wait3A_39 = tpu.memref_slice %arg6[%dma_wait3A_28, %dma_wait3A_37, %dma_wait3A_38] : memref<2x256x64xf32, #tpu.memory_space<vmem>> -> memref<1x256x64xf32, #tpu.memory_space<vmem>>
    %dma_wait3A_40 = tpu.memref_squeeze %dma_wait3A_39 : memref<1x256x64xf32, #tpu.memory_space<vmem>> -> memref<256x64xf32, #tpu.memory_space<vmem>>
    tpu.wait_dma2 semaphore(%arg10 : memref<!tpu.dma_semaphore, #tpu.memory_space<semaphore_mem>>) src(%dma_wait3A_40 : memref<256x64xf32, #tpu.memory_space<vmem>>) dst(%dma_wait3A_36 : memref<256x64xf32, #tpu.memory_space<hbm>>)
    return
  }
}

</mosaic_0001>

<sc_bundles>
// kernel: kernel.3.cloned.1.call-start
scs
__scs_entry_jumppad:
0x0: {  	(pc) =	sbr.rel $0x88, $3  }
0x1: {  	(tag) =	ssettag $0x0;
	lr =	simm.s32 $0x1  }
0x2: {  	[smem:$0x3F9F] =	sst lr;
	_ =	strace $0xD0000000  }
0x3: {  	_ = 	snop  }
0x4: {  	_ = 	snop  }
0x5: {  	_ = 	snop  }
0x6: {  	_ = 	snop  }
0x7: {  	_ = 	snop  }
__scs_overlays_trampoline_lowered:
0x8: {  	[smem:$0x3FAE] =	sst s0  }
0x9: {  	[smem:$0x3FAF] =	sst s1  }
0xa: {  	[smem:$0x3FB0] =	sst s2  }
0xb: {  	[smem:$0x3FB1] =	sst s3  }
0xc: {  	[smem:$0x3FB2] =	sst s4  }
0xd: {  	[smem:$0x3FB3] =	sst s5  }
0xe: {  	[smem:$0x3FB4] =	sst s6  }
0xf: {  	[smem:$0x3FB5] =	sst s7  }
0x10: {  	[smem:$0x3FB6] =	sst s8  }
0x11: {  	[smem:$0x3FB7] =	sst s9;
	s0 =	simm.s32 @!p0 $0x0  }
0x12: {  	s1 =	sld [smem:$0x3F9D];
	s0 =	simm.s32 @p0 $0x1  }
0x13: {  	[smem:$0x3FB8] =	sst s0;
	s0 =	simm.s32 @!p1 $0x0  }
0x14: {  	s2 =	sld [smem:$0x3F9C];
	s0 =	simm.s32 @p1 $0x1  }
0x15: {  	[smem:$0x3FB9] =	sst s0;
	s0 =	simm.s32 @!p2 $0x0  }
0x16: {  	s3 =	sld [smem:$0x3FDB];
	s0 =	simm.s32 @p2 $0x1  }
0x17: {  	s4 =	simm.s32 $0x1BF5;
	[smem:$0x3FBB] =	sst s0  }
0x18: {  	s0 =	sld [smem:$0x3F9E];
	_ =	swait.ge [sflag:s4], $0x0  }
0x19: {  	s7 =	sld [smem:$0x3F9F]  }
0x1a: {  	s8 =	sadd.s32 $0xFFFFE003, lr  }
0x1b: {  	s9 =	sadd.s32 $0xFFFFFEF7, lr;
	s5 =	simm.s32 $0xFFFFFFFF;
	p2 =	slt.u32 s8, $0xFFFFF086  }
0x1c: {  	p1 =	slt.u32 s9, $0xF7A;
	s5 =	simm.s32 @!p2 $0x0  }
0x1d: {  	s5 =	simm.s32 @p1 $0x1;
	p0 =	seq.s32 s7, s2  }
0x1e: {  	s7 =	smul.u32 @!p0 $0xF7A, s2;
	p2 =	seq.s32 @!p0 s5, $0x0  }
0x1f: {  	s9 =	smul.u32 $0xF7A, s1;
	s8 =	simm.s32 @!p0 $0x1BF5;
	p2 =	por !p2, p0  }
0x20: {  	[sflag:s8] =	ssyncset.s32 @!p0 $0xFFFFF086;
	s6 =	sadd.s32 @!p0 s3, s7;
	s7 =	simm.s32 @!p0 $0x108  }
0x21: {  	s3 =	sadd.s32 s3, s9;
	s6 =	sadd.s32 @!p0 $0x88, s6;
	s7 =	simm.s32 @p2 $0x1082  }
0x22: {  	[simem:s7], [sflag:s8] =	dma.local @!p0 [hbm:s6], $0xF7A  }
0x23: {  	s9 =	sor.u32 $0xD0000000, s2;
	s6 =	simm.s32 $0x108;
	_ =	swait.ge @!p0 [sflag:s8], $0x0  }
0x24: {  	s3 =	sadd.s32 $0x88, s3;
	s6 =	simm.s32 @!p1 $0x1082;
	[sflag:s4] =	ssyncset.s32 $0xFFFFF086  }
0x25: {  	[simem:s6], [sflag:s4] =	dma.local [hbm:s3], $0xF7A  }
0x26: {  	[smem:$0x3F9F] =	sst s1;
	(tag) =	ssettag s2;
	_ =	strace s9  }
0x27: {  	s1 =	sld [smem:$0x3FAF]  }
0x28: {  	s2 =	sld [smem:$0x3FB0]  }
0x29: {  	s4 =	sld [smem:$0x3FB2]  }
0x2a: {  	p0 =	seq.s32 s5, $0x0;
	s5 =	sld [smem:$0x3FB3]  }
0x2b: {  	s6 =	sld [smem:$0x3FB4]  }
0x2c: {  	s7 =	sld [smem:$0x3FB5]  }
0x2d: {  	s3 =	simm.s32 $0x108;
	s8 =	sld [smem:$0x3FB6]  }
0x2e: {  	s3 =	simm.s32 @!p0 $0x1082;
	s9 =	sld [smem:$0x3FB7]  }
0x2f: {  	lr =	sadd.s32 s0, s3;
	s0 =	sld [smem:$0x3FAE]  }
0x30: {  	s3 =	sld [smem:$0x3FB1]  }
0x31: {  	[smem:$0x3FBA] =	sst s10  }
0x32: {  	s10 =	sld [smem:$0x3FB8];
	_ =	sdelay $0x3  }
0x33: {  	p0 =	seq.s32 s10, $0x1;
	s10 =	sld [smem:$0x3FBA];
	_ =	sdelay $0x3  }
0x34: {  	[smem:$0x3FBA] =	sst s10  }
0x35: {  	s10 =	sld [smem:$0x3FB9];
	_ =	sdelay $0x3  }
0x36: {  	p1 =	seq.s32 s10, $0x1;
	s10 =	sld [smem:$0x3FBA];
	_ =	sdelay $0x3  }
0x37: {  	[smem:$0x3FBA] =	sst s10  }
0x38: {  	s10 =	sld [smem:$0x3FBB]  }
0x39: {  	_ = 	snop;
	(pc) =	sbr.ind lr, $3  }
0x3a: {  	_ = 	snop  }
0x3b: {  	_ = 	snop  }
0x3c: {  	p2 =	seq.s32 s10, $0x1;
	s10 =	sld [smem:$0x3FBA]  }
0x3d: {  	_ =	shalt  }
0x3e: {  	_ =	shalt  }
0x3f: {  	_ =	shalt  }
0x40: {  	_ =	shalt  }
0x41: {  	_ =	shalt  }
0x42: {  	_ =	shalt  }
0x43: {  	_ =	shalt  }
0x44: {  	_ =	shalt  }
0x45: {  	_ =	shalt  }
0x46: {  	_ =	shalt  }
0x47: {  	_ =	shalt  }
0x48: {  	_ =	shalt  }
0x49: {  	_ =	shalt  }
0x4a: {  	_ =	shalt  }
0x4b: {  	_ =	shalt  }
0x4c: {  	_ =	shalt  }
0x4d: {  	_ =	shalt  }
0x4e: {  	_ =	shalt  }
0x4f: {  	_ =	shalt  }
0x50: {  	_ =	shalt  }
0x51: {  	_ =	shalt  }
0x52: {  	_ =	shalt  }
0x53: {  	_ =	shalt  }
0x54: {  	_ =	shalt  }
0x55: {  	_ =	shalt  }
0x56: {  	_ =	shalt  }
0x57: {  	_ =	shalt  }
0x58: {  	_ =	shalt  }
0x59: {  	_ =	shalt  }
0x5a: {  	_ =	shalt  }
0x5b: {  	_ =	shalt  }
0x5c: {  	_ =	shalt  }
0x5d: {  	_ =	shalt  }
0x5e: {  	_ =	shalt  }
0x5f: {  	_ =	shalt  }
0x60: {  	_ =	shalt  }
0x61: {  	_ =	shalt  }
0x62: {  	_ =	shalt  }
0x63: {  	_ =	shalt  }
0x64: {  	_ =	shalt  }
0x65: {  	_ =	shalt  }
0x66: {  	_ =	shalt  }
0x67: {  	_ =	shalt  }
0x68: {  	_ =	shalt  }
0x69: {  	_ =	shalt  }
0x6a: {  	_ =	shalt  }
0x6b: {  	_ =	shalt  }
0x6c: {  	_ =	shalt  }
0x6d: {  	_ =	shalt  }
0x6e: {  	_ =	shalt  }
0x6f: {  	_ =	shalt  }
0x70: {  	_ =	shalt  }
0x71: {  	_ =	shalt  }
0x72: {  	_ =	shalt  }
0x73: {  	_ =	shalt  }
0x74: {  	_ =	shalt  }
0x75: {  	_ =	shalt  }
0x76: {  	_ =	shalt  }
0x77: {  	_ =	shalt  }
0x78: {  	_ =	shalt  }
0x79: {  	_ =	shalt  }
0x7a: {  	_ =	shalt  }
0x7b: {  	_ =	shalt  }
0x7c: {  	_ =	shalt  }
0x7d: {  	_ =	shalt  }
0x7e: {  	_ =	shalt  }
0x7f: {  	_ =	shalt  }
0x80: {  	_ =	shalt  }
0x81: {  	_ =	shalt  }
0x82: {  	_ =	shalt  }
0x83: {  	_ =	shalt  }
0x84: {  	_ =	shalt  }
0x85: {  	_ =	shalt  }
0x86: {  	_ =	shalt  }
0x87: {  	_ =	shalt  }
.Lfunc_end0:
.L_simem_size_0:
called_computation.1_lowered:
.L_overlay_start_0:
0x88: {  	s2 =	sld [smem:$0x3FD9]  }
0x89: {  	s3 =	sld [smem:$0x3FFE];
	_ =	sdelay $0x1  }
0x8a: {  	s1 =	srdreg.scid  }
0x8b: {  	s0 =	sand.u32 $0x1, s1  }
0x8c: {  	s17 =	sshll.u32 s0, $0xA;
	s2 =	sadd.s32 s3, s2  }
0x8d: {  	s2 =	sadd.s32 s2, s17  }
0x8e: {  	[smem:$0x3FC6] =	sst s2  }
0x8f: {  	_ = 	snop  }
0x90: {  	s2 =	sld [smem:$0x3FD0];
	(tm) =	ssettm $0x1  }
0x91: {  	s18 =	sld [smem:$0x3FFB];
	_ =	sdelay $0x3  }
0x92: {  	_ =	strace s18  }
0x93: {  	s3 =	sld [smem:$0x3FFC];
	_ =	sdelay $0x3  }
0x94: {  	_ =	strace s3  }
0x95: {  	s3 =	sld [smem:$0x3FFD];
	_ =	sdelay $0x3  }
0x96: {  	_ =	strace s3  }
0x97: {  	_ =	strace $0x8FFFFFFF  }
0x98: {  	s19 =	sld [smem:$0x3FDB];
	_ =	sdelay $0x1  }
0x99: {  	s4 =	simm.s32 $_scs_section_size  }
0x9a: {  	s5 =	simm.s32 $_size__tile_overlayer_lowered;
	s6 =	simm.s32 $_tile_overlayer_lowered  }
0x9b: {  	s22 =	simm.s32 $0x1BFF;
	s21 =	sshll.u32 s6, $0x1;
	s3 =	sadd.s32 s4, s19  }
0x9c: {  	s7 =	simm.s32 $0x0;
	s20 =	sshll.u32 s5, $0x1;
	s5 =	sadd.s32 s21, s3  }
0x9d: {  	[timem:s7], [sflag:s22] =	dma.local [hbm:s5], s20  }
0x9e: {  	_ =	swait.ge [sflag:s22], s20  }
0x9f: {  	s4 =	ssub.s32 $0x0, s20;
	[sflag:s22] =	ssyncset.done $0x0  }
0xa0: {  	[sflag:s22] =	ssyncadd.s32 s4;
	_ =	sdelay $0x1  }
0xa1: {  	s23 =	simm.s32 $0x1B8B  }
0xa2: {  	_ =	swait.ge [sflag:s23], $0x1  }
0xa3: {  	[sflag:s23] =	ssyncset.done $0x0  }
0xa4: {  	s25 =	simm.s32 $0x1B8E;
	s24 =	sld [smem:$0x3FFE];
	[sflag:s23] =	ssyncadd.s32 $0xFFFFFFFF  }
0xa5: {  	s26 =	simm.s32 $execute0_lowered;
	[smem:$0x3FD2] =	sst s25  }
0xa6: {  	s5 =	sshll.u32 s26, $0x1;
	_ =	strace $0x80000046;
	[dreg:$0x1] =	wrdreg $0xFFFFFFFF  }
0xa7: {  	s28 =	simm.s32 $_size_execute0_lowered;
	s3 =	sadd.s32 s3, s5;
	[dreg:$0x0] =	wrdreg $0x0  }
0xa8: {  	s5 =	sshll.u32 s28, $0x1;
	[dreg:$0x2] =	wrdreg s3  }
0xa9: {  	[dreg:$0x3] =	wrdreg s5  }
0xaa: {  	[dreg:$0x4] =	wrdreg $0xC0  }
0xab: {  	_ =	task [dreg:s7], $0x5FFFF  }
0xac: {  	[dreg:$0x1] =	wrdreg $0xFFFFFFFF  }
0xad: {  	[dreg:$0x0] =	wrdreg $0x60  }
0xae: {  	[dreg:$0x2] =	wrdreg s2  }
0xaf: {  	[dreg:$0x3] =	wrdreg s24  }
0xb0: {  	[dreg:$0x4] =	wrdreg $0x9  }
0xb1: {  	_ =	task.clear_ibuf [dreg:s7], $0x5FFFF;
	_ =	strace $0x90000046  }
0xb2: {  	s29 =	simm.s32 $0x9;
	_ =	strace $0x80000048  }
0xb3: {  	_ =	swait.ge [sflag:s29], $0x1  }
0xb4: {  	[sflag:s29] =	ssyncadd.s32 $0xFFFFFFFF  }
0xb5: {  	_ =	strace $0x90000048  }
0xb6: {  	_ =	sfence  }
0xb7: {  	s30 =	sld [smem:$0x0];
	_ =	sdelay $0x2  }
0xb8: {  	s31 =	sshll.u32 s1, $0xD;
	s1 =	sshrl.u32 s1, $0x2  }
0xb9: {  	s3 =	sand.u32 $0x4000, s31;
	s1 =	sadd.s32 s1, s30  }
0xba: {  	s0 =	sor.u32 s3, s0;
	s1 =	sshll.u32 s1, $0x11  }
0xbb: {  	s0 =	sor.u32 s1, s0  }
0xbc: {  	s0 =	sadd.s32 $0x8F2B, s0  }
0xbd: {  	[sflag:s0] =	ssyncadd.remote.s32 $0x1  }
0xbe: {  	_ =	sfence.sel $0xFFFF  }
0xbf: {  	[dreg:$0x0] =	wrdreg $0xFFFFFFFF;
	(pc) =	sbr.abs _section_cstart, $3  }
0xc0: {  	[dreg:$0x1] =	wrdreg $0xFFFFFFFF  }
0xc1: {  	_ =	task.clear_ibuf [dreg:s7], $0x2FFFF;
	_ =	strace $0x9FFFFFFF  }
0xc2: {  	(tm) =	ssettm $0x7FFFFFFF  }
0xc3: {  	_ =	shalt  }
tec
execute0_lowered:
.L_overlay_start_1:
0x0: {  	(tag) =	ssettag $0x1  }
0x1: {  	s0 =	rddreg [dreg:$0x0]  }
0x2: {  	s1 =	rddreg [dreg:$0x1];
	s3 =	srdreg.scid;
	s2 =	simm.s32 $0x0  }
0x3: {  	s5 =	stileid.u32;
	s4 =	sand.u32 $0x1, s3;
	[smem:$0x7FF] =	sst s2  }
0x4: {  	s26 =	sshll.u32 s5, $0xE;
	s28 =	sshll.u32 s4, $0xD;
	s4 =	ssub.s32 $0x2, s4  }
0x5: {  	s3 =	sadd.s32 $0x800, s1;
	s5 =	sor.u32 s28, s26;
	s29 =	sshrl.u32 s4, $0x1  }
.Ltmp0:
0x6: {  	s6 =	sshll.u32 s5, $0x4;
	s5 =	sshrl.u32 s5, $0x3;
	(pc) =	sbr.rel .LBB2_1-.Ltmp0, $4  }
0x7: {  	_ =	strace $0x80000047;
	s4 =	ssub.s32 s4, s29;
	s0 =	sadd.s32 s0, s5  }
0x8: {  	s1 =	sadd.s32 s6, s1;
	s31 =	smax.u32 s4, $0x1;
	[dreg:$0x5] =	wrdreg s0  }
0x9: {  	s30 =	sadd.s32 $0xF42C00, s1;
	[dreg:$0x7] =	wrdreg s31  }
0xa: {  	s4 =	simm.s32 $0x0;
	[dreg:$0x6] =	wrdreg s30  }
.LBB2_13:
0xb: {  	s0 =	simm.s32 $0x3  }
0xc: {  	_ =	swait.ge [sflag:s0], $0x8000  }
0xd: {  	[sflag:s0] =	ssyncset.done $0x0  }
0xe: {  	s1 =	simm.s32 $0x4;
	[sflag:s0] =	ssyncadd.s32 $0xFFFF8000  }
0xf: {  	_ =	swait.ge [sflag:s1], $0x8000  }
0x10: {  	s4 =	rddreg [dreg:$0x8]  }
0x11: {  	s31 =	rddreg [dreg:$0x7];
	s4 =	sadd.s32 $0x1, s4  }
0x12: {  	p0 =	sne.s32 s4, s31  }
.Ltmp1:
0x13: {  	_ = 	snop;
	(pc) =	sbr.rel @!p0 .LBB2_14-.Ltmp1, $3  }
0x14: {  	_ =	sdelay $0x1  }
0x15: {  	[sflag:s1] =	ssyncset.done $0x0  }
0x16: {  	[sflag:s1] =	ssyncadd.s32 $0xFFFF8000  }
.LBB2_1:
0x17: {  	[dreg:$0x8] =	wrdreg s4  }
0x18: {  	s0 =	rddreg [dreg:$0x5];
	s6 =	simm.s32 $0x5  }
0x19: {  	[tilespmem:s2], [sflag:$0x5] =	stream.linear.gather [hbm4b:s0+s2], $0x2000, $0x38;
	[tilespmem:$0x12000] =	vst v63  }
0x1a: {  	_ =	swait.ge [sflag:s6], $0x2000  }
0x1b: {  	s7 =	sand.u32 $0x70, s2;
	s1 =	sand.u32 $0x400, s2;
	[sflag:s6] =	ssyncset.done $0x0  }
0x1c: {  	s0 =	sor.u32 s7, s1;
	[sflag:s6] =	ssyncadd.s32 $0xFFFFE000  }
0x1d: {  	v0 =	vld [tilespmem:s0+$0x0];
	_ =	sdelay $0x4  }
0x1e: {  	v0 =	vshll.u32 v0, $0x4  }
0x1f: {  	(v2sf) =	vpush v0, $0x0  }
0x20: {  	(v2sf) =	vpush v0, $0x1  }
0x21: {  	(v2sf) =	vpush v0, $0x2;
	_ =	sdelay $0x1  }
0x22: {  	(v2sf) =	vpush v0, $0x3;
	_ =	sdelay $0x1  }
0x23: {  	(v2sf) =	vpush v0, $0x4;
	_ =	sdelay $0x1  }
0x24: {  	(v2sf) =	vpush v0, $0x5  }
0x25: {  	s16 =	simm.s32 $0x2000;
	s17 =	simm.s32 $0x10  }
0x26: {  	s18 =	simm.s32 $0x80;
	s20 =	simm.s32 $0x4000;
	s21 =	simm.s32 $0x20  }
0x27: {  	s19 =	simm.s32 $0x0;
	s22 =	simm.s32 $0x100;
	s8 =	simm.s32 $0x2080  }
0x28: {  	s23 =	simm.s32 $0x2680;
	s9 =	simm.s32 $0x2000;
	s25 =	simm.s32 $0x2580;
	(v2sf) =	vpush v0, $0x6  }
0x29: {  	s24 =	simm.s32 $0x2600;
	s30 =	simm.s32 $0x2400;
	s29 =	simm.s32 $0x2480  }
0x2a: {  	s26 =	simm.s32 $0x2500;
	s11 =	simm.s32 $0x2180;
	s31 =	simm.s32 $0x2380;
	(v2sf) =	vpush v0, $0x7  }
0x2b: {  	s28 =	simm.s32 $0x2780;
	s6 =	simm.s32 $0x2100;
	s10 =	spop (v2sf)  }
0x2c: {  	s0 =	simm.s32 $0x2300;
	(v2sf) =	vpush v0, $0x8;
	s4 =	sand.u32 $0x1FFFFFF0, s10;
	s7 =	spop (v2sf)  }
0x2d: {  	s4 =	sadd.s32 s3, s4;
	s12 =	sand.u32 $0x1FFFFFF0, s7;
	s13 =	spop (v2sf)  }
0x2e: {  	(v2sf) =	vpush v0, $0x9;
	[tilespmem:s9], [sflag:$0x1] =	stream.linear.gather [hbm4b:s4+s2], $0x80, $0x38;
	[tilespmem:$0x12000] =	vst v63  }
0x2f: {  	s4 =	sadd.s32 s3, s12;
	s7 =	sand.u32 $0x1FFFFFF0, s13;
	s13 =	spop (v2sf)  }
0x30: {  	(v2sf) =	vpush v0, $0xA;
	[tilespmem:s8], [sflag:$0x1] =	stream.linear.gather [hbm4b:s4+s2], $0x80, $0x38;
	[tilespmem:$0x12000] =	vst v63  }
0x31: {  	s14 =	sadd.s32 s3, s7;
	s15 =	sand.u32 $0x1FFFFFF0, s13;
	s5 =	spop (v2sf)  }
0x32: {  	(v2sf) =	vpush v0, $0xB;
	[tilespmem:s6], [sflag:$0x1] =	stream.linear.gather [hbm4b:s14+s2], $0x80, $0x38;
	[tilespmem:$0x12000] =	vst v63  }
0x33: {  	s8 =	sadd.s32 s3, s15;
	s9 =	sand.u32 $0x1FFFFFF0, s5;
	s10 =	spop (v2sf)  }
0x34: {  	(v2sf) =	vpush v0, $0xC;
	[tilespmem:s11], [sflag:$0x1] =	stream.linear.gather [hbm4b:s8+s2], $0x80, $0x38;
	[tilespmem:$0x12000] =	vst v63  }
0x35: {  	s12 =	sadd.s32 s3, s9;
	s13 =	sand.u32 $0x1FFFFFF0, s10;
	s11 =	simm.s32 $0x2200  }
0x36: {  	(v2sf) =	vpush v0, $0xD;
	[tilespmem:s11], [sflag:$0x1] =	stream.linear.gather [hbm4b:s12+s2], $0x80, $0x38;
	[tilespmem:$0x12000] =	vst v63  }
0x37: {  	s15 =	spop (v2sf);
	s14 =	simm.s32 $0x2280;
	s4 =	sadd.s32 s3, s13  }
0x38: {  	(v2sf) =	vpush v0, $0xE;
	[tilespmem:s14], [sflag:$0x1] =	stream.linear.gather [hbm4b:s4+s2], $0x80, $0x38;
	[tilespmem:$0x12000] =	vst v63  }
0x39: {  	s6 =	spop (v2sf);
	(v2sf) =	vpush v0, $0xF;
	s4 =	sand.u32 $0x1FFFFFF0, s15;
	s15 =	simm.s32 $0x0  }
.LBB2_2:
0x3a: {  	s4 =	sadd.s32 s3, s4  }
0x3b: {  	s6 =	sand.u32 $0x1FFFFFF0, s6;
	s7 =	spop (v2sf);
	s1 =	smov.u32 s20  }
0x3c: {  	[tilespmem:s0], [sflag:$0x1] =	stream.linear.gather [hbm4b:s4+s15], $0x80, $0x38;
	[tilespmem:$0x12000] =	vst v63  }
0x3d: {  	s0 =	sadd.s32 s3, s6;
	s4 =	sand.u32 $0x1FFFFFF0, s7;
	s6 =	spop (v2sf)  }
0x3e: {  	[tilespmem:s31], [sflag:$0x1] =	stream.linear.gather [hbm4b:s0+s15], $0x80, $0x38;
	[tilespmem:$0x12000] =	vst v63  }
0x3f: {  	s0 =	sadd.s32 s3, s4;
	s4 =	sand.u32 $0x1FFFFFF0, s6;
	s6 =	spop (v2sf)  }
0x40: {  	[tilespmem:s30], [sflag:$0x1] =	stream.linear.gather [hbm4b:s0+s15], $0x80, $0x38;
	[tilespmem:$0x12000] =	vst v63  }
0x41: {  	s0 =	sadd.s32 s3, s4;
	s4 =	sand.u32 $0x1FFFFFF0, s6;
	s6 =	spop (v2sf)  }
0x42: {  	[tilespmem:s29], [sflag:$0x1] =	stream.linear.gather [hbm4b:s0+s15], $0x80, $0x38;
	[tilespmem:$0x12000] =	vst v63  }
0x43: {  	s0 =	sadd.s32 s3, s4;
	s4 =	sand.u32 $0x1FFFFFF0, s6;
	s6 =	spop (v2sf)  }
0x44: {  	[tilespmem:s26], [sflag:$0x1] =	stream.linear.gather [hbm4b:s0+s15], $0x80, $0x38;
	[tilespmem:$0x12000] =	vst v63  }
0x45: {  	s0 =	sadd.s32 s3, s4;
	s4 =	sand.u32 $0x1FFFFFF0, s6;
	s6 =	spop (v2sf)  }
0x46: {  	[tilespmem:s25], [sflag:$0x1] =	stream.linear.gather [hbm4b:s0+s15], $0x80, $0x38;
	[tilespmem:$0x12000] =	vst v63  }
0x47: {  	s0 =	sadd.s32 s3, s4;
	s4 =	sand.u32 $0x1FFFFFF0, s6;
	s6 =	spop (v2sf)  }
0x48: {  	[tilespmem:s24], [sflag:$0x1] =	stream.linear.gather [hbm4b:s0+s15], $0x80, $0x38;
	[tilespmem:$0x12000] =	vst v63  }
0x49: {  	s0 =	sadd.s32 s3, s4;
	s4 =	sand.u32 $0x1FFFFFF0, s6;
	s6 =	spop (v2sf)  }
0x4a: {  	[tilespmem:s23], [sflag:$0x1] =	stream.linear.gather [hbm4b:s0+s15], $0x80, $0x38;
	[tilespmem:$0x12000] =	vst v63  }
0x4b: {  	s4 =	sadd.s32 s3, s4;
	s0 =	sadd.s32 $0x2700, s19;
	s6 =	sand.u32 $0x1FFFFFF0, s6  }
0x4c: {  	[tilespmem:s0], [sflag:$0x1] =	stream.linear.gather [hbm4b:s4+s15], $0x80, $0x38;
	[tilespmem:$0x12000] =	vst v63  }
0x4d: {  	s6 =	sadd.s32 s3, s6;
	s0 =	sand.u32 $0x70, s17;
	s4 =	sand.u32 $0x400, s18  }
0x4e: {  	[tilespmem:s28], [sflag:$0x1] =	stream.linear.gather [hbm4b:s6+s15], $0x80, $0x38;
	[tilespmem:$0x12000] =	vst v63  }
0x4f: {  	p0 =	sne.s32 s20, $0x1E000;
	s20 =	sadd.s32 $0x2000, s20;
	s0 =	sor.u32 s0, s4  }
0x50: {  	s17 =	smov.u32 s21;
	s18 =	smov.u32 s22;
	v0 =	vld [tilespmem:s0+$0x0];
	_ =	sdelay $0x4  }
0x51: {  	s19 =	sshra.s32 s16, $0x2;
	s16 =	smov.u32 s1;
	s21 =	sadd.s32 $0x10, s21;
	v0 =	vshll.u32 v0, $0x4  }
0x52: {  	s23 =	sadd.s32 $0x2680, s19;
	s22 =	sadd.s32 $0x80, s22;
	s4 =	sadd.s32 $0x2080, s19;
	(v2sf) =	vpush v0, $0x0  }
0x53: {  	s25 =	sadd.s32 $0x2580, s19;
	s24 =	sadd.s32 $0x2600, s19;
	s6 =	sadd.s32 $0x2000, s19;
	(v2sf) =	vpush v0, $0x1  }
0x54: {  	s30 =	sadd.s32 $0x2400, s19;
	s29 =	sadd.s32 $0x2480, s19;
	s26 =	sadd.s32 $0x2500, s19;
	(v2sf) =	vpush v0, $0x2  }
0x55: {  	s31 =	sadd.s32 $0x2380, s19;
	s0 =	sadd.s32 $0x2300, s19  }
0x56: {  	s1 =	sadd.s32 $0x2280, s19;
	(v2sf) =	vpush v0, $0x3  }
0x57: {  	s7 =	sadd.s32 $0x2200, s19  }
0x58: {  	(v2sf) =	vpush v0, $0x4  }
0x59: {  	s28 =	sadd.s32 $0x2780, s19  }
0x5a: {  	(v2sf) =	vpush v0, $0x5;
	_ =	sdelay $0x1  }
0x5b: {  	s13 =	sadd.s32 $0x2100, s19;
	(v2sf) =	vpush v0, $0x6;
	_ =	sdelay $0x1  }
0x5c: {  	s14 =	sadd.s32 $0x2180, s19;
	(v2sf) =	vpush v0, $0x7;
	_ =	sdelay $0x1  }
0x5d: {  	(v2sf) =	vpush v0, $0x8  }
0x5e: {  	s15 =	spop (v2sf)  }
0x5f: {  	s9 =	sand.u32 $0x1FFFFFF0, s15;
	s15 =	simm.s32 $0x0;
	s11 =	spop (v2sf);
	(v2sf) =	vpush v0, $0x9  }
0x60: {  	s9 =	sadd.s32 s3, s9;
	s11 =	sand.u32 $0x1FFFFFF0, s11;
	s12 =	spop (v2sf)  }
0x61: {  	[tilespmem:s6], [sflag:$0x1] =	stream.linear.gather [hbm4b:s9+s15], $0x80, $0x38;
	(v2sf) =	vpush v0, $0xA;
	[tilespmem:$0x12000] =	vst v63  }
0x62: {  	s6 =	sadd.s32 s3, s11;
	s9 =	sand.u32 $0x1FFFFFF0, s12;
	s11 =	spop (v2sf)  }
0x63: {  	[tilespmem:s4], [sflag:$0x1] =	stream.linear.gather [hbm4b:s6+s15], $0x80, $0x38;
	(v2sf) =	vpush v0, $0xB;
	[tilespmem:$0x12000] =	vst v63  }
0x64: {  	s4 =	sadd.s32 s3, s9;
	s6 =	sand.u32 $0x1FFFFFF0, s11;
	s9 =	spop (v2sf)  }
0x65: {  	[tilespmem:s13], [sflag:$0x1] =	stream.linear.gather [hbm4b:s4+s15], $0x80, $0x38;
	(v2sf) =	vpush v0, $0xC;
	[tilespmem:$0x12000] =	vst v63  }
0x66: {  	s4 =	sadd.s32 s3, s6;
	s6 =	sand.u32 $0x1FFFFFF0, s9;
	s9 =	spop (v2sf)  }
0x67: {  	[tilespmem:s14], [sflag:$0x1] =	stream.linear.gather [hbm4b:s4+s15], $0x80, $0x38;
	[tilespmem:$0x12000] =	vst v63  }
.Ltmp2:
0x68: {  	(v2sf) =	vpush v0, $0xD;
	(pc) =	sbr.rel @p0 .LBB2_2-.Ltmp2, $4  }
0x69: {  	s4 =	sadd.s32 s3, s6;
	s6 =	sand.u32 $0x1FFFFFF0, s9;
	s9 =	spop (v2sf)  }
0x6a: {  	[tilespmem:s7], [sflag:$0x1] =	stream.linear.gather [hbm4b:s4+s15], $0x80, $0x38;
	(v2sf) =	vpush v0, $0xE;
	[tilespmem:$0x12000] =	vst v63  }
0x6b: {  	s7 =	sadd.s32 s3, s6;
	s4 =	sand.u32 $0x1FFFFFF0, s9;
	s6 =	spop (v2sf)  }
0x6c: {  	[tilespmem:s1], [sflag:$0x1] =	stream.linear.gather [hbm4b:s7+s15], $0x80, $0x38;
	(v2sf) =	vpush v0, $0xF;
	[tilespmem:$0x12000] =	vst v63  }
0x6d: {  	s1 =	sadd.s32 s3, s4;
	s14 =	spop (v2sf)  }
0x6e: {  	[tilespmem:s0], [sflag:$0x1] =	stream.linear.gather [hbm4b:s1+s15], $0x80, $0x38;
	[tilespmem:$0x12000] =	vst v63  }
0x6f: {  	s13 =	sand.u32 $0x1FFFFFF0, s6;
	s21 =	sand.u32 $0x1FFFFFF0, s14;
	s22 =	spop (v2sf)  }
0x70: {  	s20 =	sadd.s32 s3, s13;
	s5 =	sadd.s32 s3, s21;
	s6 =	sand.u32 $0x1FFFFFF0, s22  }
0x71: {  	[tilespmem:s31], [sflag:$0x1] =	stream.linear.gather [hbm4b:s20+s15], $0x80, $0x38;
	[tilespmem:$0x12000] =	vst v63  }
0x72: {  	s7 =	spop (v2sf);
	s8 =	sadd.s32 s3, s6;
	s6 =	sand.u32 $0x70, s17  }
0x73: {  	[tilespmem:s30], [sflag:$0x1] =	stream.linear.gather [hbm4b:s5+s15], $0x80, $0x38;
	[tilespmem:$0x12000] =	vst v63  }
0x74: {  	s9 =	sand.u32 $0x1FFFFFF0, s7;
	s7 =	sand.u32 $0x400, s18;
	s10 =	spop (v2sf)  }
0x75: {  	[tilespmem:s29], [sflag:$0x1] =	stream.linear.gather [hbm4b:s8+s15], $0x80, $0x38;
	[tilespmem:$0x12000] =	vst v63  }
0x76: {  	s11 =	sadd.s32 s3, s9;
	s12 =	sand.u32 $0x1FFFFFF0, s10;
	s13 =	spop (v2sf)  }
0x77: {  	[tilespmem:s26], [sflag:$0x1] =	stream.linear.gather [hbm4b:s11+s15], $0x80, $0x38;
	[tilespmem:$0x12000] =	vst v63  }
0x78: {  	s14 =	sadd.s32 s3, s12;
	s20 =	sand.u32 $0x1FFFFFF0, s13;
	s21 =	spop (v2sf)  }
0x79: {  	[tilespmem:s25], [sflag:$0x1] =	stream.linear.gather [hbm4b:s14+s15], $0x80, $0x38;
	[tilespmem:$0x12000] =	vst v63  }
0x7a: {  	s22 =	sadd.s32 s3, s20;
	s25 =	sand.u32 $0x1FFFFFF0, s21;
	s26 =	spop (v2sf)  }
0x7b: {  	[tilespmem:s24], [sflag:$0x1] =	stream.linear.gather [hbm4b:s22+s15], $0x80, $0x38;
	[tilespmem:$0x12000] =	vst v63  }
0x7c: {  	s29 =	sadd.s32 s3, s25;
	s30 =	sand.u32 $0x1FFFFFF0, s26;
	s31 =	spop (v2sf)  }
0x7d: {  	[tilespmem:s23], [sflag:$0x1] =	stream.linear.gather [hbm4b:s29+s15], $0x80, $0x38;
	[tilespmem:$0x12000] =	vst v63  }
0x7e: {  	s5 =	sadd.s32 $0x2700, s19;
	s1 =	sadd.s32 s3, s30;
	s4 =	sand.u32 $0x1FFFFFF0, s31  }
0x7f: {  	[tilespmem:s5], [sflag:$0x1] =	stream.linear.gather [hbm4b:s1+s15], $0x80, $0x38;
	[tilespmem:$0x12000] =	vst v63  }
0x80: {  	s0 =	sor.u32 s6, s7;
	s4 =	sadd.s32 s3, s4  }
0x81: {  	[tilespmem:s28], [sflag:$0x1] =	stream.linear.gather [hbm4b:s4+s15], $0x80, $0x38;
	[tilespmem:$0x12000] =	vst v63  }
0x82: {  	v0 =	vld [tilespmem:s0+$0x0];
	_ =	sdelay $0x4  }
0x83: {  	v0 =	vshll.u32 v0, $0x4  }
0x84: {  	(v2sf) =	vpush v0, $0x0  }
0x85: {  	(v2sf) =	vpush v0, $0x1  }
0x86: {  	(v2sf) =	vpush v0, $0x2;
	_ =	sdelay $0x1  }
0x87: {  	(v2sf) =	vpush v0, $0x3;
	_ =	sdelay $0x1  }
0x88: {  	(v2sf) =	vpush v0, $0x4;
	_ =	sdelay $0x1  }
0x89: {  	(v2sf) =	vpush v0, $0x5;
	_ =	sdelay $0x1  }
0x8a: {  	(v2sf) =	vpush v0, $0x6  }
0x8b: {  	s0 =	sshra.s32 s16, $0x2  }
0x8c: {  	s7 =	sadd.s32 $0x2080, s0;
	s9 =	sadd.s32 $0x2000, s0;
	s6 =	sadd.s32 $0x2580, s0;
	(v2sf) =	vpush v0, $0x7  }
0x8d: {  	s11 =	sadd.s32 $0x2400, s0;
	s12 =	sadd.s32 $0x2480, s0;
	s13 =	sadd.s32 $0x2500, s0  }
0x8e: {  	s14 =	sadd.s32 $0x2300, s0;
	s16 =	sadd.s32 $0x2380, s0;
	s17 =	sadd.s32 $0x2280, s0;
	(v2sf) =	vpush v0, $0x8  }
0x8f: {  	s18 =	sadd.s32 $0x2200, s0;
	s8 =	sadd.s32 $0x2100, s0;
	s20 =	spop (v2sf)  }
0x90: {  	s21 =	sadd.s32 $0x2180, s0;
	(v2sf) =	vpush v0, $0x9;
	s20 =	sand.u32 $0x1FFFFFF0, s20;
	s22 =	spop (v2sf)  }
0x91: {  	s20 =	sadd.s32 s3, s20;
	s22 =	sand.u32 $0x1FFFFFF0, s22;
	s10 =	spop (v2sf)  }
0x92: {  	(v2sf) =	vpush v0, $0xA;
	[tilespmem:s9], [sflag:$0x1] =	stream.linear.gather [hbm4b:s20+s15], $0x80, $0x38;
	[tilespmem:$0x12000] =	vst v63  }
0x93: {  	s22 =	sadd.s32 s3, s22;
	s23 =	sand.u32 $0x1FFFFFF0, s10;
	s24 =	spop (v2sf)  }
0x94: {  	(v2sf) =	vpush v0, $0xB;
	[tilespmem:s7], [sflag:$0x1] =	stream.linear.gather [hbm4b:s22+s15], $0x80, $0x38;
	[tilespmem:$0x12000] =	vst v63  }
0x95: {  	s25 =	sadd.s32 s3, s23;
	s26 =	sand.u32 $0x1FFFFFF0, s24;
	s28 =	spop (v2sf)  }
0x96: {  	(v2sf) =	vpush v0, $0xC;
	[tilespmem:s8], [sflag:$0x1] =	stream.linear.gather [hbm4b:s25+s15], $0x80, $0x38;
	[tilespmem:$0x12000] =	vst v63  }
0x97: {  	s29 =	sadd.s32 s3, s26;
	s30 =	sand.u32 $0x1FFFFFF0, s28;
	s31 =	spop (v2sf)  }
0x98: {  	(v2sf) =	vpush v0, $0xD;
	[tilespmem:s21], [sflag:$0x1] =	stream.linear.gather [hbm4b:s29+s15], $0x80, $0x38;
	[tilespmem:$0x12000] =	vst v63  }
0x99: {  	s5 =	sadd.s32 s3, s30;
	s10 =	spop (v2sf);
	s8 =	sand.u32 $0x1FFFFFF0, s31  }
0x9a: {  	[tilespmem:s18], [sflag:$0x1] =	stream.linear.gather [hbm4b:s5+s15], $0x80, $0x38;
	[tilespmem:$0x12000] =	vst v63  }
0x9b: {  	s20 =	sand.u32 $0x1FFFFFF0, s10;
	s21 =	spop (v2sf);
	s18 =	sadd.s32 s3, s8  }
0x9c: {  	(v2sf) =	vpush v0, $0xE;
	[tilespmem:s17], [sflag:$0x1] =	stream.linear.gather [hbm4b:s18+s15], $0x80, $0x38;
	[tilespmem:$0x12000] =	vst v63  }
0x9d: {  	s22 =	sadd.s32 s3, s20;
	s23 =	sand.u32 $0x1FFFFFF0, s21;
	s24 =	spop (v2sf)  }
0x9e: {  	(v2sf) =	vpush v0, $0xF;
	[tilespmem:s14], [sflag:$0x1] =	stream.linear.gather [hbm4b:s22+s15], $0x80, $0x38;
	[tilespmem:$0x12000] =	vst v63  }
0x9f: {  	s25 =	sadd.s32 s3, s23;
	s26 =	sand.u32 $0x1FFFFFF0, s24;
	s28 =	spop (v2sf)  }
0xa0: {  	[tilespmem:s16], [sflag:$0x1] =	stream.linear.gather [hbm4b:s25+s15], $0x80, $0x38;
	[tilespmem:$0x12000] =	vst v63  }
0xa1: {  	s29 =	sadd.s32 s3, s26;
	s30 =	sand.u32 $0x1FFFFFF0, s28;
	s31 =	spop (v2sf)  }
0xa2: {  	[tilespmem:s11], [sflag:$0x1] =	stream.linear.gather [hbm4b:s29+s15], $0x80, $0x38;
	[tilespmem:$0x12000] =	vst v63  }
0xa3: {  	s5 =	sadd.s32 s3, s30;
	s8 =	sand.u32 $0x1FFFFFF0, s31;
	s10 =	spop (v2sf)  }
0xa4: {  	[tilespmem:s12], [sflag:$0x1] =	stream.linear.gather [hbm4b:s5+s15], $0x80, $0x38;
	[tilespmem:$0x12000] =	vst v63  }
0xa5: {  	s14 =	sadd.s32 s3, s8;
	s16 =	sand.u32 $0x1FFFFFF0, s10;
	s17 =	spop (v2sf)  }
0xa6: {  	[tilespmem:s13], [sflag:$0x1] =	stream.linear.gather [hbm4b:s14+s15], $0x80, $0x38;
	[tilespmem:$0x12000] =	vst v63  }
0xa7: {  	s18 =	sadd.s32 s3, s16;
	s19 =	sand.u32 $0x1FFFFFF0, s17;
	s20 =	spop (v2sf)  }
0xa8: {  	[tilespmem:s6], [sflag:$0x1] =	stream.linear.gather [hbm4b:s18+s15], $0x80, $0x38;
	[tilespmem:$0x12000] =	vst v63  }
0xa9: {  	s4 =	sadd.s32 $0x2600, s0;
	s21 =	sadd.s32 s3, s19;
	s22 =	sand.u32 $0x1FFFFFF0, s20  }
0xaa: {  	[tilespmem:s4], [sflag:$0x1] =	stream.linear.gather [hbm4b:s21+s15], $0x80, $0x38;
	[tilespmem:$0x12000] =	vst v63  }
0xab: {  	s1 =	sadd.s32 $0x2680, s0;
	s23 =	spop (v2sf);
	s24 =	sadd.s32 s3, s22  }
0xac: {  	[tilespmem:s1], [sflag:$0x1] =	stream.linear.gather [hbm4b:s24+s15], $0x80, $0x38;
	[tilespmem:$0x12000] =	vst v63  }
.Ltmp3:
0xad: {  	s25 =	sand.u32 $0x1FFFFFF0, s23;
	s26 =	spop (v2sf);
	(pc) =	sbr.rel .LBB2_4-.Ltmp3, $4  }
0xae: {  	s28 =	sadd.s32 $0x2700, s0;
	s29 =	sadd.s32 s3, s25;
	s30 =	sand.u32 $0x1FFFFFF0, s26  }
0xaf: {  	[tilespmem:s28], [sflag:$0x1] =	stream.linear.gather [hbm4b:s29+s15], $0x80, $0x38;
	[tilespmem:$0x12000] =	vst v63  }
0xb0: {  	s0 =	sadd.s32 $0x2780, s0;
	s16 =	simm.s32 $0x0;
	s31 =	sadd.s32 s3, s30  }
0xb1: {  	[tilespmem:s0], [sflag:$0x1] =	stream.linear.gather [hbm4b:s31+s15], $0x80, $0x38;
	[tilespmem:$0x12000] =	vst v63  }
.LBB2_12:
0xb2: {  	s16 =	sadd.s32 $0x1, s16  }
0xb3: {  	p0 =	sne.s32 s16, $0x10  }
.Ltmp4:
0xb4: {  	s1 =	simm.s32 $0x2;
	(pc) =	sbr.rel @!p0 .LBB2_13-.Ltmp4, $4  }
0xb5: {  	_ =	swait.ge [sflag:s1], $0x8000  }
0xb6: {  	s0 =	sshll.u32 s17, $0xC;
	[sflag:s1] =	ssyncset.done $0x0;
	s30 =	rddreg [dreg:$0x6]  }
0xb7: {  	s31 =	simm.s32 $0xA000;
	[sflag:s1] =	ssyncadd.s32 $0xFFFF8000;
	s0 =	sadd.s32 s0, s30  }
0xb8: {  	[hbm4b:s0+s2] =	stream.linear.scatter [tilespmem:s31], [sflag:$0x4], $0x8000, $0x38;
	[tilespmem:$0x12000] =	vst v63  }
.LBB2_4:
0xb9: {  	s18 =	sshll.u32 s16, $0x1  }
0xba: {  	p0 =	seq.s32 s16, $0x0;
	s17 =	sor.u32 $0x1, s18  }
0xbb: {  	s0 =	sshll.u32 s16, $0x9;
	p1 =	por $0x1, $0x1;
	s1 =	sshll.u32 s17, $0x7  }
.Ltmp5:
0xbc: {  	s0 =	sand.u32 $0x1800, s0;
	s1 =	sand.u32 $0x380, s1;
	(pc) =	sbr.rel @!p1 .LBB2_5-.Ltmp5, $4  }
0xbd: {  	s4 =	simm.s32 @!p0 $0x4;
	s0 =	sor.u32 s1, s0  }
0xbe: {  	s31 =	sand.u32 $0x400, s15;
	_ =	swait.ge @!p0 [sflag:s4], $0x8000;
	[dreg:$0x3] =	wrdreg s0  }
0xbf: {  	s19 =	simm.s32 $0x2000;
	[sflag:s4] =	ssyncset.done @!p0 $0x0;
	s0 =	rddreg [dreg:$0x3]  }
0xc0: {  	[sflag:s4] =	ssyncadd.s32 @!p0 $0xFFFF8000;
	p0 =	por $0x0, $0x0;
	s25 =	sadd.s32 s31, s0  }
0xc1: {  	s0 =	sand.u32 $0x70, s15  }
0xc2: {  	s0 =	sadd.s32 s0, s25  }
0xc3: {  	v0 =	vld [tilespmem:s0+$0x0];
	_ =	sdelay $0x4  }
0xc4: {  	v0 =	vshll.u32 v0, $0x4  }
0xc5: {  	(v2sf) =	vpush v0, $0x0  }
0xc6: {  	(v2sf) =	vpush v0, $0x1  }
0xc7: {  	(v2sf) =	vpush v0, $0x2;
	_ =	sdelay $0x1  }
0xc8: {  	(v2sf) =	vpush v0, $0x3  }
0xc9: {  	(v2sf) =	vpush v0, $0x4;
	_ =	sdelay $0x3  }
0xca: {  	(v2sf) =	vpush v0, $0x5  }
0xcb: {  	p1 =	por $0x1, $0x1;
	s20 =	simm.s32 $0x80;
	s21 =	simm.s32 $0x4000  }
0xcc: {  	s1 =	rddreg [dreg:$0x3];
	s22 =	simm.s32 $0x0;
	s4 =	simm.s32 $0xA200;
	(v2sf) =	vpush v0, $0x6  }
0xcd: {  	s7 =	simm.s32 $0xA480;
	s24 =	simm.s32 $0xA500;
	s9 =	simm.s32 $0xA000  }
0xce: {  	s14 =	simm.s32 $0xA080;
	s26 =	simm.s32 $0xA100;
	s5 =	simm.s32 $0xA180  }
0xcf: {  	s10 =	simm.s32 $0xA300;
	s29 =	simm.s32 $0xA580;
	s28 =	simm.s32 $0xA680  }
0xd0: {  	s30 =	simm.s32 $0xA600;
	p0 =	por $0x1, $0x1;
	s6 =	spop (v2sf);
	(v2sf) =	vpush v0, $0x7  }
0xd1: {  	s0 =	sand.u32 $0x400, s20;
	s6 =	sand.u32 $0x1FFFFFF0, s6;
	s11 =	spop (v2sf)  }
0xd2: {  	(v2sf) =	vpush v0, $0x8;
	s6 =	sadd.s32 s3, s6;
	s23 =	sand.u32 $0x1FFFFFF0, s11;
	s25 =	spop (v2sf)  }
0xd3: {  	(v2sf) =	vpush v0, $0x9;
	[tilespmem:s9], [sflag:$0x2] =	stream.linear.gather [hbm4b:s6+s2], $0x80, $0x38;
	[tilespmem:$0x12000] =	vst v63  }
0xd4: {  	s11 =	sand.u32 $0x1FFFFFF0, s25;
	s12 =	spop (v2sf);
	s9 =	sadd.s32 s3, s23  }
0xd5: {  	(v2sf) =	vpush v0, $0xA;
	s25 =	simm.s32 $0xA280;
	s31 =	sand.u32 $0x1FFFFFF0, s12;
	s8 =	spop (v2sf)  }
0xd6: {  	[tilespmem:s14], [sflag:$0x2] =	stream.linear.gather [hbm4b:s9+s2], $0x80, $0x38;
	[tilespmem:$0x12000] =	vst v63  }
0xd7: {  	s11 =	sadd.s32 s3, s11;
	(v2sf) =	vpush v0, $0xB;
	s9 =	sadd.s32 s3, s31;
	s13 =	sand.u32 $0x1FFFFFF0, s8  }
0xd8: {  	[tilespmem:s26], [sflag:$0x2] =	stream.linear.gather [hbm4b:s11+s2], $0x80, $0x38;
	[tilespmem:$0x12000] =	vst v63  }
0xd9: {  	s14 =	spop (v2sf);
	s31 =	simm.s32 $0xA380;
	s8 =	simm.s32 $0xA400  }
0xda: {  	[tilespmem:s5], [sflag:$0x2] =	stream.linear.gather [hbm4b:s9+s2], $0x80, $0x38;
	[tilespmem:$0x12000] =	vst v63  }
0xdb: {  	s23 =	spop (v2sf);
	s11 =	sand.u32 $0x1FFFFFF0, s14;
	s9 =	sadd.s32 s3, s13  }
0xdc: {  	[tilespmem:s4], [sflag:$0x2] =	stream.linear.gather [hbm4b:s9+s2], $0x80, $0x38;
	[tilespmem:$0x12000] =	vst v63  }
0xdd: {  	s26 =	sand.u32 $0x1FFFFFF0, s23;
	s23 =	simm.s32 $0x10;
	s11 =	sadd.s32 s3, s11  }
0xde: {  	[tilespmem:s25], [sflag:$0x2] =	stream.linear.gather [hbm4b:s11+s2], $0x80, $0x38;
	[tilespmem:$0x12000] =	vst v63  }
0xdf: {  	s9 =	sadd.s32 s3, s26;
	s26 =	simm.s32 $0xA780;
	s5 =	spop (v2sf)  }
0xe0: {  	[tilespmem:s10], [sflag:$0x2] =	stream.linear.gather [hbm4b:s9+s2], $0x80, $0x38;
	[tilespmem:$0x12000] =	vst v63  }
0xe1: {  	s25 =	sadd.s32 s0, s1;
	s10 =	sand.u32 $0x1FFFFFF0, s5;
	s11 =	spop (v2sf)  }
0xe2: {  	s12 =	sadd.s32 s3, s10;
	s0 =	sand.u32 $0x1FFFFFF0, s11;
	s13 =	spop (v2sf)  }
0xe3: {  	[tilespmem:s31], [sflag:$0x2] =	stream.linear.gather [hbm4b:s12+s2], $0x80, $0x38;
	[tilespmem:$0x12000] =	vst v63  }
.Ltmp6:
0xe4: {  	s0 =	sadd.s32 s3, s0;
	s14 =	spop (v2sf);
	(pc) =	sbr.rel @!p1 .LBB2_8-.Ltmp6, $4  }
0xe5: {  	(v2sf) =	vpush v0, $0xC;
	[tilespmem:s8], [sflag:$0x2] =	stream.linear.gather [hbm4b:s0+s2], $0x80, $0x38;
	[tilespmem:$0x12000] =	vst v63  }
0xe6: {  	(v2sf) =	vpush v0, $0xD;
	s1 =	sand.u32 $0x1FFFFFF0, s13;
	s31 =	spop (v2sf);
	s0 =	sand.u32 $0x1FFFFFF0, s14  }
0xe7: {  	(v2sf) =	vpush v0, $0xE;
	s1 =	sadd.s32 s3, s1;
	s6 =	sand.u32 $0x1FFFFFF0, s31;
	s4 =	sadd.s32 s3, s0  }
0xe8: {  	(v2sf) =	vpush v0, $0xF;
	[tilespmem:s7], [sflag:$0x2] =	stream.linear.gather [hbm4b:s1+s2], $0x80, $0x38;
	[tilespmem:$0x12000] =	vst v63  }
.LBB2_7:
0xe9: {  	_ =	sdelay $0x7  }
0xea: {  	[tilespmem:s24], [sflag:$0x2] =	stream.linear.gather [hbm4b:s4+s2], $0x80, $0x38;
	[tilespmem:$0x12000] =	vst v63  }
0xeb: {  	s9 =	sadd.s32 s3, s6  }
0xec: {  	[tilespmem:s29], [sflag:$0x2] =	stream.linear.gather [hbm4b:s9+s2], $0x80, $0x38;
	[tilespmem:$0x12000] =	vst v63  }
0xed: {  	s7 =	spop (v2sf)  }
0xee: {  	s0 =	sand.u32 $0x70, s23;
	s10 =	sand.u32 $0x1FFFFFF0, s7;
	s11 =	spop (v2sf)  }
0xef: {  	s12 =	sadd.s32 s3, s10;
	s13 =	sand.u32 $0x1FFFFFF0, s11;
	s14 =	spop (v2sf)  }
0xf0: {  	[tilespmem:s30], [sflag:$0x2] =	stream.linear.gather [hbm4b:s12+s2], $0x80, $0x38;
	[tilespmem:$0x12000] =	vst v63  }
0xf1: {  	s24 =	sadd.s32 s3, s13;
	s31 =	sand.u32 $0x1FFFFFF0, s14;
	s5 =	spop (v2sf)  }
0xf2: {  	[tilespmem:s28], [sflag:$0x2] =	stream.linear.gather [hbm4b:s24+s2], $0x80, $0x38;
	[tilespmem:$0x12000] =	vst v63  }
0xf3: {  	s8 =	sadd.s32 $0xA700, s22;
	s6 =	sadd.s32 s3, s31;
	s7 =	sand.u32 $0x1FFFFFF0, s5  }
0xf4: {  	[tilespmem:s8], [sflag:$0x2] =	stream.linear.gather [hbm4b:s6+s2], $0x80, $0x38;
	[tilespmem:$0x12000] =	vst v63  }
0xf5: {  	s0 =	sadd.s32 s0, s25;
	s9 =	sadd.s32 s3, s7  }
0xf6: {  	[tilespmem:s26], [sflag:$0x2] =	stream.linear.gather [hbm4b:s9+s2], $0x80, $0x38;
	[tilespmem:$0x12000] =	vst v63  }
0xf7: {  	v0 =	vld [tilespmem:s0+$0x0];
	_ =	sdelay $0x4  }
0xf8: {  	v0 =	vshll.u32 v0, $0x4  }
0xf9: {  	(v2sf) =	vpush v0, $0x0  }
0xfa: {  	(v2sf) =	vpush v0, $0x1  }
0xfb: {  	(v2sf) =	vpush v0, $0x2;
	_ =	sdelay $0x1  }
0xfc: {  	(v2sf) =	vpush v0, $0x3;
	_ =	sdelay $0x1  }
0xfd: {  	(v2sf) =	vpush v0, $0x4  }
0xfe: {  	p1 =	sne.s32 s21, $0x1E000  }
0xff: {  	s1 =	smov.u32 s21;
	s21 =	sadd.s32 $0x2000, s21;
	s22 =	sshra.s32 s19, $0x2;
	(v2sf) =	vpush v0, $0x5  }
0x100: {  	s20 =	sadd.s32 $0x80, s20;
	s23 =	sadd.s32 $0x10, s23;
	s4 =	sadd.s32 $0xA380, s22  }
0x101: {  	s19 =	smov.u32 s1;
	s29 =	sadd.s32 $0xA580, s22;
	s11 =	rddreg [dreg:$0x3];
	(v2sf) =	vpush v0, $0x6  }
0x102: {  	s12 =	sadd.s32 $0xA000, s22;
	s13 =	sadd.s32 $0xA280, s22;
	s30 =	sadd.s32 $0xA600, s22  }
0x103: {  	s31 =	sadd.s32 $0xA400, s22;
	s7 =	sadd.s32 $0xA200, s22;
	s24 =	sadd.s32 $0xA500, s22;
	(v2sf) =	vpush v0, $0x7  }
0x104: {  	s28 =	sadd.s32 $0xA680, s22;
	s6 =	sadd.s32 $0xA300, s22;
	s8 =	sadd.s32 $0xA100, s22  }
0x105: {  	s9 =	sand.u32 $0x400, s20;
	s26 =	sadd.s32 $0xA780, s22;
	s0 =	sadd.s32 $0xA480, s22;
	(v2sf) =	vpush v0, $0x8  }
0x106: {  	s25 =	sadd.s32 s9, s11;
	s9 =	sadd.s32 $0xA180, s22;
	s10 =	spop (v2sf)  }
0x107: {  	s11 =	sadd.s32 $0xA080, s22;
	(v2sf) =	vpush v0, $0x9;
	s1 =	sand.u32 $0x1FFFFFF0, s10;
	s14 =	spop (v2sf)  }
0x108: {  	s14 =	sand.u32 $0x1FFFFFF0, s14;
	s10 =	spop (v2sf);
	s1 =	sadd.s32 s3, s1  }
0x109: {  	(v2sf) =	vpush v0, $0xA;
	[tilespmem:s12], [sflag:$0x2] =	stream.linear.gather [hbm4b:s1+s2], $0x80, $0x38;
	[tilespmem:$0x12000] =	vst v63  }
0x10a: {  	s10 =	sand.u32 $0x1FFFFFF0, s10;
	s5 =	spop (v2sf);
	(v2sf) =	vpush v0, $0xB;
	s12 =	sadd.s32 s3, s14  }
0x10b: {  	[tilespmem:s11], [sflag:$0x2] =	stream.linear.gather [hbm4b:s12+s2], $0x80, $0x38;
	[tilespmem:$0x12000] =	vst v63  }
0x10c: {  	s5 =	sand.u32 $0x1FFFFFF0, s5;
	s14 =	spop (v2sf);
	s11 =	sadd.s32 s3, s10  }
0x10d: {  	[tilespmem:s8], [sflag:$0x2] =	stream.linear.gather [hbm4b:s11+s2], $0x80, $0x38;
	[tilespmem:$0x12000] =	vst v63  }
0x10e: {  	s12 =	sand.u32 $0x1FFFFFF0, s14;
	s14 =	spop (v2sf);
	s8 =	sadd.s32 s3, s5  }
0x10f: {  	[tilespmem:s9], [sflag:$0x2] =	stream.linear.gather [hbm4b:s8+s2], $0x80, $0x38;
	[tilespmem:$0x12000] =	vst v63  }
0x110: {  	s12 =	sadd.s32 s3, s12;
	s5 =	sand.u32 $0x1FFFFFF0, s14;
	s11 =	spop (v2sf)  }
0x111: {  	[tilespmem:s7], [sflag:$0x2] =	stream.linear.gather [hbm4b:s12+s2], $0x80, $0x38;
	[tilespmem:$0x12000] =	vst v63  }
0x112: {  	s14 =	spop (v2sf);
	s10 =	sadd.s32 s3, s5;
	s8 =	sand.u32 $0x1FFFFFF0, s11  }
0x113: {  	[tilespmem:s13], [sflag:$0x2] =	stream.linear.gather [hbm4b:s10+s2], $0x80, $0x38;
	[tilespmem:$0x12000] =	vst v63  }
0x114: {  	s11 =	sand.u32 $0x1FFFFFF0, s14;
	s12 =	spop (v2sf);
	s13 =	sadd.s32 s3, s8  }
0x115: {  	[tilespmem:s6], [sflag:$0x2] =	stream.linear.gather [hbm4b:s13+s2], $0x80, $0x38;
	[tilespmem:$0x12000] =	vst v63  }
0x116: {  	s9 =	sadd.s32 s3, s11;
	s7 =	sand.u32 $0x1FFFFFF0, s12;
	s14 =	spop (v2sf)  }
0x117: {  	[tilespmem:s4], [sflag:$0x2] =	stream.linear.gather [hbm4b:s9+s2], $0x80, $0x38;
	[tilespmem:$0x12000] =	vst v63  }
.Ltmp7:
0x118: {  	s12 =	sadd.s32 s3, s7;
	s11 =	spop (v2sf);
	(pc) =	sbr.rel @p1 .LBB2_7-.Ltmp7, $4  }
0x119: {  	(v2sf) =	vpush v0, $0xC;
	s10 =	sand.u32 $0x1FFFFFF0, s14;
	s13 =	sand.u32 $0x1FFFFFF0, s11;
	s14 =	spop (v2sf)  }
0x11a: {  	(v2sf) =	vpush v0, $0xD;
	[tilespmem:s31], [sflag:$0x2] =	stream.linear.gather [hbm4b:s12+s2], $0x80, $0x38;
	[tilespmem:$0x12000] =	vst v63  }
0x11b: {  	(v2sf) =	vpush v0, $0xE;
	s31 =	sadd.s32 s3, s10;
	s4 =	sadd.s32 s3, s13;
	s6 =	sand.u32 $0x1FFFFFF0, s14  }
0x11c: {  	(v2sf) =	vpush v0, $0xF;
	[tilespmem:s0], [sflag:$0x2] =	stream.linear.gather [hbm4b:s31+s2], $0x80, $0x38;
	[tilespmem:$0x12000] =	vst v63  }
.LBB2_8:
0x11d: {  	_ =	sdelay $0x7  }
0x11e: {  	[tilespmem:s24], [sflag:$0x2] =	stream.linear.gather @p0 [hbm4b:s4+s2], $0x80, $0x38;
	[tilespmem:$0x12000] =	vst v63  }
0x11f: {  	s4 =	sadd.s32 @p0 s3, s6  }
0x120: {  	[tilespmem:s29], [sflag:$0x2] =	stream.linear.gather @p0 [hbm4b:s4+s2], $0x80, $0x38;
	[tilespmem:$0x12000] =	vst v63  }
0x121: {  	s1 =	spop @p0 (v2sf)  }
0x122: {  	s0 =	sand.u32 $0x70, s23;
	s1 =	sand.u32 @p0 $0x1FFFFFF0, s1;
	s5 =	spop @p0 (v2sf)  }
0x123: {  	s1 =	sadd.s32 @p0 s3, s1;
	s4 =	sand.u32 @p0 $0x1FFFFFF0, s5;
	s5 =	spop @p0 (v2sf)  }
0x124: {  	[tilespmem:s30], [sflag:$0x2] =	stream.linear.gather @p0 [hbm4b:s1+s2], $0x80, $0x38;
	[tilespmem:$0x12000] =	vst v63  }
0x125: {  	s1 =	sadd.s32 @p0 s3, s4;
	s4 =	sand.u32 @p0 $0x1FFFFFF0, s5;
	s5 =	spop @p0 (v2sf)  }
0x126: {  	[tilespmem:s28], [sflag:$0x2] =	stream.linear.gather @p0 [hbm4b:s1+s2], $0x80, $0x38;
	[tilespmem:$0x12000] =	vst v63  }
0x127: {  	s4 =	sadd.s32 @p0 s3, s4;
	s5 =	sand.u32 @p0 $0x1FFFFFF0, s5;
	s1 =	sadd.s32 @p0 $0xA700, s22  }
0x128: {  	[tilespmem:s1], [sflag:$0x2] =	stream.linear.gather @p0 [hbm4b:s4+s2], $0x80, $0x38;
	[tilespmem:$0x12000] =	vst v63  }
0x129: {  	s0 =	sadd.s32 s0, s25;
	s1 =	sadd.s32 @p0 s3, s5  }
0x12a: {  	[tilespmem:s26], [sflag:$0x2] =	stream.linear.gather @p0 [hbm4b:s1+s2], $0x80, $0x38;
	[tilespmem:$0x12000] =	vst v63  }
0x12b: {  	v0 =	vld [tilespmem:s0+$0x0];
	_ =	sdelay $0x4  }
0x12c: {  	v0 =	vshll.u32 v0, $0x4  }
0x12d: {  	(v2sf) =	vpush v0, $0x0  }
0x12e: {  	(v2sf) =	vpush v0, $0x1  }
0x12f: {  	(v2sf) =	vpush v0, $0x2;
	_ =	sdelay $0x1  }
0x130: {  	(v2sf) =	vpush v0, $0x3;
	_ =	sdelay $0x1  }
0x131: {  	(v2sf) =	vpush v0, $0x4;
	_ =	sdelay $0x1  }
0x132: {  	(v2sf) =	vpush v0, $0x5;
	_ =	sdelay $0x1  }
0x133: {  	s0 =	sshra.s32 s19, $0x2;
	(v2sf) =	vpush v0, $0x6  }
0x134: {  	s5 =	sadd.s32 $0xA200, s0;
	s6 =	sadd.s32 $0xA480, s0  }
0x135: {  	s1 =	sadd.s32 $0xA500, s0;
	s8 =	sadd.s32 $0xA000, s0;
	s9 =	sadd.s32 $0xA300, s0;
	(v2sf) =	vpush v0, $0x7  }
0x136: {  	s10 =	sadd.s32 $0xA380, s0;
	s11 =	sadd.s32 $0xA280, s0;
	s12 =	sadd.s32 $0xA400, s0  }
0x137: {  	s13 =	sadd.s32 $0xA180, s0;
	s7 =	sadd.s32 $0xA580, s0;
	s19 =	sadd.s32 $0xA080, s0;
	(v2sf) =	vpush v0, $0x8  }
0x138: {  	s4 =	sadd.s32 $0xA680, s0;
	s21 =	sadd.s32 $0xA600, s0;
	s14 =	spop (v2sf)  }
0x139: {  	s24 =	sadd.s32 $0xA100, s0;
	(v2sf) =	vpush v0, $0x9;
	s20 =	spop (v2sf);
	s14 =	sand.u32 $0x1FFFFFF0, s14  }
0x13a: {  	s20 =	sand.u32 $0x1FFFFFF0, s20;
	s25 =	spop (v2sf);
	s14 =	sadd.s32 s3, s14  }
0x13b: {  	(v2sf) =	vpush v0, $0xA;
	[tilespmem:s8], [sflag:$0x2] =	stream.linear.gather [hbm4b:s14+s2], $0x80, $0x38;
	[tilespmem:$0x12000] =	vst v63  }
0x13c: {  	s26 =	sand.u32 $0x1FFFFFF0, s25;
	s28 =	spop (v2sf);
	s20 =	sadd.s32 s3, s20  }
0x13d: {  	(v2sf) =	vpush v0, $0xB;
	[tilespmem:s19], [sflag:$0x2] =	stream.linear.gather [hbm4b:s20+s2], $0x80, $0x38;
	[tilespmem:$0x12000] =	vst v63  }
0x13e: {  	s14 =	sand.u32 $0x1FFFFFF0, s28;
	s29 =	spop (v2sf);
	s8 =	sadd.s32 s3, s26  }
0x13f: {  	(v2sf) =	vpush v0, $0xC;
	[tilespmem:s24], [sflag:$0x2] =	stream.linear.gather [hbm4b:s8+s2], $0x80, $0x38;
	[tilespmem:$0x12000] =	vst v63  }
0x140: {  	s30 =	sand.u32 $0x1FFFFFF0, s29;
	s31 =	spop (v2sf);
	s14 =	sadd.s32 s3, s14  }
0x141: {  	(v2sf) =	vpush v0, $0xD;
	[tilespmem:s13], [sflag:$0x2] =	stream.linear.gather [hbm4b:s14+s2], $0x80, $0x38;
	[tilespmem:$0x12000] =	vst v63  }
0x142: {  	s19 =	sand.u32 $0x1FFFFFF0, s31;
	s20 =	spop (v2sf);
	s8 =	sadd.s32 s3, s30  }
0x143: {  	(v2sf) =	vpush v0, $0xE;
	[tilespmem:s5], [sflag:$0x2] =	stream.linear.gather [hbm4b:s8+s2], $0x80, $0x38;
	[tilespmem:$0x12000] =	vst v63  }
0x144: {  	s22 =	sand.u32 $0x1FFFFFF0, s20;
	s23 =	spop (v2sf);
	s13 =	sadd.s32 s3, s19  }
0x145: {  	(v2sf) =	vpush v0, $0xF;
	[tilespmem:s11], [sflag:$0x2] =	stream.linear.gather [hbm4b:s13+s2], $0x80, $0x38;
	[tilespmem:$0x12000] =	vst v63  }
0x146: {  	s24 =	spop (v2sf);
	s8 =	sand.u32 $0x1FFFFFF0, s23;
	s5 =	sadd.s32 s3, s22  }
0x147: {  	[tilespmem:s9], [sflag:$0x2] =	stream.linear.gather [hbm4b:s5+s2], $0x80, $0x38;
	[tilespmem:$0x12000] =	vst v63  }
0x148: {  	s25 =	sand.u32 $0x1FFFFFF0, s24;
	s8 =	sadd.s32 s3, s8;
	s26 =	spop (v2sf)  }
0x149: {  	[tilespmem:s10], [sflag:$0x2] =	stream.linear.gather [hbm4b:s8+s2], $0x80, $0x38;
	[tilespmem:$0x12000] =	vst v63  }
0x14a: {  	s5 =	sadd.s32 s3, s25;
	s28 =	sand.u32 $0x1FFFFFF0, s26;
	s29 =	spop (v2sf)  }
0x14b: {  	[tilespmem:s12], [sflag:$0x2] =	stream.linear.gather [hbm4b:s5+s2], $0x80, $0x38;
	[tilespmem:$0x12000] =	vst v63  }
0x14c: {  	s30 =	sand.u32 $0x1FFFFFF0, s29;
	s31 =	spop (v2sf);
	s8 =	sadd.s32 s3, s28  }
0x14d: {  	[tilespmem:s6], [sflag:$0x2] =	stream.linear.gather [hbm4b:s8+s2], $0x80, $0x38;
	[tilespmem:$0x12000] =	vst v63  }
0x14e: {  	s9 =	spop (v2sf);
	s5 =	sadd.s32 s3, s30;
	s8 =	sand.u32 $0x1FFFFFF0, s31  }
0x14f: {  	[tilespmem:s1], [sflag:$0x2] =	stream.linear.gather [hbm4b:s5+s2], $0x80, $0x38;
	[tilespmem:$0x12000] =	vst v63  }
0x150: {  	s11 =	sand.u32 $0x1FFFFFF0, s9;
	s12 =	spop (v2sf);
	s10 =	sadd.s32 s3, s8  }
0x151: {  	[tilespmem:s7], [sflag:$0x2] =	stream.linear.gather [hbm4b:s10+s2], $0x80, $0x38;
	[tilespmem:$0x12000] =	vst v63  }
0x152: {  	s13 =	sadd.s32 s3, s11;
	s14 =	sand.u32 $0x1FFFFFF0, s12;
	s19 =	spop (v2sf)  }
0x153: {  	[tilespmem:s21], [sflag:$0x2] =	stream.linear.gather [hbm4b:s13+s2], $0x80, $0x38;
	[tilespmem:$0x12000] =	vst v63  }
0x154: {  	s20 =	sadd.s32 s3, s14;
	s22 =	spop (v2sf);
	s21 =	sand.u32 $0x1FFFFFF0, s19  }
0x155: {  	[tilespmem:s4], [sflag:$0x2] =	stream.linear.gather [hbm4b:s20+s2], $0x80, $0x38;
	[tilespmem:$0x12000] =	vst v63  }
0x156: {  	s23 =	sadd.s32 $0xA700, s0;
	s25 =	sand.u32 $0x1FFFFFF0, s22;
	s24 =	sadd.s32 s3, s21  }
0x157: {  	[tilespmem:s23], [sflag:$0x2] =	stream.linear.gather [hbm4b:s24+s2], $0x80, $0x38;
	[tilespmem:$0x12000] =	vst v63  }
0x158: {  	p0 =	seq.s32 s16, $0xF;
	s0 =	sadd.s32 $0xA780, s0;
	s26 =	sadd.s32 s3, s25  }
0x159: {  	[tilespmem:s0], [sflag:$0x2] =	stream.linear.gather [hbm4b:s26+s2], $0x80, $0x38;
	[tilespmem:$0x12000] =	vst v63  }
.Ltmp8:
0x15a: {  	s28 =	simm.s32 $0x1;
	(pc) =	sbr.rel @p0 .LBB2_12-.Ltmp8, $4  }
0x15b: {  	_ =	swait.ge [sflag:s28], $0x8000  }
0x15c: {  	s29 =	sshll.u32 s16, $0xD;
	[sflag:s28] =	ssyncset.done $0x0;
	s30 =	rddreg [dreg:$0x6]  }
0x15d: {  	s31 =	simm.s32 $0x2000;
	[sflag:s28] =	ssyncadd.s32 $0xFFFF8000;
	s0 =	sadd.s32 s29, s30  }
0x15e: {  	[hbm4b:s0+s2] =	stream.linear.scatter [tilespmem:s31], [sflag:$0x3], $0x8000, $0x38;
	[tilespmem:$0x12000] =	vst v63  }
0x15f: {  	s0 =	sadd.s32 $0x2, s18  }
0x160: {  	s1 =	sshll.u32 s0, $0x8;
	s0 =	sshll.u32 s0, $0x7  }
0x161: {  	s1 =	sand.u32 $0x3800, s1;
	s0 =	sand.u32 $0x300, s0  }
0x162: {  	s5 =	simm.s32 $0x3;
	s0 =	sor.u32 s0, s1  }
0x163: {  	s30 =	simm.s32 $0x0;
	_ =	swait.ge [sflag:s5], $0x8000;
	[dreg:$0x4] =	wrdreg s0  }
0x164: {  	s4 =	sand.u32 $0x400, s30;
	s0 =	rddreg [dreg:$0x4]  }
0x165: {  	[sflag:s5] =	ssyncset.done $0x0;
	s1 =	sand.u32 $0x70, s30;
	s0 =	sadd.s32 s4, s0  }
0x166: {  	[sflag:s5] =	ssyncadd.s32 $0xFFFF8000;
	s0 =	sadd.s32 s1, s0  }
0x167: {  	v0 =	vld [tilespmem:s0+$0x0];
	_ =	sdelay $0x4  }
0x168: {  	v0 =	vshll.u32 v0, $0x4  }
0x169: {  	(v2sf) =	vpush v0, $0x0  }
0x16a: {  	(v2sf) =	vpush v0, $0x1  }
0x16b: {  	(v2sf) =	vpush v0, $0x2;
	_ =	sdelay $0x2  }
0x16c: {  	(v2sf) =	vpush v0, $0x3;
	_ =	sdelay $0x1  }
0x16d: {  	(v2sf) =	vpush v0, $0x4;
	_ =	sdelay $0x1  }
0x16e: {  	(v2sf) =	vpush v0, $0x5;
	_ =	sdelay $0x1  }
0x16f: {  	s19 =	simm.s32 $0x80;
	(v2sf) =	vpush v0, $0x6  }
0x170: {  	s18 =	simm.s32 $0x2000;
	s20 =	simm.s32 $0x4000;
	s21 =	simm.s32 $0x0  }
0x171: {  	s31 =	simm.s32 $0x2200;
	s22 =	simm.s32 $0x2500;
	s7 =	simm.s32 $0x2000  }
0x172: {  	s10 =	simm.s32 $0x2080;
	s12 =	simm.s32 $0x2100;
	s14 =	simm.s32 $0x2180  }
0x173: {  	s28 =	simm.s32 $0x2580;
	s29 =	simm.s32 $0x2600;
	s6 =	spop (v2sf)  }
0x174: {  	s5 =	simm.s32 $0x2480;
	s6 =	sand.u32 $0x1FFFFFF0, s6;
	s8 =	spop (v2sf)  }
0x175: {  	s1 =	rddreg [dreg:$0x4];
	(v2sf) =	vpush v0, $0x7;
	s9 =	spop (v2sf);
	s6 =	sadd.s32 s3, s6  }
0x176: {  	(v2sf) =	vpush v0, $0x8;
	[tilespmem:s7], [sflag:$0x1] =	stream.linear.gather [hbm4b:s6+s2], $0x80, $0x38;
	[tilespmem:$0x12000] =	vst v63  }
0x177: {  	s0 =	sand.u32 $0x400, s19;
	s8 =	sand.u32 $0x1FFFFFF0, s8;
	(v2sf) =	vpush v0, $0x9;
	s11 =	sand.u32 $0x1FFFFFF0, s9  }
0x178: {  	s8 =	sadd.s32 s3, s8;
	s13 =	spop (v2sf);
	s9 =	simm.s32 $0x2400  }
0x179: {  	(v2sf) =	vpush v0, $0xA;
	[tilespmem:s10], [sflag:$0x1] =	stream.linear.gather [hbm4b:s8+s2], $0x80, $0x38;
	[tilespmem:$0x12000] =	vst v63  }
0x17a: {  	s7 =	sadd.s32 s3, s11;
	s23 =	sand.u32 $0x1FFFFFF0, s13;
	s24 =	spop (v2sf);
	(v2sf) =	vpush v0, $0xB  }
0x17b: {  	[tilespmem:s12], [sflag:$0x1] =	stream.linear.gather [hbm4b:s7+s2], $0x80, $0x38;
	[tilespmem:$0x12000] =	vst v63  }
0x17c: {  	s8 =	sand.u32 $0x1FFFFFF0, s24;
	s25 =	spop (v2sf);
	s7 =	sadd.s32 s3, s23  }
0x17d: {  	[tilespmem:s14], [sflag:$0x1] =	stream.linear.gather [hbm4b:s7+s2], $0x80, $0x38;
	[tilespmem:$0x12000] =	vst v63  }
0x17e: {  	s26 =	sand.u32 $0x1FFFFFF0, s25;
	s30 =	spop (v2sf);
	s8 =	sadd.s32 s3, s8  }
0x17f: {  	[tilespmem:s31], [sflag:$0x1] =	stream.linear.gather [hbm4b:s8+s2], $0x80, $0x38;
	[tilespmem:$0x12000] =	vst v63  }
0x180: {  	s6 =	sadd.s32 s3, s26;
	s7 =	sand.u32 $0x1FFFFFF0, s30;
	s31 =	simm.s32 $0x2280  }
0x181: {  	[tilespmem:s31], [sflag:$0x1] =	stream.linear.gather [hbm4b:s6+s2], $0x80, $0x38;
	[tilespmem:$0x12000] =	vst v63  }
0x182: {  	s25 =	sadd.s32 s0, s1;
	s7 =	sadd.s32 s3, s7;
	s6 =	simm.s32 $0x2300  }
0x183: {  	[tilespmem:s6], [sflag:$0x1] =	stream.linear.gather [hbm4b:s7+s2], $0x80, $0x38;
	[tilespmem:$0x12000] =	vst v63  }
0x184: {  	s23 =	simm.s32 $0x2780;
	s26 =	simm.s32 $0x2680;
	s10 =	spop (v2sf)  }
0x185: {  	s8 =	simm.s32 $0x2380;
	s11 =	sand.u32 $0x1FFFFFF0, s10;
	s12 =	spop (v2sf)  }
0x186: {  	s1 =	sand.u32 $0x1FFFFFF0, s12;
	s13 =	spop (v2sf);
	s0 =	sadd.s32 s3, s11  }
0x187: {  	[tilespmem:s8], [sflag:$0x1] =	stream.linear.gather [hbm4b:s0+s2], $0x80, $0x38;
	[tilespmem:$0x12000] =	vst v63  }
0x188: {  	s14 =	sand.u32 $0x1FFFFFF0, s13;
	s1 =	sadd.s32 s3, s1;
	s24 =	spop (v2sf)  }
0x189: {  	(v2sf) =	vpush v0, $0xC;
	s0 =	sadd.s32 s3, s14;
	s30 =	sand.u32 $0x1FFFFFF0, s24;
	s31 =	spop (v2sf)  }
0x18a: {  	(v2sf) =	vpush v0, $0xD;
	[tilespmem:s9], [sflag:$0x1] =	stream.linear.gather [hbm4b:s1+s2], $0x80, $0x38;
	[tilespmem:$0x12000] =	vst v63  }
0x18b: {  	(v2sf) =	vpush v0, $0xE;
	s24 =	simm.s32 $0x10;
	s6 =	sadd.s32 s3, s30;
	s4 =	sand.u32 $0x1FFFFFF0, s31  }
0x18c: {  	(v2sf) =	vpush v0, $0xF;
	[tilespmem:s5], [sflag:$0x1] =	stream.linear.gather [hbm4b:s0+s2], $0x80, $0x38;
	[tilespmem:$0x12000] =	vst v63  }
.LBB2_10:
0x18d: {  	_ =	sdelay $0x7  }
0x18e: {  	[tilespmem:s22], [sflag:$0x1] =	stream.linear.gather [hbm4b:s6+s2], $0x80, $0x38;
	[tilespmem:$0x12000] =	vst v63  }
0x18f: {  	s4 =	sadd.s32 s3, s4  }
0x190: {  	[tilespmem:s28], [sflag:$0x1] =	stream.linear.gather [hbm4b:s4+s2], $0x80, $0x38;
	[tilespmem:$0x12000] =	vst v63  }
0x191: {  	s5 =	spop (v2sf)  }
0x192: {  	s0 =	sand.u32 $0x70, s24;
	s5 =	sand.u32 $0x1FFFFFF0, s5;
	s8 =	spop (v2sf)  }
0x193: {  	s9 =	sadd.s32 s3, s5;
	s10 =	sand.u32 $0x1FFFFFF0, s8;
	s11 =	spop (v2sf)  }
0x194: {  	[tilespmem:s29], [sflag:$0x1] =	stream.linear.gather [hbm4b:s9+s2], $0x80, $0x38;
	[tilespmem:$0x12000] =	vst v63  }
0x195: {  	s12 =	sadd.s32 s3, s10;
	s13 =	sand.u32 $0x1FFFFFF0, s11;
	s14 =	spop (v2sf)  }
0x196: {  	[tilespmem:s26], [sflag:$0x1] =	stream.linear.gather [hbm4b:s12+s2], $0x80, $0x38;
	[tilespmem:$0x12000] =	vst v63  }
0x197: {  	s22 =	sadd.s32 $0x2700, s21;
	s5 =	sadd.s32 s3, s13;
	s6 =	sand.u32 $0x1FFFFFF0, s14  }
0x198: {  	[tilespmem:s22], [sflag:$0x1] =	stream.linear.gather [hbm4b:s5+s2], $0x80, $0x38;
	[tilespmem:$0x12000] =	vst v63  }
0x199: {  	s0 =	sadd.s32 s0, s25;
	s25 =	sadd.s32 s3, s6  }
0x19a: {  	[tilespmem:s23], [sflag:$0x1] =	stream.linear.gather [hbm4b:s25+s2], $0x80, $0x38;
	[tilespmem:$0x12000] =	vst v63  }
0x19b: {  	v0 =	vld [tilespmem:s0+$0x0];
	_ =	sdelay $0x4  }
0x19c: {  	v0 =	vshll.u32 v0, $0x4  }
0x19d: {  	(v2sf) =	vpush v0, $0x0  }
0x19e: {  	(v2sf) =	vpush v0, $0x1  }
0x19f: {  	(v2sf) =	vpush v0, $0x2;
	_ =	sdelay $0x1  }
0x1a0: {  	(v2sf) =	vpush v0, $0x3;
	_ =	sdelay $0x1  }
0x1a1: {  	(v2sf) =	vpush v0, $0x4  }
0x1a2: {  	p0 =	sne.s32 s20, $0x1E000  }
0x1a3: {  	s1 =	smov.u32 s20;
	s20 =	sadd.s32 $0x2000, s20;
	s21 =	sshra.s32 s18, $0x2;
	(v2sf) =	vpush v0, $0x5  }
0x1a4: {  	s19 =	sadd.s32 $0x80, s19;
	s24 =	sadd.s32 $0x10, s24;
	s7 =	sadd.s32 $0x2200, s21  }
0x1a5: {  	s30 =	sadd.s32 $0x2400, s21;
	s18 =	smov.u32 s1;
	s4 =	sadd.s32 $0x2380, s21;
	(v2sf) =	vpush v0, $0x6  }
0x1a6: {  	s28 =	sadd.s32 $0x2580, s21;
	s8 =	rddreg [dreg:$0x4];
	s9 =	sadd.s32 $0x2000, s21  }
0x1a7: {  	s29 =	sadd.s32 $0x2600, s21;
	s11 =	sadd.s32 $0x2100, s21;
	s13 =	sadd.s32 $0x2280, s21;
	(v2sf) =	vpush v0, $0x7  }
0x1a8: {  	s26 =	sand.u32 $0x400, s19;
	s6 =	sadd.s32 $0x2300, s21;
	s22 =	sadd.s32 $0x2500, s21  }
0x1a9: {  	s5 =	sadd.s32 $0x2180, s21;
	s23 =	sadd.s32 $0x2780, s21;
	s25 =	sadd.s32 s26, s8;
	(v2sf) =	vpush v0, $0x8  }
0x1aa: {  	s8 =	sadd.s32 $0x2080, s21;
	s26 =	sadd.s32 $0x2680, s21;
	s31 =	spop (v2sf)  }
0x1ab: {  	s0 =	sadd.s32 $0x2480, s21;
	(v2sf) =	vpush v0, $0x9;
	s1 =	sand.u32 $0x1FFFFFF0, s31;
	s10 =	spop (v2sf)  }
0x1ac: {  	s10 =	sand.u32 $0x1FFFFFF0, s10;
	s12 =	spop (v2sf);
	s1 =	sadd.s32 s3, s1  }
0x1ad: {  	(v2sf) =	vpush v0, $0xA;
	[tilespmem:s9], [sflag:$0x1] =	stream.linear.gather [hbm4b:s1+s2], $0x80, $0x38;
	[tilespmem:$0x12000] =	vst v63  }
0x1ae: {  	s12 =	sand.u32 $0x1FFFFFF0, s12;
	s14 =	spop (v2sf);
	(v2sf) =	vpush v0, $0xB;
	s10 =	sadd.s32 s3, s10  }
0x1af: {  	[tilespmem:s8], [sflag:$0x1] =	stream.linear.gather [hbm4b:s10+s2], $0x80, $0x38;
	[tilespmem:$0x12000] =	vst v63  }
0x1b0: {  	s9 =	sand.u32 $0x1FFFFFF0, s14;
	s31 =	spop (v2sf);
	s8 =	sadd.s32 s3, s12  }
0x1b1: {  	[tilespmem:s11], [sflag:$0x1] =	stream.linear.gather [hbm4b:s8+s2], $0x80, $0x38;
	[tilespmem:$0x12000] =	vst v63  }
0x1b2: {  	s12 =	sand.u32 $0x1FFFFFF0, s31;
	s14 =	spop (v2sf);
	s31 =	sadd.s32 s3, s9  }
0x1b3: {  	[tilespmem:s5], [sflag:$0x1] =	stream.linear.gather [hbm4b:s31+s2], $0x80, $0x38;
	[tilespmem:$0x12000] =	vst v63  }
0x1b4: {  	s9 =	sand.u32 $0x1FFFFFF0, s14;
	s12 =	sadd.s32 s3, s12;
	s11 =	spop (v2sf)  }
0x1b5: {  	[tilespmem:s7], [sflag:$0x1] =	stream.linear.gather [hbm4b:s12+s2], $0x80, $0x38;
	[tilespmem:$0x12000] =	vst v63  }
0x1b6: {  	s10 =	sadd.s32 s3, s9;
	s14 =	sand.u32 $0x1FFFFFF0, s11;
	s31 =	spop (v2sf)  }
0x1b7: {  	[tilespmem:s13], [sflag:$0x1] =	stream.linear.gather [hbm4b:s10+s2], $0x80, $0x38;
	[tilespmem:$0x12000] =	vst v63  }
0x1b8: {  	s11 =	sand.u32 $0x1FFFFFF0, s31;
	s12 =	spop (v2sf);
	s13 =	sadd.s32 s3, s14  }
0x1b9: {  	[tilespmem:s6], [sflag:$0x1] =	stream.linear.gather [hbm4b:s13+s2], $0x80, $0x38;
	[tilespmem:$0x12000] =	vst v63  }
0x1ba: {  	s9 =	sadd.s32 s3, s11;
	s14 =	sand.u32 $0x1FFFFFF0, s12;
	s31 =	spop (v2sf)  }
0x1bb: {  	[tilespmem:s4], [sflag:$0x1] =	stream.linear.gather [hbm4b:s9+s2], $0x80, $0x38;
	[tilespmem:$0x12000] =	vst v63  }
.Ltmp9:
0x1bc: {  	s12 =	sadd.s32 s3, s14;
	s11 =	spop (v2sf);
	(pc) =	sbr.rel @p0 .LBB2_10-.Ltmp9, $4  }
0x1bd: {  	(v2sf) =	vpush v0, $0xC;
	s10 =	sand.u32 $0x1FFFFFF0, s31;
	s13 =	sand.u32 $0x1FFFFFF0, s11;
	s14 =	spop (v2sf)  }
0x1be: {  	(v2sf) =	vpush v0, $0xD;
	[tilespmem:s30], [sflag:$0x1] =	stream.linear.gather [hbm4b:s12+s2], $0x80, $0x38;
	[tilespmem:$0x12000] =	vst v63  }
0x1bf: {  	(v2sf) =	vpush v0, $0xE;
	s31 =	sadd.s32 s3, s10;
	s6 =	sadd.s32 s3, s13;
	s4 =	sand.u32 $0x1FFFFFF0, s14  }
0x1c0: {  	(v2sf) =	vpush v0, $0xF;
	[tilespmem:s0], [sflag:$0x1] =	stream.linear.gather [hbm4b:s31+s2], $0x80, $0x38;
	[tilespmem:$0x12000] =	vst v63  }
0x1c1: {  	_ =	sdelay $0x7  }
0x1c2: {  	[tilespmem:s22], [sflag:$0x1] =	stream.linear.gather [hbm4b:s6+s2], $0x80, $0x38;
	[tilespmem:$0x12000] =	vst v63  }
0x1c3: {  	s4 =	sadd.s32 s3, s4  }
0x1c4: {  	[tilespmem:s28], [sflag:$0x1] =	stream.linear.gather [hbm4b:s4+s2], $0x80, $0x38;
	[tilespmem:$0x12000] =	vst v63  }
0x1c5: {  	s1 =	spop (v2sf)  }
0x1c6: {  	s0 =	sand.u32 $0x70, s24;
	s1 =	sand.u32 $0x1FFFFFF0, s1;
	s5 =	spop (v2sf)  }
0x1c7: {  	s1 =	sadd.s32 s3, s1;
	s12 =	sand.u32 $0x1FFFFFF0, s5;
	s13 =	spop (v2sf)  }
0x1c8: {  	[tilespmem:s29], [sflag:$0x1] =	stream.linear.gather [hbm4b:s1+s2], $0x80, $0x38;
	[tilespmem:$0x12000] =	vst v63  }
0x1c9: {  	s14 =	sadd.s32 s3, s12;
	s19 =	sand.u32 $0x1FFFFFF0, s13;
	s20 =	spop (v2sf)  }
0x1ca: {  	[tilespmem:s26], [sflag:$0x1] =	stream.linear.gather [hbm4b:s14+s2], $0x80, $0x38;
	[tilespmem:$0x12000] =	vst v63  }
0x1cb: {  	s22 =	sadd.s32 $0x2700, s21;
	s4 =	sadd.s32 s3, s19;
	s5 =	sand.u32 $0x1FFFFFF0, s20  }
0x1cc: {  	[tilespmem:s22], [sflag:$0x1] =	stream.linear.gather [hbm4b:s4+s2], $0x80, $0x38;
	[tilespmem:$0x12000] =	vst v63  }
0x1cd: {  	s0 =	sadd.s32 s0, s25;
	s24 =	sadd.s32 s3, s5  }
0x1ce: {  	[tilespmem:s23], [sflag:$0x1] =	stream.linear.gather [hbm4b:s24+s2], $0x80, $0x38;
	[tilespmem:$0x12000] =	vst v63  }
0x1cf: {  	v0 =	vld [tilespmem:s0+$0x0];
	_ =	sdelay $0x4  }
0x1d0: {  	v0 =	vshll.u32 v0, $0x4  }
0x1d1: {  	(v2sf) =	vpush v0, $0x0  }
0x1d2: {  	(v2sf) =	vpush v0, $0x1  }
0x1d3: {  	(v2sf) =	vpush v0, $0x2;
	_ =	sdelay $0x1  }
0x1d4: {  	(v2sf) =	vpush v0, $0x3;
	_ =	sdelay $0x1  }
0x1d5: {  	(v2sf) =	vpush v0, $0x4;
	_ =	sdelay $0x1  }
0x1d6: {  	(v2sf) =	vpush v0, $0x5;
	_ =	sdelay $0x1  }
0x1d7: {  	(v2sf) =	vpush v0, $0x6  }
0x1d8: {  	s0 =	sshra.s32 s18, $0x2  }
0x1d9: {  	s25 =	sadd.s32 $0x2200, s0;
	s6 =	sadd.s32 $0x2480, s0;
	s1 =	sadd.s32 $0x2500, s0;
	(v2sf) =	vpush v0, $0x7  }
0x1da: {  	s8 =	sadd.s32 $0x2000, s0;
	s9 =	sadd.s32 $0x2300, s0;
	s10 =	sadd.s32 $0x2380, s0  }
0x1db: {  	s11 =	sadd.s32 $0x2280, s0;
	s12 =	sadd.s32 $0x2400, s0;
	s13 =	sadd.s32 $0x2180, s0;
	(v2sf) =	vpush v0, $0x8  }
0x1dc: {  	s7 =	sadd.s32 $0x2580, s0;
	s18 =	sadd.s32 $0x2080, s0;
	s14 =	spop (v2sf)  }
0x1dd: {  	s26 =	sadd.s32 $0x2100, s0;
	(v2sf) =	vpush v0, $0x9;
	s19 =	spop (v2sf);
	s14 =	sand.u32 $0x1FFFFFF0, s14  }
0x1de: {  	s19 =	sand.u32 $0x1FFFFFF0, s19;
	s28 =	spop (v2sf);
	s14 =	sadd.s32 s3, s14  }
0x1df: {  	(v2sf) =	vpush v0, $0xA;
	[tilespmem:s8], [sflag:$0x1] =	stream.linear.gather [hbm4b:s14+s2], $0x80, $0x38;
	[tilespmem:$0x12000] =	vst v63  }
0x1e0: {  	s29 =	sand.u32 $0x1FFFFFF0, s28;
	s30 =	spop (v2sf);
	s19 =	sadd.s32 s3, s19  }
0x1e1: {  	(v2sf) =	vpush v0, $0xB;
	[tilespmem:s18], [sflag:$0x1] =	stream.linear.gather [hbm4b:s19+s2], $0x80, $0x38;
	[tilespmem:$0x12000] =	vst v63  }
0x1e2: {  	s14 =	sand.u32 $0x1FFFFFF0, s30;
	s31 =	spop (v2sf);
	s8 =	sadd.s32 s3, s29  }
0x1e3: {  	(v2sf) =	vpush v0, $0xC;
	[tilespmem:s26], [sflag:$0x1] =	stream.linear.gather [hbm4b:s8+s2], $0x80, $0x38;
	[tilespmem:$0x12000] =	vst v63  }
0x1e4: {  	s19 =	sand.u32 $0x1FFFFFF0, s31;
	s21 =	spop (v2sf);
	s14 =	sadd.s32 s3, s14  }
0x1e5: {  	(v2sf) =	vpush v0, $0xD;
	[tilespmem:s13], [sflag:$0x1] =	stream.linear.gather [hbm4b:s14+s2], $0x80, $0x38;
	[tilespmem:$0x12000] =	vst v63  }
0x1e6: {  	s22 =	sand.u32 $0x1FFFFFF0, s21;
	s23 =	spop (v2sf);
	s8 =	sadd.s32 s3, s19  }
0x1e7: {  	[tilespmem:s25], [sflag:$0x1] =	stream.linear.gather [hbm4b:s8+s2], $0x80, $0x38;
	[tilespmem:$0x12000] =	vst v63  }
0x1e8: {  	s24 =	sand.u32 $0x1FFFFFF0, s23;
	s13 =	sadd.s32 s3, s22;
	s25 =	spop (v2sf)  }
0x1e9: {  	(v2sf) =	vpush v0, $0xE;
	[tilespmem:s11], [sflag:$0x1] =	stream.linear.gather [hbm4b:s13+s2], $0x80, $0x38;
	[tilespmem:$0x12000] =	vst v63  }
0x1ea: {  	s5 =	sadd.s32 s3, s24;
	s8 =	sand.u32 $0x1FFFFFF0, s25;
	s26 =	spop (v2sf)  }
0x1eb: {  	(v2sf) =	vpush v0, $0xF;
	[tilespmem:s9], [sflag:$0x1] =	stream.linear.gather [hbm4b:s5+s2], $0x80, $0x38;
	[tilespmem:$0x12000] =	vst v63  }
0x1ec: {  	s28 =	sand.u32 $0x1FFFFFF0, s26;
	s8 =	sadd.s32 s3, s8;
	s29 =	spop (v2sf)  }
0x1ed: {  	[tilespmem:s10], [sflag:$0x1] =	stream.linear.gather [hbm4b:s8+s2], $0x80, $0x38;
	[tilespmem:$0x12000] =	vst v63  }
0x1ee: {  	s5 =	sadd.s32 s3, s28;
	s30 =	sand.u32 $0x1FFFFFF0, s29;
	s31 =	spop (v2sf)  }
0x1ef: {  	[tilespmem:s12], [sflag:$0x1] =	stream.linear.gather [hbm4b:s5+s2], $0x80, $0x38;
	[tilespmem:$0x12000] =	vst v63  }
0x1f0: {  	s10 =	sand.u32 $0x1FFFFFF0, s31;
	s11 =	spop (v2sf);
	s8 =	sadd.s32 s3, s30  }
0x1f1: {  	[tilespmem:s6], [sflag:$0x1] =	stream.linear.gather [hbm4b:s8+s2], $0x80, $0x38;
	[tilespmem:$0x12000] =	vst v63  }
0x1f2: {  	s13 =	spop (v2sf);
	s5 =	sadd.s32 s3, s10;
	s12 =	sand.u32 $0x1FFFFFF0, s11  }
0x1f3: {  	[tilespmem:s1], [sflag:$0x1] =	stream.linear.gather [hbm4b:s5+s2], $0x80, $0x38;
	[tilespmem:$0x12000] =	vst v63  }
0x1f4: {  	s18 =	sand.u32 $0x1FFFFFF0, s13;
	s19 =	spop (v2sf);
	s14 =	sadd.s32 s3, s12  }
0x1f5: {  	[tilespmem:s7], [sflag:$0x1] =	stream.linear.gather [hbm4b:s14+s2], $0x80, $0x38;
	[tilespmem:$0x12000] =	vst v63  }
0x1f6: {  	s20 =	sadd.s32 $0x2600, s0;
	s21 =	sadd.s32 s3, s18;
	s22 =	sand.u32 $0x1FFFFFF0, s19  }
0x1f7: {  	[tilespmem:s20], [sflag:$0x1] =	stream.linear.gather [hbm4b:s21+s2], $0x80, $0x38;
	[tilespmem:$0x12000] =	vst v63  }
0x1f8: {  	s4 =	sadd.s32 $0x2680, s0;
	s23 =	spop (v2sf);
	s24 =	sadd.s32 s3, s22  }
0x1f9: {  	[tilespmem:s4], [sflag:$0x1] =	stream.linear.gather [hbm4b:s24+s2], $0x80, $0x38;
	[tilespmem:$0x12000] =	vst v63  }
.Ltmp10:
0x1fa: {  	s25 =	sand.u32 $0x1FFFFFF0, s23;
	s26 =	spop (v2sf);
	(pc) =	sbr.rel .LBB2_12-.Ltmp10, $4  }
0x1fb: {  	s28 =	sadd.s32 $0x2700, s0;
	s29 =	sadd.s32 s3, s25;
	s30 =	sand.u32 $0x1FFFFFF0, s26  }
0x1fc: {  	[tilespmem:s28], [sflag:$0x1] =	stream.linear.gather [hbm4b:s29+s2], $0x80, $0x38;
	[tilespmem:$0x12000] =	vst v63  }
0x1fd: {  	s0 =	sadd.s32 $0x2780, s0;
	s31 =	sadd.s32 s3, s30  }
0x1fe: {  	[tilespmem:s0], [sflag:$0x1] =	stream.linear.gather [hbm4b:s31+s2], $0x80, $0x38;
	[tilespmem:$0x12000] =	vst v63  }
.LBB2_5:
.Ltmp11:
0x1ff: {  	(pc) =	sbr.rel .LBB2_8-.Ltmp11, $2  }
0x200: {  	_ =	sdelay $0x2  }
0x201: {  	s23 =	simm.s32 $0x0;
	s19 =	simm.s32 $0x0  }
.LBB2_14:
0x202: {  	_ =	sfence.sel $0x180000  }
0x203: {  	[bflag:$0x0] =	sbarrier.arrive $0xFFFF  }
0x204: {  	_ =	strace $0x90000047  }
0x205: {  	s0 =	stileid.u32;
	[bflag:$0x2] =	sbarrier.arrive $0xFFFF  }
0x206: {  	p0 =	sne.s32 s0, $0x0;
	s0 =	rddreg [dreg:$0x2]  }
0x207: {  	s0 =	sadd.s32 @!p0 $0x100000, s0  }
0x208: {  	[sflag:s0] =	ssyncadd.tile.s32 @!p0 $0x1;
	_ =	shalt  }
.Lfunc_end2:
_tile_overlayer_lowered:
.L_overlay_start_2:
0x209: {  	(tag) =	ssettag $0x2  }
0x20a: {  	s0 =	rddreg [dreg:$0x0];
	s2 =	stileid.u32  }
0x20b: {  	s1 =	rddreg [dreg:$0x1];
	p0 =	sne.s32 s2, $0x0  }
0x20c: {  	s3 =	rddreg [dreg:$0x2];
	[bflag:$0x3] =	sbarrier.arrive $0xFFFF;
	s2 =	simm.s32 @!p0 $0x1C05  }
0x20d: {  	[timem:s3], [sflag:s2] =	dma.local @!p0 [hbm:s0], s1  }
0x20e: {  	s0 =	simm.s32 @!p0 $0x5  }
0x20f: {  	_ =	swait.ge @!p0 [sflag:s0], s1  }
0x210: {  	s1 =	ssub.s32 @!p0 $0x0, s1;
	[sflag:s0] =	ssyncset.done @!p0 $0x0  }
0x211: {  	[sflag:s0] =	ssyncadd.s32 @!p0 s1  }
0x212: {  	[bflag:$0x3] =	sbarrier.arrive $0xFFFF  }
0x213: {  	_ =	shalt  }

// kernel: sparse-core-data-format-call.cloned.1.call-start
scs
called_computation_lowered:
.L_overlay_start_0:
0x0: {  	s2 =	sld [smem:$0x3FD9]  }
0x1: {  	s3 =	sld [smem:$0x3FFE];
	_ =	sdelay $0x1  }
0x2: {  	s1 =	srdreg.scid  }
0x3: {  	s0 =	sand.u32 $0x1, s1  }
0x4: {  	s18 =	sshll.u32 s0, $0xA;
	s2 =	sadd.s32 s3, s2  }
0x5: {  	s2 =	sadd.s32 s2, s18  }
0x6: {  	[smem:$0x3FC6] =	sst s2  }
0x7: {  	_ = 	snop  }
0x8: {  	s2 =	sld [smem:$0x3FD0];
	(tm) =	ssettm $0x1  }
0x9: {  	s19 =	sld [smem:$0x3FFB];
	_ =	sdelay $0x3  }
0xa: {  	_ =	strace s19  }
0xb: {  	s3 =	sld [smem:$0x3FFC];
	_ =	sdelay $0x3  }
0xc: {  	_ =	strace s3  }
0xd: {  	s3 =	sld [smem:$0x3FFD];
	_ =	sdelay $0x3  }
0xe: {  	_ =	strace s3  }
0xf: {  	_ =	strace $0x8FFFFFFF  }
0x10: {  	s20 =	sld [smem:$0x3FDB];
	_ =	sdelay $0x1  }
0x11: {  	s4 =	simm.s32 $_scs_section_size  }
0x12: {  	s5 =	simm.s32 $_size__tile_overlayer_lowered;
	s6 =	simm.s32 $_tile_overlayer_lowered  }
0x13: {  	s23 =	simm.s32 $0x1BFF;
	s22 =	sshll.u32 s6, $0x1;
	s3 =	sadd.s32 s4, s20  }
0x14: {  	s7 =	simm.s32 $0x0;
	s21 =	sshll.u32 s5, $0x1;
	s5 =	sadd.s32 s22, s3  }
0x15: {  	[timem:s7], [sflag:s23] =	dma.local [hbm:s5], s21  }
0x16: {  	_ =	swait.ge [sflag:s23], s21  }
0x17: {  	s4 =	ssub.s32 $0x0, s21;
	[sflag:s23] =	ssyncset.done $0x0  }
0x18: {  	[sflag:s23] =	ssyncadd.s32 s4;
	_ =	sdelay $0x1  }
0x19: {  	s24 =	simm.s32 $0x1B8B  }
0x1a: {  	_ =	swait.ge [sflag:s24], $0x1  }
0x1b: {  	[sflag:s24] =	ssyncset.done $0x0  }
0x1c: {  	s26 =	simm.s32 $0x1B8E;
	s25 =	sld [smem:$0x3FFE];
	[sflag:s24] =	ssyncadd.s32 $0xFFFFFFFF  }
0x1d: {  	s27 =	simm.s32 $execute0_lowered;
	[smem:$0x3FD2] =	sst s26  }
0x1e: {  	s5 =	sshll.u32 s27, $0x1;
	_ =	strace $0x80000049;
	[dreg:$0x1] =	wrdreg $0xFFFFFFFF  }
0x1f: {  	s28 =	simm.s32 $_size_execute0_lowered;
	s3 =	sadd.s32 s3, s5;
	[dreg:$0x0] =	wrdreg $0x0  }
0x20: {  	s5 =	sshll.u32 s28, $0x1;
	[dreg:$0x2] =	wrdreg s3  }
0x21: {  	[dreg:$0x3] =	wrdreg s5  }
0x22: {  	[dreg:$0x4] =	wrdreg $0xC0  }
0x23: {  	_ =	task [dreg:s7], $0x5FFFF  }
0x24: {  	[dreg:$0x1] =	wrdreg $0xFFFFFFFF  }
0x25: {  	[dreg:$0x0] =	wrdreg $0x60  }
0x26: {  	[dreg:$0x2] =	wrdreg s25  }
0x27: {  	[dreg:$0x3] =	wrdreg s2  }
0x28: {  	[dreg:$0x4] =	wrdreg $0x9  }
0x29: {  	_ =	task.clear_ibuf [dreg:s7], $0x5FFFF;
	_ =	strace $0x90000049  }
0x2a: {  	s29 =	simm.s32 $0x9;
	_ =	strace $0x8000004B  }
0x2b: {  	_ =	swait.ge [sflag:s29], $0x1  }
0x2c: {  	[sflag:s29] =	ssyncadd.s32 $0xFFFFFFFF  }
0x2d: {  	_ =	strace $0x9000004B  }
0x2e: {  	_ =	sfence  }
0x2f: {  	s30 =	sld [smem:$0x0];
	_ =	sdelay $0x2  }
0x30: {  	s31 =	sshll.u32 s1, $0xD;
	s1 =	sshrl.u32 s1, $0x2  }
0x31: {  	s3 =	sand.u32 $0x4000, s31;
	s1 =	sadd.s32 s1, s30  }
0x32: {  	s0 =	sor.u32 s3, s0;
	s1 =	sshll.u32 s1, $0x11  }
0x33: {  	s0 =	sor.u32 s1, s0  }
0x34: {  	s0 =	sadd.s32 $0x8F2B, s0  }
0x35: {  	[sflag:s0] =	ssyncadd.remote.s32 $0x1  }
0x36: {  	_ =	sfence.sel $0xFFFF  }
0x37: {  	[dreg:$0x0] =	wrdreg $0xFFFFFFFF;
	(pc) =	sbr.abs _section_cstart, $3  }
0x38: {  	[dreg:$0x1] =	wrdreg $0xFFFFFFFF  }
0x39: {  	_ =	task.clear_ibuf [dreg:s7], $0x2FFFF;
	_ =	strace $0x9FFFFFFF  }
0x3a: {  	(tm) =	ssettm $0x7FFFFFFF  }
0x3b: {  	_ =	shalt  }
tec
execute0_lowered:
.L_overlay_start_1:
0x0: {  	(tag) =	ssettag $0x1  }
0x1: {  	s0 =	srdreg.scid  }
0x2: {  	s1 =	sshll.u32 s0, $0x4  }
0x3: {  	s6 =	rddreg [dreg:$0x0];
	s0 =	stileid.u32;
	s1 =	sand.u32 $0x10, s1  }
0x4: {  	s3 =	rddreg [dreg:$0x1];
	s5 =	simm.s32 $0x1;
	s1 =	sor.u32 s0, s1  }
0x5: {  	s31 =	simm.s32 $0x2;
	s12 =	simm.s32 $0x0;
	s2 =	sshll.u32 s1, $0x7  }
0x6: {  	s8 =	simm.s32 $0x20000;
	s13 =	simm.s32 $0x0;
	s4 =	ssub.s32 $0x4000, s2  }
0x7: {  	s9 =	simm.s32 $0x0;
	s11 =	simm.s32 $0x0;
	s30 =	sand.u32 $0xF80, s4  }
.Ltmp0:
0x8: {  	s6 =	sadd.s32 $0xF42C00, s6;
	p0 =	sne.s32 s30, $0x0;
	(pc) =	sbr.rel .LBB1_1-.Ltmp0, $4  }
0x9: {  	s1 =	rddreg [dreg:$0x2];
	s7 =	sshrl.u32 s4, $0xC;
	s5 =	simm.s32 @!p0 $0x0  }
0xa: {  	_ =	strace $0x8000004A;
	s4 =	simm.s32 $0x1;
	s5 =	sadd.s32 s5, s7  }
0xb: {  	s10 =	smov.u32 s2;
	[sflag:s4] =	ssyncpa.u1 $0x0;
	s5 =	sshll.u32 s5, $0x4  }
0xc: {  	[sflag:s31] =	ssyncpa.u1 $0x0;
	p0 =	por $0x0, $0x0;
	s7 =	sor.u32 $0x1, s5  }
.LBB1_4:
0xd: {  	s16 =	sshll.u32 s13, $0x3;
	s17 =	sand.u32 $0x78, s13  }
0xe: {  	s30 =	sand.u32 $0x1F800, s13;
	s12 =	sshll.u32 s12, $0x11;
	s16 =	sand.u32 $0x3C00, s16  }
0xf: {  	[tilespmem:s15+$0x810 ss:$0x81] =	vst.msk $0xffff, v2;
	s31 =	sand.u32 $0x7, s13;
	s16 =	sor.u32 s17, s16;
	s17 =	sadd.s32 s3, s30  }
0x10: {  	[tilespmem:s15+$0x1020 ss:$0x81] =	vst.msk $0xffff, v0;
	s13 =	sshll.u32 s31, $0x12;
	s12 =	sadd.s32 s12, s17;
	s16 =	sshrl.u32 s16, $0x3  }
0x11: {  	[tilespmem:s15+$0x0 ss:$0x81] =	vst.msk $0xffff, v1;
	s13 =	sor.u32 $0x400, s13;
	s12 =	sadd.s32 s16, s12  }
0x12: {  	[hbm4b:s12+s13] =	stream.strided.scatter [tilespmem:s14], [sflag:$0x2], $0x2000, s8, s13, $0x20;
	[tilespmem:$0x8080] =	vst v63  }
.LBB1_5:
0x13: {  	s14 =	sadd.s32 $0x1, s9  }
0x14: {  	s12 =	sadd.s32 $0x1000, s10;
	s16 =	smov.u32 s10;
	p2 =	sgt.s32 s14, $0xF  }
0x15: {  	s16 =	smov.u32 @p2 s12  }
0x16: {  	s14 =	simm.s32 @p2 $0x0;
	p2 =	sgt.s32 s16, $0x3FFF  }
0x17: {  	s16 =	smov.u32 @p2 s2;
	p2 =	sne.s32 s11, s7  }
.Ltmp1:
0x18: {  	p1 =	slt.u32 s11, $0x2;
	(pc) =	sbr.rel @!p2 .LBB1_6-.Ltmp1, $4  }
0x19: {  	s15 =	simm.s32 @!p1 $0x2  }
0x1a: {  	s13 =	smov.u32 s10;
	p0 =	por !p0, !p0;
	_ =	swait.ge @!p1 [sflag:s15], $0x2000  }
0x1b: {  	s12 =	smov.u32 s9;
	[sflag:s15] =	ssyncset.done @!p1 $0x0;
	s9 =	smov.u32 s14  }
0x1c: {  	s11 =	sadd.s32 $0x1, s11;
	[sflag:s15] =	ssyncadd.s32 @!p1 $0xFFFFE000;
	s10 =	smov.u32 s16  }
.LBB1_1:
0x1d: {  	p1 =	sge.u32 s11, s5  }
0x1e: {  	s31 =	sadd.s32 $0xFFFFFFFF, s11;
	s14 =	sxor.u32 @!p1 $0xFFFFFFFF, s11  }
0x1f: {  	s15 =	sshll.u32 @!p1 s10, $0x8;
	s16 =	sshll.u32 @!p1 s9, $0x4;
	s17 =	simm.s32 @!p1 $0x800  }
0x20: {  	s14 =	sshll.u32 @!p1 s14, $0xD;
	s16 =	sand.u32 @!p1 $0xF0, s16;
	s15 =	sadd.s32 @!p1 s6, s15  }
0x21: {  	s14 =	sand.u32 @!p1 $0x2000, s14;
	s15 =	sadd.s32 @!p1 s16, s15;
	s16 =	simm.s32 @!p1 $0x40  }
0x22: {  	[tilespmem:s14], [sflag:$0x1] =	stream.strided.gather @!p1 [hbm4b:s15+s16], $0x2000, s17, s16, $0x38;
	[tilespmem:$0x8080] =	vst v63  }
0x23: {  	p1 =	sge.u32 s31, s5  }
.Ltmp2:
0x24: {  	_ = 	snop;
	(pc) =	sbr.rel @p1 .LBB1_5-.Ltmp2, $1  }
0x25: {  	_ =	sdelay $0x3  }
0x26: {  	s14 =	simm.s32 $0x1  }
0x27: {  	_ =	swait.ge [sflag:s4], $0x2000;
	s14 =	simm.s32 @!p0 $0x0  }
0x28: {  	[sflag:s4] =	ssyncset.done $0x0;
	s15 =	sshll.u32 s14, $0xD  }
0x29: {  	[sflag:s4] =	ssyncadd.s32 $0xFFFFE000;
	s18 =	sor.u32 $0x20, s15  }
0x2a: {  	s14 =	smul.u32 $0x8100, s14;
	v3 =	vld [tilespmem:s18+$0x10]  }
0x2b: {  	s30 =	sand.u32 $0x1, s11;
	v2 =	vld [tilespmem:s18+$0xFFFFFFF0]  }
0x2c: {  	s15 =	smul.u32 $0x8100, s30;
	s14 =	sshrl.u32 s14, $0x2;
	v0 =	vld [tilespmem:s18+$0x0]  }
0x2d: {  	v1 =	vld [tilespmem:s18+$0xFFFFFFE0];
	s16 =	sor.u32 $0x4000, s14  }
0x2e: {  	s31 =	sshrl.u32 s15, $0x2;
	s15 =	sadd.s32 $0x0, s16  }
0x2f: {  	s17 =	simm.s32 $0x4;
	s18 =	sadd.s32 $0x40, s18;
	s14 =	sor.u32 $0x4000, s31;
	[tilespmem:s15+$0x1830 ss:$0x81] =	vst.msk $0xffff, v3  }
.LBB1_3:
0x30: {  	v3 =	vld [tilespmem:s18+$0x10];
	p1 =	sne.s32 s17, $0x1FC;
	[tilespmem:s15+$0x810 ss:$0x81] =	vst.msk $0xffff, v2;
	s19 =	smov.u32 s17;
	s17 =	sadd.s32 $0x4, s17  }
.Ltmp3:
0x31: {  	v2 =	vld [tilespmem:s18+$0xFFFFFFF0];
	[tilespmem:s15+$0x1020 ss:$0x81] =	vst.msk $0xffff, v0;
	(pc) =	sbr.rel @p1 .LBB1_3-.Ltmp3, $4  }
0x32: {  	v0 =	vld [tilespmem:s18+$0x0];
	[tilespmem:s15+$0x0 ss:$0x81] =	vst.msk $0xffff, v1  }
0x33: {  	s15 =	sshra.s32 s19, $0x2;
	v1 =	vld [tilespmem:s18+$0xFFFFFFE0]  }
0x34: {  	s15 =	sadd.s32 s15, s16  }
0x35: {  	s18 =	sadd.s32 $0x40, s18;
	[tilespmem:s15+$0x1830 ss:$0x81] =	vst.msk $0xffff, v3  }
.Ltmp4:
0x36: {  	_ = 	snop;
	(pc) =	sbr.rel .LBB1_4-.Ltmp4, $1  }
0x37: {  	_ =	sdelay $0x3  }
.LBB1_6:
0x38: {  	_ =	sfence.sel $0x180000  }
0x39: {  	s2 =	simm.s32 $0x1;
	[bflag:$0x0] =	sbarrier.arrive $0xFFFF  }
0x3a: {  	s31 =	simm.s32 $0x2;
	[sflag:s2] =	ssyncpa.u1 $0x1  }
0x3b: {  	[sflag:s31] =	ssyncpa.u1 $0x1  }
0x3c: {  	p0 =	sne.s32 s0, $0x0;
	_ =	strace $0x9000004A  }
0x3d: {  	s0 =	sadd.s32 @!p0 $0x100000, s1;
	[bflag:$0x2] =	sbarrier.arrive $0xFFFF  }
0x3e: {  	[sflag:s0] =	ssyncadd.tile.s32 @!p0 $0x1;
	_ =	shalt  }
.Lfunc_end1:
_tile_overlayer_lowered:
.L_overlay_start_2:
0x3f: {  	(tag) =	ssettag $0x2  }
0x40: {  	s0 =	rddreg [dreg:$0x0];
	s2 =	stileid.u32  }
0x41: {  	s1 =	rddreg [dreg:$0x1];
	p0 =	sne.s32 s2, $0x0  }
0x42: {  	s3 =	rddreg [dreg:$0x2];
	[bflag:$0x3] =	sbarrier.arrive $0xFFFF;
	s2 =	simm.s32 @!p0 $0x1C01  }
0x43: {  	[timem:s3], [sflag:s2] =	dma.local @!p0 [hbm:s0], s1  }
0x44: {  	s0 =	simm.s32 @!p0 $0x1  }
0x45: {  	_ =	swait.ge @!p0 [sflag:s0], s1  }
0x46: {  	s1 =	ssub.s32 @!p0 $0x0, s1;
	[sflag:s0] =	ssyncset.done @!p0 $0x0  }
0x47: {  	[sflag:s0] =	ssyncadd.s32 @!p0 s1  }
0x48: {  	[bflag:$0x3] =	sbarrier.arrive $0xFFFF  }
0x49: {  	_ =	shalt  }

</sc_bundles>
